<compile_context>
chip_gen: v7x
topology: tpu7x:2x2x1
jax: 0.10.2.dev20260603
libtpu: 0.0.44.dev20260713+nightly
codegen_flags: <defaults>
</compile_context>

<pallas_src>
import dataclasses
import functools

import jax
import jax.numpy as jnp
from jax import lax
from jax.experimental import pallas as pl
from jax.experimental.pallas import tpu as pltpu
from jax.experimental.pallas import tpu_sc as plsc

NC = 2
NS = 16
DH = 64
VPR = DH // 16


def _sc_aggregate(feat2, src3d, dst3d, w3d, n):
    nch, chunk = src3d.shape[1:]
    zrows = 640
    npad = NS * zrows
    zfull, zrem = divmod(zrows, chunk)
    assert npad >= n and zrem % 8 == 0

    mesh = plsc.VectorSubcoreMesh(
        core_axis_name="c", subcore_axis_name="s", num_cores=NC, num_subcores=NS
    )
    cp = pltpu.CompilerParams()
    if "needs_layout_passes" in pltpu.CompilerParams.__dataclass_fields__:
        cp = dataclasses.replace(cp, needs_layout_passes=False)
    if "use_tc_tiling_on_sc" in pltpu.CompilerParams.__dataclass_fields__:
        cp = dataclasses.replace(cp, use_tc_tiling_on_sc=False)

    nbuf = 4
    main_end = max(0, ((nch - 2) // nbuf) * nbuf)

    @functools.partial(
        pl.kernel,
        out_type=jax.ShapeDtypeStruct((NC, npad, DH), jnp.float32),
        mesh=mesh,
        compiler_params=cp,
        scratch_types=[
            pltpu.VMEM((nch, chunk), jnp.int32),
            pltpu.VMEM((nch, chunk), jnp.int32),
            pltpu.VMEM((nch * chunk,), jnp.float32),
            [pltpu.VMEM((chunk, DH), jnp.float32)] * nbuf,
            [pltpu.SemaphoreType.DMA] * nbuf,
            [pltpu.SemaphoreType.DMA] * nbuf,
            pltpu.VMEM_SHARED((npad, DH), jnp.float32),
        ],
    )
    def agg_kernel(feat_hbm, src_hbm, dst_hbm, w_hbm, out_hbm,
                   src_v, dst_v, w_v, bufs, gsems, ssems, acc):
        cid = lax.axis_index("c")
        sid = lax.axis_index("s")

        pltpu.sync_copy(src_hbm.at[sid], src_v)
        pltpu.sync_copy(dst_hbm.at[sid], dst_v)
        pltpu.sync_copy(w_hbm.at[sid], w_v)

        @pl.loop(0, nch)
        def _(r):
            for k in range(chunk // 16):
                sl = pl.ds(k * 16, 16)
                src_v[r, sl] = src_v[r, sl] * 2 + cid

        zero = jnp.zeros((16,), jnp.float32)

        @pl.loop(0, chunk)
        def _(r):
            for k in range(VPR):
                bufs[0][r, pl.ds(k * 16, 16)] = zero

        for i in range(zfull):
            pltpu.sync_copy(bufs[0], acc.at[pl.ds(sid * zrows + i * chunk, chunk)])
        if zrem:
            pltpu.sync_copy(
                bufs[0].at[pl.ds(0, zrem)],
                acc.at[pl.ds(sid * zrows + zfull * chunk, zrem)],
            )
        plsc.subcore_barrier()

        def gather_start(t, j):
            pltpu.async_copy(feat_hbm.at[src_v.at[t]], bufs[j], gsems[j])

        def gather_wait(t, j):
            pltpu.make_async_copy(feat_hbm.at[src_v.at[t]], bufs[j], gsems[j]).wait()

        def scatter_start(t, j):
            pltpu.async_copy(bufs[j], acc.at[dst_v.at[t]], ssems[j], add=True)

        def scatter_wait(t, j):
            pltpu.make_async_copy(bufs[j], acc.at[dst_v.at[t]], ssems[j]).wait()

        def scale(t, j):
            buf = bufs[j]
            base = jnp.full((16,), t * chunk, jnp.int32)

            @pl.loop(0, chunk, unroll=4)
            def _(r):
                wj = plsc.load_gather(w_v, [base + r])
                for k in range(VPR):
                    sl = pl.ds(k * 16, 16)
                    buf[r, sl] = buf[r, sl] * wj

        gather_start(0, 0)
        gather_start(1, 1)

        @pl.loop(0, main_end, step=nbuf)
        def _(t0):
            for j in range(nbuf):
                t = t0 + j
                j2 = (j + 2) % nbuf

                @pl.when(t >= 2)
                def _():
                    scatter_wait(t - 2, j2)

                @pl.when(t + 2 < nch)
                def _():
                    gather_start(t + 2, j2)

                gather_wait(t, j)
                scale(t, j)
                scatter_start(t, j)

        for t in range(main_end, nch):
            j = t % nbuf
            if t >= 2:
                scatter_wait(t - 2, (t + 2) % nbuf)
            if t + 2 < nch:
                gather_start(t + 2, (t + 2) % nbuf)
            gather_wait(t, j)
            scale(t, j)
            scatter_start(t, j)

        scatter_wait(nch - 2, (nch - 2) % nbuf)
        scatter_wait(nch - 1, (nch - 1) % nbuf)
        plsc.subcore_barrier()

        pltpu.sync_copy(
            acc.at[pl.ds(sid * zrows, zrows)],
            out_hbm.at[cid, pl.ds(sid * zrows, zrows)],
        )

    return agg_kernel(feat2, src3d, dst3d, w3d)


def _linear_body(p_ref, w_ref, b_ref, o_ref):
    y0 = lax.dot_general(
        p_ref[0], w_ref[:, 0:DH], (((1,), (1,)), ((), ())),
        preferred_element_type=jnp.float32,
    )
    y1 = lax.dot_general(
        p_ref[1], w_ref[:, DH:2 * DH], (((1,), (1,)), ((), ())),
        preferred_element_type=jnp.float32,
    )
    o_ref[...] = y0 + y1 + b_ref[...]


def _tc_linear(partials, W, b, n):
    nc, npad, dh = partials.shape
    d_out = W.shape[0]
    blk = 1000
    assert n % blk == 0
    return pl.pallas_call(
        _linear_body,
        grid=(n // blk,),
        in_specs=[
            pl.BlockSpec((nc, blk, dh), lambda i: (0, i, 0)),
            pl.BlockSpec((d_out, 2 * dh), lambda i: (0, 0)),
            pl.BlockSpec((1, d_out), lambda i: (0, 0)),
        ],
        out_specs=pl.BlockSpec((blk, d_out), lambda i: (i, 0)),
        out_shape=jax.ShapeDtypeStruct((n, d_out), jnp.float32),
    )(partials, W, b.reshape(1, d_out))


def kernel(features, edge_index, edge_weight, W, b):
    n, d = features.shape
    e = edge_weight.shape[0]
    assert d == 2 * DH
    dst = edge_index[0].astype(jnp.int32)
    src = edge_index[1].astype(jnp.int32)
    w = edge_weight.astype(jnp.float32)

    eps = e // NS
    assert eps * NS == e
    chunk = next(c for c in range(128, 7, -8) if eps % c == 0)
    nch = -(-eps // chunk)
    pad = nch * chunk - eps

    feat2 = features.reshape(2 * n, DH)
    src2 = src.reshape(NS, eps)
    dst2 = dst.reshape(NS, eps)
    w2 = w.reshape(NS, eps)
    if pad:
        zi = jnp.zeros((NS, pad), jnp.int32)
        src2 = jnp.concatenate([src2, zi], axis=1)
        dst2 = jnp.concatenate([dst2, zi], axis=1)
        w2 = jnp.concatenate([w2, jnp.zeros((NS, pad), jnp.float32)], axis=1)
    src3d = src2.reshape(NS, nch, chunk)
    dst3d = dst2.reshape(NS, nch, chunk)
    w3d = w2.reshape(NS, nch * chunk)

    partials = _sc_aggregate(feat2, src3d, dst3d, w3d, n)
    return _tc_linear(partials, W, b, n)

# --- scband reference (transcript-rebuilt; emitter-appended) ---
"""Pipeline reference for scband-graph-convolution-86457691668981 (READ-ONLY COPY).

The authoritative reference and input builder live on the scoring server;
editing this copy changes nothing except your own understanding.
"""

import jax, jax.numpy as jnp
import numpy as np

N = 10000
E = 320000
D_IN = 128
D_OUT = 128


def setup_inputs(seed: int = 0) -> dict:
    key = jax.random.key(seed)
    k1, k2, k3, k4, k5 = jax.random.split(key, 5)
    features = jax.random.normal(k1, (N, D_IN), dtype=jnp.float32)
    edge_index = jax.random.randint(k2, (2, E), 0, N, dtype=jnp.int64)
    edge_weight = jax.random.uniform(k3, (E,), dtype=jnp.float32)
    a = 1.0 / np.sqrt(D_OUT)
    W = jax.random.uniform(k4, (D_OUT, D_IN), minval=-a, maxval=a, dtype=jnp.float32)
    b = jax.random.uniform(k5, (D_OUT,), minval=-a, maxval=a, dtype=jnp.float32)
    return {"features": features, "edge_index": edge_index, "edge_weight": edge_weight, "W": W, "b": b}


def reference(features, edge_index, edge_weight, W, b):
    # torch.sparse.mm(adj, features): adj given in COO form (edge_index rows = [dst_row, src_col])
    dst = edge_index[0]
    src = edge_index[1]
    gathered = jnp.take(features, src, axis=0) * edge_weight[:, None]
    agg = jax.ops.segment_sum(gathered, dst, num_segments=N)
    # nn.Linear: out = agg @ W^T + b
    out = agg @ W.T + b
    return out

if __name__ == "__main__":
    import jax
    _d = setup_inputs()
    print(jax.jit(kernel)(*tuple(_d.values())))

</pallas_src>

<mosaic_0001>
#map = affine_map<(d0, d1) -> (0, 0)>
#map1 = affine_map<(d0, d1) -> (0, 0, 0)>
module attributes {stable_mosaic.version = 14 : i64} {
  func.func @agg_kernel(%arg0: i32, %arg1: i32, %arg2: memref<20000x64xf32, #tpu.memory_space<hbm>>, %arg3: memref<16x250x80xi32, #tpu.memory_space<hbm>>, %arg4: memref<16x250x80xi32, #tpu.memory_space<hbm>>, %arg5: memref<16x20000xf32, #tpu.memory_space<hbm>>, %arg6: memref<2x10240x64xf32, #tpu.memory_space<hbm>>, %arg7: memref<250x80xi32, #tpu.memory_space<vmem>>, %arg8: memref<250x80xi32, #tpu.memory_space<vmem>>, %arg9: memref<20000xf32, #tpu.memory_space<vmem>>, %arg10: memref<80x64xf32, #tpu.memory_space<vmem>>, %arg11: memref<80x64xf32, #tpu.memory_space<vmem>>, %arg12: memref<80x64xf32, #tpu.memory_space<vmem>>, %arg13: memref<80x64xf32, #tpu.memory_space<vmem>>, %arg14: memref<!tpu.dma_semaphore, #tpu.memory_space<semaphore_mem>>, %arg15: memref<!tpu.dma_semaphore, #tpu.memory_space<semaphore_mem>>, %arg16: memref<!tpu.dma_semaphore, #tpu.memory_space<semaphore_mem>>, %arg17: memref<!tpu.dma_semaphore, #tpu.memory_space<semaphore_mem>>, %arg18: memref<!tpu.dma_semaphore, #tpu.memory_space<semaphore_mem>>, %arg19: memref<!tpu.dma_semaphore, #tpu.memory_space<semaphore_mem>>, %arg20: memref<!tpu.dma_semaphore, #tpu.memory_space<semaphore_mem>>, %arg21: memref<!tpu.dma_semaphore, #tpu.memory_space<semaphore_mem>>, %arg22: memref<10240x64xf32, #tpu.memory_space<vmem_shared>>) attributes {dimension_semantics = [#tpu.dimension_semantics<core_parallel>, #tpu.dimension_semantics<subcore_parallel>], iteration_bounds = array<i64: 2, 16>, scalar_prefetch = 0 : i64, scratch_operands = 16 : i64, tpu.core_type = #tpu.core_type<sc_vector_subcore>, window_params = [{transform_indices = #map}, {transform_indices = #map1}, {transform_indices = #map1}, {transform_indices = #map}, {transform_indices = #map1}]} {
    "tpu.region"() ({
      %run_scoped3A = tpu.sem_alloc : memref<!tpu.dma_semaphore, #tpu.memory_space<semaphore_mem>>
      %dma_start3A_132 = arith.constant 0 : i32
      %dma_start3A_133 = arith.constant 0 : i32
      %dma_start3A_134 = tpu.memref_slice %arg3[%arg1, %dma_start3A_132, %dma_start3A_133] : memref<16x250x80xi32, #tpu.memory_space<hbm>> -> memref<1x250x80xi32, #tpu.memory_space<hbm>>
      %dma_start3A_135 = tpu.memref_squeeze %dma_start3A_134 : memref<1x250x80xi32, #tpu.memory_space<hbm>> -> memref<250x80xi32, #tpu.memory_space<hbm>>
      %dma_start3A_136 = arith.constant 0 : i32
      %dma_start3A_137 = arith.constant 0 : i32
      %dma_start3A_138 = tpu.memref_slice %arg3[%arg1, %dma_start3A_136, %dma_start3A_137] : memref<16x250x80xi32, #tpu.memory_space<hbm>> -> memref<1x250x80xi32, #tpu.memory_space<hbm>>
      %dma_start3A_139 = tpu.memref_squeeze %dma_start3A_138 : memref<1x250x80xi32, #tpu.memory_space<hbm>> -> memref<250x80xi32, #tpu.memory_space<hbm>>
      tpu.enqueue_dma source(%dma_start3A_139 : memref<250x80xi32, #tpu.memory_space<hbm>>) target(%arg7 : memref<250x80xi32, #tpu.memory_space<vmem>>) target_semaphore(%run_scoped3A : memref<!tpu.dma_semaphore, #tpu.memory_space<semaphore_mem>>)
      %dma_wait3A_140 = arith.constant 0 : i32
      %dma_wait3A_141 = arith.constant 0 : i32
      %dma_wait3A_142 = tpu.memref_slice %arg3[%arg1, %dma_wait3A_140, %dma_wait3A_141] : memref<16x250x80xi32, #tpu.memory_space<hbm>> -> memref<1x250x80xi32, #tpu.memory_space<hbm>>
      %dma_wait3A_143 = tpu.memref_squeeze %dma_wait3A_142 : memref<1x250x80xi32, #tpu.memory_space<hbm>> -> memref<250x80xi32, #tpu.memory_space<hbm>>
      %dma_wait3A_144 = arith.constant 0 : i32
      %dma_wait3A_145 = arith.constant 0 : i32
      %dma_wait3A_146 = tpu.memref_slice %arg3[%arg1, %dma_wait3A_144, %dma_wait3A_145] : memref<16x250x80xi32, #tpu.memory_space<hbm>> -> memref<1x250x80xi32, #tpu.memory_space<hbm>>
      %dma_wait3A_147 = tpu.memref_squeeze %dma_wait3A_146 : memref<1x250x80xi32, #tpu.memory_space<hbm>> -> memref<250x80xi32, #tpu.memory_space<hbm>>
      tpu.wait_dma2 semaphore(%run_scoped3A : memref<!tpu.dma_semaphore, #tpu.memory_space<semaphore_mem>>) src(%dma_wait3A_147 : memref<250x80xi32, #tpu.memory_space<hbm>>) dst(%arg7 : memref<250x80xi32, #tpu.memory_space<vmem>>)
      tpu.yield
    }) : () -> ()
    "tpu.region"() ({
      %run_scoped3A = tpu.sem_alloc : memref<!tpu.dma_semaphore, #tpu.memory_space<semaphore_mem>>
      %dma_start3A_132 = arith.constant 0 : i32
      %dma_start3A_133 = arith.constant 0 : i32
      %dma_start3A_134 = tpu.memref_slice %arg4[%arg1, %dma_start3A_132, %dma_start3A_133] : memref<16x250x80xi32, #tpu.memory_space<hbm>> -> memref<1x250x80xi32, #tpu.memory_space<hbm>>
      %dma_start3A_135 = tpu.memref_squeeze %dma_start3A_134 : memref<1x250x80xi32, #tpu.memory_space<hbm>> -> memref<250x80xi32, #tpu.memory_space<hbm>>
      %dma_start3A_136 = arith.constant 0 : i32
      %dma_start3A_137 = arith.constant 0 : i32
      %dma_start3A_138 = tpu.memref_slice %arg4[%arg1, %dma_start3A_136, %dma_start3A_137] : memref<16x250x80xi32, #tpu.memory_space<hbm>> -> memref<1x250x80xi32, #tpu.memory_space<hbm>>
      %dma_start3A_139 = tpu.memref_squeeze %dma_start3A_138 : memref<1x250x80xi32, #tpu.memory_space<hbm>> -> memref<250x80xi32, #tpu.memory_space<hbm>>
      tpu.enqueue_dma source(%dma_start3A_139 : memref<250x80xi32, #tpu.memory_space<hbm>>) target(%arg8 : memref<250x80xi32, #tpu.memory_space<vmem>>) target_semaphore(%run_scoped3A : memref<!tpu.dma_semaphore, #tpu.memory_space<semaphore_mem>>)
      %dma_wait3A_140 = arith.constant 0 : i32
      %dma_wait3A_141 = arith.constant 0 : i32
      %dma_wait3A_142 = tpu.memref_slice %arg4[%arg1, %dma_wait3A_140, %dma_wait3A_141] : memref<16x250x80xi32, #tpu.memory_space<hbm>> -> memref<1x250x80xi32, #tpu.memory_space<hbm>>
      %dma_wait3A_143 = tpu.memref_squeeze %dma_wait3A_142 : memref<1x250x80xi32, #tpu.memory_space<hbm>> -> memref<250x80xi32, #tpu.memory_space<hbm>>
      %dma_wait3A_144 = arith.constant 0 : i32
      %dma_wait3A_145 = arith.constant 0 : i32
      %dma_wait3A_146 = tpu.memref_slice %arg4[%arg1, %dma_wait3A_144, %dma_wait3A_145] : memref<16x250x80xi32, #tpu.memory_space<hbm>> -> memref<1x250x80xi32, #tpu.memory_space<hbm>>
      %dma_wait3A_147 = tpu.memref_squeeze %dma_wait3A_146 : memref<1x250x80xi32, #tpu.memory_space<hbm>> -> memref<250x80xi32, #tpu.memory_space<hbm>>
      tpu.wait_dma2 semaphore(%run_scoped3A : memref<!tpu.dma_semaphore, #tpu.memory_space<semaphore_mem>>) src(%dma_wait3A_147 : memref<250x80xi32, #tpu.memory_space<hbm>>) dst(%arg8 : memref<250x80xi32, #tpu.memory_space<vmem>>)
      tpu.yield
    }) : () -> ()
    "tpu.region"() ({
      %run_scoped3A = tpu.sem_alloc : memref<!tpu.dma_semaphore, #tpu.memory_space<semaphore_mem>>
      %dma_start3A_132 = arith.constant 0 : i32
      %dma_start3A_133 = tpu.memref_slice %arg5[%arg1, %dma_start3A_132] : memref<16x20000xf32, #tpu.memory_space<hbm>> -> memref<1x20000xf32, #tpu.memory_space<hbm>>
      %dma_start3A_134 = tpu.memref_squeeze %dma_start3A_133 : memref<1x20000xf32, #tpu.memory_space<hbm>> -> memref<20000xf32, #tpu.memory_space<hbm>>
      %dma_start3A_135 = arith.constant 0 : i32
      %dma_start3A_136 = tpu.memref_slice %arg5[%arg1, %dma_start3A_135] : memref<16x20000xf32, #tpu.memory_space<hbm>> -> memref<1x20000xf32, #tpu.memory_space<hbm>>
      %dma_start3A_137 = tpu.memref_squeeze %dma_start3A_136 : memref<1x20000xf32, #tpu.memory_space<hbm>> -> memref<20000xf32, #tpu.memory_space<hbm>>
      tpu.enqueue_dma source(%dma_start3A_137 : memref<20000xf32, #tpu.memory_space<hbm>>) target(%arg9 : memref<20000xf32, #tpu.memory_space<vmem>>) target_semaphore(%run_scoped3A : memref<!tpu.dma_semaphore, #tpu.memory_space<semaphore_mem>>)
      %dma_wait3A_138 = arith.constant 0 : i32
      %dma_wait3A_139 = tpu.memref_slice %arg5[%arg1, %dma_wait3A_138] : memref<16x20000xf32, #tpu.memory_space<hbm>> -> memref<1x20000xf32, #tpu.memory_space<hbm>>
      %dma_wait3A_140 = tpu.memref_squeeze %dma_wait3A_139 : memref<1x20000xf32, #tpu.memory_space<hbm>> -> memref<20000xf32, #tpu.memory_space<hbm>>
      %dma_wait3A_141 = arith.constant 0 : i32
      %dma_wait3A_142 = tpu.memref_slice %arg5[%arg1, %dma_wait3A_141] : memref<16x20000xf32, #tpu.memory_space<hbm>> -> memref<1x20000xf32, #tpu.memory_space<hbm>>
      %dma_wait3A_143 = tpu.memref_squeeze %dma_wait3A_142 : memref<1x20000xf32, #tpu.memory_space<hbm>> -> memref<20000xf32, #tpu.memory_space<hbm>>
      tpu.wait_dma2 semaphore(%run_scoped3A : memref<!tpu.dma_semaphore, #tpu.memory_space<semaphore_mem>>) src(%dma_wait3A_143 : memref<20000xf32, #tpu.memory_space<hbm>>) dst(%arg9 : memref<20000xf32, #tpu.memory_space<vmem>>)
      tpu.yield
    }) : () -> ()
    %scan3A = arith.constant 0 : i32
    %scan3A_0 = arith.constant 250 : i32
    %scan3A_1 = arith.addi %scan3A, %scan3A_0 : i32
    %scan3A_2 = arith.constant 1 : i32
    scf.for %scan3A_132 = %scan3A to %scan3A_1 step %scan3A_2  : i32 {
      %mul3A_133 = arith.constant 1 : i32
      %mul3A_134 = arith.muli %scan3A_132, %mul3A_133 : i32
      %add3A_135 = arith.constant 0 : i32
      %add3A_136 = arith.addi %add3A_135, %mul3A_134 : i32
      %get3A = arith.index_cast %add3A_136 : i32 to index
      %get3A_137 = arith.constant 0 : index
      %get3A_138 = tpu.vector_load %arg7[%get3A, %get3A_137] {strides = array<i32>} : memref<250x80xi32, #tpu.memory_space<vmem>>, vector<16xi32>,
      %mul3A_139 = arith.constant 2 : i32
      %mul3A_140 = vector.broadcast %mul3A_139 : i32 to vector<16xi32>
      %mul3A_141 = arith.muli %get3A_138, %mul3A_140 : vector<16xi32>
      %add3A_142 = vector.broadcast %arg0 : i32 to vector<16xi32>
      %add3A_143 = arith.addi %mul3A_141, %add3A_142 : vector<16xi32>
      %swap3A = arith.index_cast %add3A_136 : i32 to index
      %swap3A_144 = arith.constant 0 : index
      %swap3A_145 = tpu.vector_load %arg7[%swap3A, %swap3A_144] {strides = array<i32>} : memref<250x80xi32, #tpu.memory_space<vmem>>, vector<16xi32>,
      tpu.vector_store %arg7[%swap3A, %swap3A_144], %add3A_143 {strides = array<i32>} : memref<250x80xi32, #tpu.memory_space<vmem>>, vector<16xi32>,
      %get3A_146 = arith.index_cast %add3A_136 : i32 to index
      %get3A_147 = arith.constant 16 : index
      %get3A_148 = tpu.vector_load %arg7[%get3A_146, %get3A_147] {strides = array<i32>} : memref<250x80xi32, #tpu.memory_space<vmem>>, vector<16xi32>,
      %mul3A_149 = arith.constant 2 : i32
      %mul3A_150 = vector.broadcast %mul3A_149 : i32 to vector<16xi32>
      %mul3A_151 = arith.muli %get3A_148, %mul3A_150 : vector<16xi32>
      %add3A_152 = vector.broadcast %arg0 : i32 to vector<16xi32>
      %add3A_153 = arith.addi %mul3A_151, %add3A_152 : vector<16xi32>
      %swap3A_154 = arith.index_cast %add3A_136 : i32 to index
      %swap3A_155 = arith.constant 16 : index
      %swap3A_156 = tpu.vector_load %arg7[%swap3A_154, %swap3A_155] {strides = array<i32>} : memref<250x80xi32, #tpu.memory_space<vmem>>, vector<16xi32>,
      tpu.vector_store %arg7[%swap3A_154, %swap3A_155], %add3A_153 {strides = array<i32>} : memref<250x80xi32, #tpu.memory_space<vmem>>, vector<16xi32>,
      %get3A_157 = arith.index_cast %add3A_136 : i32 to index
      %get3A_158 = arith.constant 32 : index
      %get3A_159 = tpu.vector_load %arg7[%get3A_157, %get3A_158] {strides = array<i32>} : memref<250x80xi32, #tpu.memory_space<vmem>>, vector<16xi32>,
      %mul3A_160 = arith.constant 2 : i32
      %mul3A_161 = vector.broadcast %mul3A_160 : i32 to vector<16xi32>
      %mul3A_162 = arith.muli %get3A_159, %mul3A_161 : vector<16xi32>
      %add3A_163 = vector.broadcast %arg0 : i32 to vector<16xi32>
      %add3A_164 = arith.addi %mul3A_162, %add3A_163 : vector<16xi32>
      %swap3A_165 = arith.index_cast %add3A_136 : i32 to index
      %swap3A_166 = arith.constant 32 : index
      %swap3A_167 = tpu.vector_load %arg7[%swap3A_165, %swap3A_166] {strides = array<i32>} : memref<250x80xi32, #tpu.memory_space<vmem>>, vector<16xi32>,
      tpu.vector_store %arg7[%swap3A_165, %swap3A_166], %add3A_164 {strides = array<i32>} : memref<250x80xi32, #tpu.memory_space<vmem>>, vector<16xi32>,
      %get3A_168 = arith.index_cast %add3A_136 : i32 to index
      %get3A_169 = arith.constant 48 : index
      %get3A_170 = tpu.vector_load %arg7[%get3A_168, %get3A_169] {strides = array<i32>} : memref<250x80xi32, #tpu.memory_space<vmem>>, vector<16xi32>,
      %mul3A_171 = arith.constant 2 : i32
      %mul3A_172 = vector.broadcast %mul3A_171 : i32 to vector<16xi32>
      %mul3A_173 = arith.muli %get3A_170, %mul3A_172 : vector<16xi32>
      %add3A_174 = vector.broadcast %arg0 : i32 to vector<16xi32>
      %add3A_175 = arith.addi %mul3A_173, %add3A_174 : vector<16xi32>
      %swap3A_176 = arith.index_cast %add3A_136 : i32 to index
      %swap3A_177 = arith.constant 48 : index
      %swap3A_178 = tpu.vector_load %arg7[%swap3A_176, %swap3A_177] {strides = array<i32>} : memref<250x80xi32, #tpu.memory_space<vmem>>, vector<16xi32>,
      tpu.vector_store %arg7[%swap3A_176, %swap3A_177], %add3A_175 {strides = array<i32>} : memref<250x80xi32, #tpu.memory_space<vmem>>, vector<16xi32>,
      %get3A_179 = arith.index_cast %add3A_136 : i32 to index
      %get3A_180 = arith.constant 64 : index
      %get3A_181 = tpu.vector_load %arg7[%get3A_179, %get3A_180] {strides = array<i32>} : memref<250x80xi32, #tpu.memory_space<vmem>>, vector<16xi32>,
      %mul3A_182 = arith.constant 2 : i32
      %mul3A_183 = vector.broadcast %mul3A_182 : i32 to vector<16xi32>
      %mul3A_184 = arith.muli %get3A_181, %mul3A_183 : vector<16xi32>
      %add3A_185 = vector.broadcast %arg0 : i32 to vector<16xi32>
      %add3A_186 = arith.addi %mul3A_184, %add3A_185 : vector<16xi32>
      %swap3A_187 = arith.index_cast %add3A_136 : i32 to index
      %swap3A_188 = arith.constant 64 : index
      %swap3A_189 = tpu.vector_load %arg7[%swap3A_187, %swap3A_188] {strides = array<i32>} : memref<250x80xi32, #tpu.memory_space<vmem>>, vector<16xi32>,
      tpu.vector_store %arg7[%swap3A_187, %swap3A_188], %add3A_186 {strides = array<i32>} : memref<250x80xi32, #tpu.memory_space<vmem>>, vector<16xi32>,
    }
    %scan3A_3 = arith.constant 250 : i32
    %broadcast_in_dim3A = arith.constant 0.000000e+00 : f32
    %broadcast_in_dim3A_4 = vector.broadcast %broadcast_in_dim3A : f32 to vector<16xf32>
    %scan3A_5 = arith.constant 0 : i32
    %scan3A_6 = arith.constant 80 : i32
    %scan3A_7 = arith.addi %scan3A_5, %scan3A_6 : i32
    %scan3A_8 = arith.constant 1 : i32
    scf.for %scan3A_132 = %scan3A_5 to %scan3A_7 step %scan3A_8  : i32 {
      %mul3A_133 = arith.constant 1 : i32
      %mul3A_134 = arith.muli %scan3A_132, %mul3A_133 : i32
      %add3A_135 = arith.constant 0 : i32
      %add3A_136 = arith.addi %add3A_135, %mul3A_134 : i32
      %swap3A = arith.index_cast %add3A_136 : i32 to index
      %swap3A_137 = arith.constant 0 : index
      %swap3A_138 = tpu.vector_load %arg10[%swap3A, %swap3A_137] {strides = array<i32>} : memref<80x64xf32, #tpu.memory_space<vmem>>, vector<16xf32>,
      tpu.vector_store %arg10[%swap3A, %swap3A_137], %broadcast_in_dim3A_4 {strides = array<i32>} : memref<80x64xf32, #tpu.memory_space<vmem>>, vector<16xf32>,
      %swap3A_139 = arith.index_cast %add3A_136 : i32 to index
      %swap3A_140 = arith.constant 16 : index
      %swap3A_141 = tpu.vector_load %arg10[%swap3A_139, %swap3A_140] {strides = array<i32>} : memref<80x64xf32, #tpu.memory_space<vmem>>, vector<16xf32>,
      tpu.vector_store %arg10[%swap3A_139, %swap3A_140], %broadcast_in_dim3A_4 {strides = array<i32>} : memref<80x64xf32, #tpu.memory_space<vmem>>, vector<16xf32>,
      %swap3A_142 = arith.index_cast %add3A_136 : i32 to index
      %swap3A_143 = arith.constant 32 : index
      %swap3A_144 = tpu.vector_load %arg10[%swap3A_142, %swap3A_143] {strides = array<i32>} : memref<80x64xf32, #tpu.memory_space<vmem>>, vector<16xf32>,
      tpu.vector_store %arg10[%swap3A_142, %swap3A_143], %broadcast_in_dim3A_4 {strides = array<i32>} : memref<80x64xf32, #tpu.memory_space<vmem>>, vector<16xf32>,
      %swap3A_145 = arith.index_cast %add3A_136 : i32 to index
      %swap3A_146 = arith.constant 48 : index
      %swap3A_147 = tpu.vector_load %arg10[%swap3A_145, %swap3A_146] {strides = array<i32>} : memref<80x64xf32, #tpu.memory_space<vmem>>, vector<16xf32>,
      tpu.vector_store %arg10[%swap3A_145, %swap3A_146], %broadcast_in_dim3A_4 {strides = array<i32>} : memref<80x64xf32, #tpu.memory_space<vmem>>, vector<16xf32>,
    }
    %scan3A_9 = arith.constant 80 : i32
    %mul3A = arith.constant 640 : i32
    %mul3A_10 = arith.muli %arg1, %mul3A : i32
    %add3A = arith.constant 0 : i32
    %add3A_11 = arith.addi %mul3A_10, %add3A : i32
    "tpu.region"() ({
      %run_scoped3A = tpu.sem_alloc : memref<!tpu.dma_semaphore, #tpu.memory_space<semaphore_mem>>
      %dma_start3A_132 = arith.constant 0 : i32
      %dma_start3A_133 = tpu.memref_slice %arg22[%add3A_11, %dma_start3A_132] : memref<10240x64xf32, #tpu.memory_space<vmem_shared>> -> memref<80x64xf32, #tpu.memory_space<vmem_shared>>
      %dma_start3A_134 = arith.constant 0 : i32
      %dma_start3A_135 = tpu.memref_slice %arg22[%add3A_11, %dma_start3A_134] : memref<10240x64xf32, #tpu.memory_space<vmem_shared>> -> memref<80x64xf32, #tpu.memory_space<vmem_shared>>
      tpu.enqueue_dma source(%arg10 : memref<80x64xf32, #tpu.memory_space<vmem>>) target(%dma_start3A_135 : memref<80x64xf32, #tpu.memory_space<vmem_shared>>) target_semaphore(%run_scoped3A : memref<!tpu.dma_semaphore, #tpu.memory_space<semaphore_mem>>)
      %dma_wait3A_136 = arith.constant 0 : i32
      %dma_wait3A_137 = tpu.memref_slice %arg22[%add3A_11, %dma_wait3A_136] : memref<10240x64xf32, #tpu.memory_space<vmem_shared>> -> memref<80x64xf32, #tpu.memory_space<vmem_shared>>
      %dma_wait3A_138 = arith.constant 0 : i32
      %dma_wait3A_139 = tpu.memref_slice %arg22[%add3A_11, %dma_wait3A_138] : memref<10240x64xf32, #tpu.memory_space<vmem_shared>> -> memref<80x64xf32, #tpu.memory_space<vmem_shared>>
      tpu.wait_dma2 semaphore(%run_scoped3A : memref<!tpu.dma_semaphore, #tpu.memory_space<semaphore_mem>>) src(%arg10 : memref<80x64xf32, #tpu.memory_space<vmem>>) dst(%dma_wait3A_139 : memref<80x64xf32, #tpu.memory_space<vmem_shared>>)
      tpu.yield
    }) : () -> ()
    %mul3A_12 = arith.constant 640 : i32
    %mul3A_13 = arith.muli %arg1, %mul3A_12 : i32
    %add3A_14 = arith.constant 80 : i32
    %add3A_15 = arith.addi %mul3A_13, %add3A_14 : i32
    "tpu.region"() ({
      %run_scoped3A = tpu.sem_alloc : memref<!tpu.dma_semaphore, #tpu.memory_space<semaphore_mem>>
      %dma_start3A_132 = arith.constant 0 : i32
      %dma_start3A_133 = tpu.memref_slice %arg22[%add3A_15, %dma_start3A_132] : memref<10240x64xf32, #tpu.memory_space<vmem_shared>> -> memref<80x64xf32, #tpu.memory_space<vmem_shared>>
      %dma_start3A_134 = arith.constant 0 : i32
      %dma_start3A_135 = tpu.memref_slice %arg22[%add3A_15, %dma_start3A_134] : memref<10240x64xf32, #tpu.memory_space<vmem_shared>> -> memref<80x64xf32, #tpu.memory_space<vmem_shared>>
      tpu.enqueue_dma source(%arg10 : memref<80x64xf32, #tpu.memory_space<vmem>>) target(%dma_start3A_135 : memref<80x64xf32, #tpu.memory_space<vmem_shared>>) target_semaphore(%run_scoped3A : memref<!tpu.dma_semaphore, #tpu.memory_space<semaphore_mem>>)
      %dma_wait3A_136 = arith.constant 0 : i32
      %dma_wait3A_137 = tpu.memref_slice %arg22[%add3A_15, %dma_wait3A_136] : memref<10240x64xf32, #tpu.memory_space<vmem_shared>> -> memref<80x64xf32, #tpu.memory_space<vmem_shared>>
      %dma_wait3A_138 = arith.constant 0 : i32
      %dma_wait3A_139 = tpu.memref_slice %arg22[%add3A_15, %dma_wait3A_138] : memref<10240x64xf32, #tpu.memory_space<vmem_shared>> -> memref<80x64xf32, #tpu.memory_space<vmem_shared>>
      tpu.wait_dma2 semaphore(%run_scoped3A : memref<!tpu.dma_semaphore, #tpu.memory_space<semaphore_mem>>) src(%arg10 : memref<80x64xf32, #tpu.memory_space<vmem>>) dst(%dma_wait3A_139 : memref<80x64xf32, #tpu.memory_space<vmem_shared>>)
      tpu.yield
    }) : () -> ()
    %mul3A_16 = arith.constant 640 : i32
    %mul3A_17 = arith.muli %arg1, %mul3A_16 : i32
    %add3A_18 = arith.constant 160 : i32
    %add3A_19 = arith.addi %mul3A_17, %add3A_18 : i32
    "tpu.region"() ({
      %run_scoped3A = tpu.sem_alloc : memref<!tpu.dma_semaphore, #tpu.memory_space<semaphore_mem>>
      %dma_start3A_132 = arith.constant 0 : i32
      %dma_start3A_133 = tpu.memref_slice %arg22[%add3A_19, %dma_start3A_132] : memref<10240x64xf32, #tpu.memory_space<vmem_shared>> -> memref<80x64xf32, #tpu.memory_space<vmem_shared>>
      %dma_start3A_134 = arith.constant 0 : i32
      %dma_start3A_135 = tpu.memref_slice %arg22[%add3A_19, %dma_start3A_134] : memref<10240x64xf32, #tpu.memory_space<vmem_shared>> -> memref<80x64xf32, #tpu.memory_space<vmem_shared>>
      tpu.enqueue_dma source(%arg10 : memref<80x64xf32, #tpu.memory_space<vmem>>) target(%dma_start3A_135 : memref<80x64xf32, #tpu.memory_space<vmem_shared>>) target_semaphore(%run_scoped3A : memref<!tpu.dma_semaphore, #tpu.memory_space<semaphore_mem>>)
      %dma_wait3A_136 = arith.constant 0 : i32
      %dma_wait3A_137 = tpu.memref_slice %arg22[%add3A_19, %dma_wait3A_136] : memref<10240x64xf32, #tpu.memory_space<vmem_shared>> -> memref<80x64xf32, #tpu.memory_space<vmem_shared>>
      %dma_wait3A_138 = arith.constant 0 : i32
      %dma_wait3A_139 = tpu.memref_slice %arg22[%add3A_19, %dma_wait3A_138] : memref<10240x64xf32, #tpu.memory_space<vmem_shared>> -> memref<80x64xf32, #tpu.memory_space<vmem_shared>>
      tpu.wait_dma2 semaphore(%run_scoped3A : memref<!tpu.dma_semaphore, #tpu.memory_space<semaphore_mem>>) src(%arg10 : memref<80x64xf32, #tpu.memory_space<vmem>>) dst(%dma_wait3A_139 : memref<80x64xf32, #tpu.memory_space<vmem_shared>>)
      tpu.yield
    }) : () -> ()
    %mul3A_20 = arith.constant 640 : i32
    %mul3A_21 = arith.muli %arg1, %mul3A_20 : i32
    %add3A_22 = arith.constant 240 : i32
    %add3A_23 = arith.addi %mul3A_21, %add3A_22 : i32
    "tpu.region"() ({
      %run_scoped3A = tpu.sem_alloc : memref<!tpu.dma_semaphore, #tpu.memory_space<semaphore_mem>>
      %dma_start3A_132 = arith.constant 0 : i32
      %dma_start3A_133 = tpu.memref_slice %arg22[%add3A_23, %dma_start3A_132] : memref<10240x64xf32, #tpu.memory_space<vmem_shared>> -> memref<80x64xf32, #tpu.memory_space<vmem_shared>>
      %dma_start3A_134 = arith.constant 0 : i32
      %dma_start3A_135 = tpu.memref_slice %arg22[%add3A_23, %dma_start3A_134] : memref<10240x64xf32, #tpu.memory_space<vmem_shared>> -> memref<80x64xf32, #tpu.memory_space<vmem_shared>>
      tpu.enqueue_dma source(%arg10 : memref<80x64xf32, #tpu.memory_space<vmem>>) target(%dma_start3A_135 : memref<80x64xf32, #tpu.memory_space<vmem_shared>>) target_semaphore(%run_scoped3A : memref<!tpu.dma_semaphore, #tpu.memory_space<semaphore_mem>>)
      %dma_wait3A_136 = arith.constant 0 : i32
      %dma_wait3A_137 = tpu.memref_slice %arg22[%add3A_23, %dma_wait3A_136] : memref<10240x64xf32, #tpu.memory_space<vmem_shared>> -> memref<80x64xf32, #tpu.memory_space<vmem_shared>>
      %dma_wait3A_138 = arith.constant 0 : i32
      %dma_wait3A_139 = tpu.memref_slice %arg22[%add3A_23, %dma_wait3A_138] : memref<10240x64xf32, #tpu.memory_space<vmem_shared>> -> memref<80x64xf32, #tpu.memory_space<vmem_shared>>
      tpu.wait_dma2 semaphore(%run_scoped3A : memref<!tpu.dma_semaphore, #tpu.memory_space<semaphore_mem>>) src(%arg10 : memref<80x64xf32, #tpu.memory_space<vmem>>) dst(%dma_wait3A_139 : memref<80x64xf32, #tpu.memory_space<vmem_shared>>)
      tpu.yield
    }) : () -> ()
    %mul3A_24 = arith.constant 640 : i32
    %mul3A_25 = arith.muli %arg1, %mul3A_24 : i32
    %add3A_26 = arith.constant 320 : i32
    %add3A_27 = arith.addi %mul3A_25, %add3A_26 : i32
    "tpu.region"() ({
      %run_scoped3A = tpu.sem_alloc : memref<!tpu.dma_semaphore, #tpu.memory_space<semaphore_mem>>
      %dma_start3A_132 = arith.constant 0 : i32
      %dma_start3A_133 = tpu.memref_slice %arg22[%add3A_27, %dma_start3A_132] : memref<10240x64xf32, #tpu.memory_space<vmem_shared>> -> memref<80x64xf32, #tpu.memory_space<vmem_shared>>
      %dma_start3A_134 = arith.constant 0 : i32
      %dma_start3A_135 = tpu.memref_slice %arg22[%add3A_27, %dma_start3A_134] : memref<10240x64xf32, #tpu.memory_space<vmem_shared>> -> memref<80x64xf32, #tpu.memory_space<vmem_shared>>
      tpu.enqueue_dma source(%arg10 : memref<80x64xf32, #tpu.memory_space<vmem>>) target(%dma_start3A_135 : memref<80x64xf32, #tpu.memory_space<vmem_shared>>) target_semaphore(%run_scoped3A : memref<!tpu.dma_semaphore, #tpu.memory_space<semaphore_mem>>)
      %dma_wait3A_136 = arith.constant 0 : i32
      %dma_wait3A_137 = tpu.memref_slice %arg22[%add3A_27, %dma_wait3A_136] : memref<10240x64xf32, #tpu.memory_space<vmem_shared>> -> memref<80x64xf32, #tpu.memory_space<vmem_shared>>
      %dma_wait3A_138 = arith.constant 0 : i32
      %dma_wait3A_139 = tpu.memref_slice %arg22[%add3A_27, %dma_wait3A_138] : memref<10240x64xf32, #tpu.memory_space<vmem_shared>> -> memref<80x64xf32, #tpu.memory_space<vmem_shared>>
      tpu.wait_dma2 semaphore(%run_scoped3A : memref<!tpu.dma_semaphore, #tpu.memory_space<semaphore_mem>>) src(%arg10 : memref<80x64xf32, #tpu.memory_space<vmem>>) dst(%dma_wait3A_139 : memref<80x64xf32, #tpu.memory_space<vmem_shared>>)
      tpu.yield
    }) : () -> ()
    %mul3A_28 = arith.constant 640 : i32
    %mul3A_29 = arith.muli %arg1, %mul3A_28 : i32
    %add3A_30 = arith.constant 400 : i32
    %add3A_31 = arith.addi %mul3A_29, %add3A_30 : i32
    "tpu.region"() ({
      %run_scoped3A = tpu.sem_alloc : memref<!tpu.dma_semaphore, #tpu.memory_space<semaphore_mem>>
      %dma_start3A_132 = arith.constant 0 : i32
      %dma_start3A_133 = tpu.memref_slice %arg22[%add3A_31, %dma_start3A_132] : memref<10240x64xf32, #tpu.memory_space<vmem_shared>> -> memref<80x64xf32, #tpu.memory_space<vmem_shared>>
      %dma_start3A_134 = arith.constant 0 : i32
      %dma_start3A_135 = tpu.memref_slice %arg22[%add3A_31, %dma_start3A_134] : memref<10240x64xf32, #tpu.memory_space<vmem_shared>> -> memref<80x64xf32, #tpu.memory_space<vmem_shared>>
      tpu.enqueue_dma source(%arg10 : memref<80x64xf32, #tpu.memory_space<vmem>>) target(%dma_start3A_135 : memref<80x64xf32, #tpu.memory_space<vmem_shared>>) target_semaphore(%run_scoped3A : memref<!tpu.dma_semaphore, #tpu.memory_space<semaphore_mem>>)
      %dma_wait3A_136 = arith.constant 0 : i32
      %dma_wait3A_137 = tpu.memref_slice %arg22[%add3A_31, %dma_wait3A_136] : memref<10240x64xf32, #tpu.memory_space<vmem_shared>> -> memref<80x64xf32, #tpu.memory_space<vmem_shared>>
      %dma_wait3A_138 = arith.constant 0 : i32
      %dma_wait3A_139 = tpu.memref_slice %arg22[%add3A_31, %dma_wait3A_138] : memref<10240x64xf32, #tpu.memory_space<vmem_shared>> -> memref<80x64xf32, #tpu.memory_space<vmem_shared>>
      tpu.wait_dma2 semaphore(%run_scoped3A : memref<!tpu.dma_semaphore, #tpu.memory_space<semaphore_mem>>) src(%arg10 : memref<80x64xf32, #tpu.memory_space<vmem>>) dst(%dma_wait3A_139 : memref<80x64xf32, #tpu.memory_space<vmem_shared>>)
      tpu.yield
    }) : () -> ()
    %mul3A_32 = arith.constant 640 : i32
    %mul3A_33 = arith.muli %arg1, %mul3A_32 : i32
    %add3A_34 = arith.constant 480 : i32
    %add3A_35 = arith.addi %mul3A_33, %add3A_34 : i32
    "tpu.region"() ({
      %run_scoped3A = tpu.sem_alloc : memref<!tpu.dma_semaphore, #tpu.memory_space<semaphore_mem>>
      %dma_start3A_132 = arith.constant 0 : i32
      %dma_start3A_133 = tpu.memref_slice %arg22[%add3A_35, %dma_start3A_132] : memref<10240x64xf32, #tpu.memory_space<vmem_shared>> -> memref<80x64xf32, #tpu.memory_space<vmem_shared>>
      %dma_start3A_134 = arith.constant 0 : i32
      %dma_start3A_135 = tpu.memref_slice %arg22[%add3A_35, %dma_start3A_134] : memref<10240x64xf32, #tpu.memory_space<vmem_shared>> -> memref<80x64xf32, #tpu.memory_space<vmem_shared>>
      tpu.enqueue_dma source(%arg10 : memref<80x64xf32, #tpu.memory_space<vmem>>) target(%dma_start3A_135 : memref<80x64xf32, #tpu.memory_space<vmem_shared>>) target_semaphore(%run_scoped3A : memref<!tpu.dma_semaphore, #tpu.memory_space<semaphore_mem>>)
      %dma_wait3A_136 = arith.constant 0 : i32
      %dma_wait3A_137 = tpu.memref_slice %arg22[%add3A_35, %dma_wait3A_136] : memref<10240x64xf32, #tpu.memory_space<vmem_shared>> -> memref<80x64xf32, #tpu.memory_space<vmem_shared>>
      %dma_wait3A_138 = arith.constant 0 : i32
      %dma_wait3A_139 = tpu.memref_slice %arg22[%add3A_35, %dma_wait3A_138] : memref<10240x64xf32, #tpu.memory_space<vmem_shared>> -> memref<80x64xf32, #tpu.memory_space<vmem_shared>>
      tpu.wait_dma2 semaphore(%run_scoped3A : memref<!tpu.dma_semaphore, #tpu.memory_space<semaphore_mem>>) src(%arg10 : memref<80x64xf32, #tpu.memory_space<vmem>>) dst(%dma_wait3A_139 : memref<80x64xf32, #tpu.memory_space<vmem_shared>>)
      tpu.yield
    }) : () -> ()
    %mul3A_36 = arith.constant 640 : i32
    %mul3A_37 = arith.muli %arg1, %mul3A_36 : i32
    %add3A_38 = arith.constant 560 : i32
    %add3A_39 = arith.addi %mul3A_37, %add3A_38 : i32
    "tpu.region"() ({
      %run_scoped3A = tpu.sem_alloc : memref<!tpu.dma_semaphore, #tpu.memory_space<semaphore_mem>>
      %dma_start3A_132 = arith.constant 0 : i32
      %dma_start3A_133 = tpu.memref_slice %arg22[%add3A_39, %dma_start3A_132] : memref<10240x64xf32, #tpu.memory_space<vmem_shared>> -> memref<80x64xf32, #tpu.memory_space<vmem_shared>>
      %dma_start3A_134 = arith.constant 0 : i32
      %dma_start3A_135 = tpu.memref_slice %arg22[%add3A_39, %dma_start3A_134] : memref<10240x64xf32, #tpu.memory_space<vmem_shared>> -> memref<80x64xf32, #tpu.memory_space<vmem_shared>>
      tpu.enqueue_dma source(%arg10 : memref<80x64xf32, #tpu.memory_space<vmem>>) target(%dma_start3A_135 : memref<80x64xf32, #tpu.memory_space<vmem_shared>>) target_semaphore(%run_scoped3A : memref<!tpu.dma_semaphore, #tpu.memory_space<semaphore_mem>>)
      %dma_wait3A_136 = arith.constant 0 : i32
      %dma_wait3A_137 = tpu.memref_slice %arg22[%add3A_39, %dma_wait3A_136] : memref<10240x64xf32, #tpu.memory_space<vmem_shared>> -> memref<80x64xf32, #tpu.memory_space<vmem_shared>>
      %dma_wait3A_138 = arith.constant 0 : i32
      %dma_wait3A_139 = tpu.memref_slice %arg22[%add3A_39, %dma_wait3A_138] : memref<10240x64xf32, #tpu.memory_space<vmem_shared>> -> memref<80x64xf32, #tpu.memory_space<vmem_shared>>
      tpu.wait_dma2 semaphore(%run_scoped3A : memref<!tpu.dma_semaphore, #tpu.memory_space<semaphore_mem>>) src(%arg10 : memref<80x64xf32, #tpu.memory_space<vmem>>) dst(%dma_wait3A_139 : memref<80x64xf32, #tpu.memory_space<vmem_shared>>)
      tpu.yield
    }) : () -> ()
    %barrier3A = arith.constant 0 : index
    tpu.barrier barrier_id(%barrier3A)
    %dma_start3A = arith.constant 0 : i32
    %dma_start3A_40 = arith.constant 0 : i32
    %dma_start3A_41 = tpu.memref_slice %arg7[%dma_start3A, %dma_start3A_40] : memref<250x80xi32, #tpu.memory_space<vmem>> -> memref<1x80xi32, #tpu.memory_space<vmem>>
    %dma_start3A_42 = tpu.memref_squeeze %dma_start3A_41 : memref<1x80xi32, #tpu.memory_space<vmem>> -> memref<80xi32, #tpu.memory_space<vmem>>
    %dma_start3A_43 = arith.constant 0 : i32
    %dma_start3A_44 = arith.constant 0 : i32
    %dma_start3A_45 = tpu.memref_slice %arg2[%dma_start3A_43, %dma_start3A_44] : memref<20000x64xf32, #tpu.memory_space<hbm>> -> memref<20000x64xf32, #tpu.memory_space<hbm>>
    tpu.enqueue_indirect_dma source(%dma_start3A_45 : memref<20000x64xf32, #tpu.memory_space<hbm>>) target(%arg10 : memref<80x64xf32, #tpu.memory_space<vmem>>) offsets(%dma_start3A_42 : memref<80xi32, #tpu.memory_space<vmem>>) semaphore(%arg14 : memref<!tpu.dma_semaphore, #tpu.memory_space<semaphore_mem>>)
    %dma_start3A_46 = arith.constant 1 : i32
    %dma_start3A_47 = arith.constant 0 : i32
    %dma_start3A_48 = tpu.memref_slice %arg7[%dma_start3A_46, %dma_start3A_47] : memref<250x80xi32, #tpu.memory_space<vmem>> -> memref<1x80xi32, #tpu.memory_space<vmem>>
    %dma_start3A_49 = tpu.memref_squeeze %dma_start3A_48 : memref<1x80xi32, #tpu.memory_space<vmem>> -> memref<80xi32, #tpu.memory_space<vmem>>
    %dma_start3A_50 = arith.constant 0 : i32
    %dma_start3A_51 = arith.constant 0 : i32
    %dma_start3A_52 = tpu.memref_slice %arg2[%dma_start3A_50, %dma_start3A_51] : memref<20000x64xf32, #tpu.memory_space<hbm>> -> memref<20000x64xf32, #tpu.memory_space<hbm>>
    tpu.enqueue_indirect_dma source(%dma_start3A_52 : memref<20000x64xf32, #tpu.memory_space<hbm>>) target(%arg11 : memref<80x64xf32, #tpu.memory_space<vmem>>) offsets(%dma_start3A_49 : memref<80xi32, #tpu.memory_space<vmem>>) semaphore(%arg15 : memref<!tpu.dma_semaphore, #tpu.memory_space<semaphore_mem>>)
    %scan3A_53 = arith.constant 0 : i32
    %scan3A_54 = arith.constant 62 : i32
    %scan3A_55 = arith.addi %scan3A_53, %scan3A_54 : i32
    %scan3A_56 = arith.constant 1 : i32
    scf.for %scan3A_132 = %scan3A_53 to %scan3A_55 step %scan3A_56  : i32 {
      %mul3A_133 = arith.constant 4 : i32
      %mul3A_134 = arith.muli %scan3A_132, %mul3A_133 : i32
      %add3A_135 = arith.constant 0 : i32
      %add3A_136 = arith.addi %add3A_135, %mul3A_134 : i32
      %add3A_137 = arith.constant 0 : i32
      %add3A_138 = arith.addi %add3A_136, %add3A_137 : i32
      %ge3A = arith.constant 2 : i32
      %ge3A_139 = arith.cmpi sge, %add3A_138, %ge3A : i32
      %convert_element_type3A = arith.extui %ge3A_139 : i1 to i32
      %cond3A = arith.constant 0 : i32
      %cond3A_140 = arith.cmpi ne, %convert_element_type3A, %cond3A : i32
      scf.if %cond3A_140 {
        %sub3A = arith.constant 2 : i32
        %sub3A_269 = arith.subi %add3A_138, %sub3A : i32
        %dma_wait3A_270 = arith.constant 0 : i32
        %dma_wait3A_271 = tpu.memref_slice %arg8[%sub3A_269, %dma_wait3A_270] : memref<250x80xi32, #tpu.memory_space<vmem>> -> memref<1x80xi32, #tpu.memory_space<vmem>>
        %dma_wait3A_272 = tpu.memref_squeeze %dma_wait3A_271 : memref<1x80xi32, #tpu.memory_space<vmem>> -> memref<80xi32, #tpu.memory_space<vmem>>
        %dma_wait3A_273 = arith.constant 0 : i32
        %dma_wait3A_274 = arith.constant 0 : i32
        %dma_wait3A_275 = tpu.memref_slice %arg22[%dma_wait3A_273, %dma_wait3A_274] : memref<10240x64xf32, #tpu.memory_space<vmem_shared>> -> memref<10240x64xf32, #tpu.memory_space<vmem_shared>>
        tpu.wait_indirect_dma semaphore(%arg20 : memref<!tpu.dma_semaphore, #tpu.memory_space<semaphore_mem>>) src(%arg12 : memref<80x64xf32, #tpu.memory_space<vmem>>) dst(%dma_wait3A_275 : memref<10240x64xf32, #tpu.memory_space<vmem_shared>>)
      } else {
      }
      %add3A_141 = arith.constant 2 : i32
      %add3A_142 = arith.addi %add3A_138, %add3A_141 : i32
      %lt3A = arith.constant 250 : i32
      %lt3A_143 = arith.cmpi slt, %add3A_142, %lt3A : i32
      %convert_element_type3A_144 = arith.extui %lt3A_143 : i1 to i32
      %cond3A_145 = arith.constant 0 : i32
      %cond3A_146 = arith.cmpi ne, %convert_element_type3A_144, %cond3A_145 : i32
      scf.if %cond3A_146 {
        %add3A_269 = arith.constant 2 : i32
        %add3A_270 = arith.addi %add3A_138, %add3A_269 : i32
        %dma_start3A_271 = arith.constant 0 : i32
        %dma_start3A_272 = tpu.memref_slice %arg7[%add3A_270, %dma_start3A_271] : memref<250x80xi32, #tpu.memory_space<vmem>> -> memref<1x80xi32, #tpu.memory_space<vmem>>
        %dma_start3A_273 = tpu.memref_squeeze %dma_start3A_272 : memref<1x80xi32, #tpu.memory_space<vmem>> -> memref<80xi32, #tpu.memory_space<vmem>>
        %dma_start3A_274 = arith.constant 0 : i32
        %dma_start3A_275 = arith.constant 0 : i32
        %dma_start3A_276 = tpu.memref_slice %arg2[%dma_start3A_274, %dma_start3A_275] : memref<20000x64xf32, #tpu.memory_space<hbm>> -> memref<20000x64xf32, #tpu.memory_space<hbm>>
        tpu.enqueue_indirect_dma source(%dma_start3A_276 : memref<20000x64xf32, #tpu.memory_space<hbm>>) target(%arg12 : memref<80x64xf32, #tpu.memory_space<vmem>>) offsets(%dma_start3A_273 : memref<80xi32, #tpu.memory_space<vmem>>) semaphore(%arg16 : memref<!tpu.dma_semaphore, #tpu.memory_space<semaphore_mem>>)
      } else {
      }
      %dma_wait3A_147 = arith.constant 0 : i32
      %dma_wait3A_148 = tpu.memref_slice %arg7[%add3A_138, %dma_wait3A_147] : memref<250x80xi32, #tpu.memory_space<vmem>> -> memref<1x80xi32, #tpu.memory_space<vmem>>
      %dma_wait3A_149 = tpu.memref_squeeze %dma_wait3A_148 : memref<1x80xi32, #tpu.memory_space<vmem>> -> memref<80xi32, #tpu.memory_space<vmem>>
      %dma_wait3A_150 = arith.constant 0 : i32
      %dma_wait3A_151 = arith.constant 0 : i32
      %dma_wait3A_152 = tpu.memref_slice %arg2[%dma_wait3A_150, %dma_wait3A_151] : memref<20000x64xf32, #tpu.memory_space<hbm>> -> memref<20000x64xf32, #tpu.memory_space<hbm>>
      tpu.wait_indirect_dma semaphore(%arg14 : memref<!tpu.dma_semaphore, #tpu.memory_space<semaphore_mem>>) src(%dma_wait3A_152 : memref<20000x64xf32, #tpu.memory_space<hbm>>) dst(%arg10 : memref<80x64xf32, #tpu.memory_space<vmem>>)
      %mul3A_153 = arith.constant 80 : i32
      %mul3A_154 = arith.muli %add3A_138, %mul3A_153 : i32
      %broadcast_in_dim3A_155 = vector.broadcast %mul3A_154 : i32 to vector<16xi32>
      %scan3A_156 = arith.constant 0 : i32
      %scan3A_157 = arith.constant 80 : i32
      %scan3A_158 = arith.addi %scan3A_156, %scan3A_157 : i32
      %scan3A_159 = arith.constant 4 : i32
      scf.for %scan3A_269 = %scan3A_156 to %scan3A_158 step %scan3A_159  : i32 {
        %mul3A_270 = arith.constant 1 : i32
        %mul3A_271 = arith.muli %scan3A_269, %mul3A_270 : i32
        %add3A_272 = arith.constant 0 : i32
        %add3A_273 = arith.addi %add3A_272, %mul3A_271 : i32
        %add3A_274 = vector.broadcast %add3A_273 : i32 to vector<16xi32>
        %add3A_275 = arith.addi %broadcast_in_dim3A_155, %add3A_274 : vector<16xi32>
        %gather3A = tpu.vector_load_idx %arg9[%add3A_275] : memref<20000xf32, #tpu.memory_space<vmem>>[vector<16xi32>], vector<16xf32>,
        %get3A = arith.index_cast %add3A_273 : i32 to index
        %get3A_276 = arith.constant 0 : index
        %get3A_277 = tpu.vector_load %arg10[%get3A, %get3A_276] {strides = array<i32>} : memref<80x64xf32, #tpu.memory_space<vmem>>, vector<16xf32>,
        %mul3A_278 = arith.mulf %get3A_277, %gather3A : vector<16xf32>
        %swap3A = arith.index_cast %add3A_273 : i32 to index
        %swap3A_279 = arith.constant 0 : index
        %swap3A_280 = tpu.vector_load %arg10[%swap3A, %swap3A_279] {strides = array<i32>} : memref<80x64xf32, #tpu.memory_space<vmem>>, vector<16xf32>,
        tpu.vector_store %arg10[%swap3A, %swap3A_279], %mul3A_278 {strides = array<i32>} : memref<80x64xf32, #tpu.memory_space<vmem>>, vector<16xf32>,
        %get3A_281 = arith.index_cast %add3A_273 : i32 to index
        %get3A_282 = arith.constant 16 : index
        %get3A_283 = tpu.vector_load %arg10[%get3A_281, %get3A_282] {strides = array<i32>} : memref<80x64xf32, #tpu.memory_space<vmem>>, vector<16xf32>,
        %mul3A_284 = arith.mulf %get3A_283, %gather3A : vector<16xf32>
        %swap3A_285 = arith.index_cast %add3A_273 : i32 to index
        %swap3A_286 = arith.constant 16 : index
        %swap3A_287 = tpu.vector_load %arg10[%swap3A_285, %swap3A_286] {strides = array<i32>} : memref<80x64xf32, #tpu.memory_space<vmem>>, vector<16xf32>,
        tpu.vector_store %arg10[%swap3A_285, %swap3A_286], %mul3A_284 {strides = array<i32>} : memref<80x64xf32, #tpu.memory_space<vmem>>, vector<16xf32>,
        %get3A_288 = arith.index_cast %add3A_273 : i32 to index
        %get3A_289 = arith.constant 32 : index
        %get3A_290 = tpu.vector_load %arg10[%get3A_288, %get3A_289] {strides = array<i32>} : memref<80x64xf32, #tpu.memory_space<vmem>>, vector<16xf32>,
        %mul3A_291 = arith.mulf %get3A_290, %gather3A : vector<16xf32>
        %swap3A_292 = arith.index_cast %add3A_273 : i32 to index
        %swap3A_293 = arith.constant 32 : index
        %swap3A_294 = tpu.vector_load %arg10[%swap3A_292, %swap3A_293] {strides = array<i32>} : memref<80x64xf32, #tpu.memory_space<vmem>>, vector<16xf32>,
        tpu.vector_store %arg10[%swap3A_292, %swap3A_293], %mul3A_291 {strides = array<i32>} : memref<80x64xf32, #tpu.memory_space<vmem>>, vector<16xf32>,
        %get3A_295 = arith.index_cast %add3A_273 : i32 to index
        %get3A_296 = arith.constant 48 : index
        %get3A_297 = tpu.vector_load %arg10[%get3A_295, %get3A_296] {strides = array<i32>} : memref<80x64xf32, #tpu.memory_space<vmem>>, vector<16xf32>,
        %mul3A_298 = arith.mulf %get3A_297, %gather3A : vector<16xf32>
        %swap3A_299 = arith.index_cast %add3A_273 : i32 to index
        %swap3A_300 = arith.constant 48 : index
        %swap3A_301 = tpu.vector_load %arg10[%swap3A_299, %swap3A_300] {strides = array<i32>} : memref<80x64xf32, #tpu.memory_space<vmem>>, vector<16xf32>,
        tpu.vector_store %arg10[%swap3A_299, %swap3A_300], %mul3A_298 {strides = array<i32>} : memref<80x64xf32, #tpu.memory_space<vmem>>, vector<16xf32>,
        %scan3A_302 = arith.constant 1 : i32
        %scan3A_303 = arith.addi %scan3A_269, %scan3A_302 : i32
        %mul3A_304 = arith.constant 1 : i32
        %mul3A_305 = arith.muli %scan3A_303, %mul3A_304 : i32
        %add3A_306 = arith.constant 0 : i32
        %add3A_307 = arith.addi %add3A_306, %mul3A_305 : i32
        %add3A_308 = vector.broadcast %add3A_307 : i32 to vector<16xi32>
        %add3A_309 = arith.addi %broadcast_in_dim3A_155, %add3A_308 : vector<16xi32>
        %gather3A_310 = tpu.vector_load_idx %arg9[%add3A_309] : memref<20000xf32, #tpu.memory_space<vmem>>[vector<16xi32>], vector<16xf32>,
        %get3A_311 = arith.index_cast %add3A_307 : i32 to index
        %get3A_312 = arith.constant 0 : index
        %get3A_313 = tpu.vector_load %arg10[%get3A_311, %get3A_312] {strides = array<i32>} : memref<80x64xf32, #tpu.memory_space<vmem>>, vector<16xf32>,
        %mul3A_314 = arith.mulf %get3A_313, %gather3A_310 : vector<16xf32>
        %swap3A_315 = arith.index_cast %add3A_307 : i32 to index
        %swap3A_316 = arith.constant 0 : index
        %swap3A_317 = tpu.vector_load %arg10[%swap3A_315, %swap3A_316] {strides = array<i32>} : memref<80x64xf32, #tpu.memory_space<vmem>>, vector<16xf32>,
        tpu.vector_store %arg10[%swap3A_315, %swap3A_316], %mul3A_314 {strides = array<i32>} : memref<80x64xf32, #tpu.memory_space<vmem>>, vector<16xf32>,
        %get3A_318 = arith.index_cast %add3A_307 : i32 to index
        %get3A_319 = arith.constant 16 : index
        %get3A_320 = tpu.vector_load %arg10[%get3A_318, %get3A_319] {strides = array<i32>} : memref<80x64xf32, #tpu.memory_space<vmem>>, vector<16xf32>,
        %mul3A_321 = arith.mulf %get3A_320, %gather3A_310 : vector<16xf32>
        %swap3A_322 = arith.index_cast %add3A_307 : i32 to index
        %swap3A_323 = arith.constant 16 : index
        %swap3A_324 = tpu.vector_load %arg10[%swap3A_322, %swap3A_323] {strides = array<i32>} : memref<80x64xf32, #tpu.memory_space<vmem>>, vector<16xf32>,
        tpu.vector_store %arg10[%swap3A_322, %swap3A_323], %mul3A_321 {strides = array<i32>} : memref<80x64xf32, #tpu.memory_space<vmem>>, vector<16xf32>,
        %get3A_325 = arith.index_cast %add3A_307 : i32 to index
        %get3A_326 = arith.constant 32 : index
        %get3A_327 = tpu.vector_load %arg10[%get3A_325, %get3A_326] {strides = array<i32>} : memref<80x64xf32, #tpu.memory_space<vmem>>, vector<16xf32>,
        %mul3A_328 = arith.mulf %get3A_327, %gather3A_310 : vector<16xf32>
        %swap3A_329 = arith.index_cast %add3A_307 : i32 to index
        %swap3A_330 = arith.constant 32 : index
        %swap3A_331 = tpu.vector_load %arg10[%swap3A_329, %swap3A_330] {strides = array<i32>} : memref<80x64xf32, #tpu.memory_space<vmem>>, vector<16xf32>,
        tpu.vector_store %arg10[%swap3A_329, %swap3A_330], %mul3A_328 {strides = array<i32>} : memref<80x64xf32, #tpu.memory_space<vmem>>, vector<16xf32>,
        %get3A_332 = arith.index_cast %add3A_307 : i32 to index
        %get3A_333 = arith.constant 48 : index
        %get3A_334 = tpu.vector_load %arg10[%get3A_332, %get3A_333] {strides = array<i32>} : memref<80x64xf32, #tpu.memory_space<vmem>>, vector<16xf32>,
        %mul3A_335 = arith.mulf %get3A_334, %gather3A_310 : vector<16xf32>
        %swap3A_336 = arith.index_cast %add3A_307 : i32 to index
        %swap3A_337 = arith.constant 48 : index
        %swap3A_338 = tpu.vector_load %arg10[%swap3A_336, %swap3A_337] {strides = array<i32>} : memref<80x64xf32, #tpu.memory_space<vmem>>, vector<16xf32>,
        tpu.vector_store %arg10[%swap3A_336, %swap3A_337], %mul3A_335 {strides = array<i32>} : memref<80x64xf32, #tpu.memory_space<vmem>>, vector<16xf32>,
        %scan3A_339 = arith.constant 2 : i32
        %scan3A_340 = arith.addi %scan3A_269, %scan3A_339 : i32
        %mul3A_341 = arith.constant 1 : i32
        %mul3A_342 = arith.muli %scan3A_340, %mul3A_341 : i32
        %add3A_343 = arith.constant 0 : i32
        %add3A_344 = arith.addi %add3A_343, %mul3A_342 : i32
        %add3A_345 = vector.broadcast %add3A_344 : i32 to vector<16xi32>
        %add3A_346 = arith.addi %broadcast_in_dim3A_155, %add3A_345 : vector<16xi32>
        %gather3A_347 = tpu.vector_load_idx %arg9[%add3A_346] : memref<20000xf32, #tpu.memory_space<vmem>>[vector<16xi32>], vector<16xf32>,
        %get3A_348 = arith.index_cast %add3A_344 : i32 to index
        %get3A_349 = arith.constant 0 : index
        %get3A_350 = tpu.vector_load %arg10[%get3A_348, %get3A_349] {strides = array<i32>} : memref<80x64xf32, #tpu.memory_space<vmem>>, vector<16xf32>,
        %mul3A_351 = arith.mulf %get3A_350, %gather3A_347 : vector<16xf32>
        %swap3A_352 = arith.index_cast %add3A_344 : i32 to index
        %swap3A_353 = arith.constant 0 : index
        %swap3A_354 = tpu.vector_load %arg10[%swap3A_352, %swap3A_353] {strides = array<i32>} : memref<80x64xf32, #tpu.memory_space<vmem>>, vector<16xf32>,
        tpu.vector_store %arg10[%swap3A_352, %swap3A_353], %mul3A_351 {strides = array<i32>} : memref<80x64xf32, #tpu.memory_space<vmem>>, vector<16xf32>,
        %get3A_355 = arith.index_cast %add3A_344 : i32 to index
        %get3A_356 = arith.constant 16 : index
        %get3A_357 = tpu.vector_load %arg10[%get3A_355, %get3A_356] {strides = array<i32>} : memref<80x64xf32, #tpu.memory_space<vmem>>, vector<16xf32>,
        %mul3A_358 = arith.mulf %get3A_357, %gather3A_347 : vector<16xf32>
        %swap3A_359 = arith.index_cast %add3A_344 : i32 to index
        %swap3A_360 = arith.constant 16 : index
        %swap3A_361 = tpu.vector_load %arg10[%swap3A_359, %swap3A_360] {strides = array<i32>} : memref<80x64xf32, #tpu.memory_space<vmem>>, vector<16xf32>,
        tpu.vector_store %arg10[%swap3A_359, %swap3A_360], %mul3A_358 {strides = array<i32>} : memref<80x64xf32, #tpu.memory_space<vmem>>, vector<16xf32>,
        %get3A_362 = arith.index_cast %add3A_344 : i32 to index
        %get3A_363 = arith.constant 32 : index
        %get3A_364 = tpu.vector_load %arg10[%get3A_362, %get3A_363] {strides = array<i32>} : memref<80x64xf32, #tpu.memory_space<vmem>>, vector<16xf32>,
        %mul3A_365 = arith.mulf %get3A_364, %gather3A_347 : vector<16xf32>
        %swap3A_366 = arith.index_cast %add3A_344 : i32 to index
        %swap3A_367 = arith.constant 32 : index
        %swap3A_368 = tpu.vector_load %arg10[%swap3A_366, %swap3A_367] {strides = array<i32>} : memref<80x64xf32, #tpu.memory_space<vmem>>, vector<16xf32>,
        tpu.vector_store %arg10[%swap3A_366, %swap3A_367], %mul3A_365 {strides = array<i32>} : memref<80x64xf32, #tpu.memory_space<vmem>>, vector<16xf32>,
        %get3A_369 = arith.index_cast %add3A_344 : i32 to index
        %get3A_370 = arith.constant 48 : index
        %get3A_371 = tpu.vector_load %arg10[%get3A_369, %get3A_370] {strides = array<i32>} : memref<80x64xf32, #tpu.memory_space<vmem>>, vector<16xf32>,
        %mul3A_372 = arith.mulf %get3A_371, %gather3A_347 : vector<16xf32>
        %swap3A_373 = arith.index_cast %add3A_344 : i32 to index
        %swap3A_374 = arith.constant 48 : index
        %swap3A_375 = tpu.vector_load %arg10[%swap3A_373, %swap3A_374] {strides = array<i32>} : memref<80x64xf32, #tpu.memory_space<vmem>>, vector<16xf32>,
        tpu.vector_store %arg10[%swap3A_373, %swap3A_374], %mul3A_372 {strides = array<i32>} : memref<80x64xf32, #tpu.memory_space<vmem>>, vector<16xf32>,
        %scan3A_376 = arith.constant 3 : i32
        %scan3A_377 = arith.addi %scan3A_269, %scan3A_376 : i32
        %mul3A_378 = arith.constant 1 : i32
        %mul3A_379 = arith.muli %scan3A_377, %mul3A_378 : i32
        %add3A_380 = arith.constant 0 : i32
        %add3A_381 = arith.addi %add3A_380, %mul3A_379 : i32
        %add3A_382 = vector.broadcast %add3A_381 : i32 to vector<16xi32>
        %add3A_383 = arith.addi %broadcast_in_dim3A_155, %add3A_382 : vector<16xi32>
        %gather3A_384 = tpu.vector_load_idx %arg9[%add3A_383] : memref<20000xf32, #tpu.memory_space<vmem>>[vector<16xi32>], vector<16xf32>,
        %get3A_385 = arith.index_cast %add3A_381 : i32 to index
        %get3A_386 = arith.constant 0 : index
        %get3A_387 = tpu.vector_load %arg10[%get3A_385, %get3A_386] {strides = array<i32>} : memref<80x64xf32, #tpu.memory_space<vmem>>, vector<16xf32>,
        %mul3A_388 = arith.mulf %get3A_387, %gather3A_384 : vector<16xf32>
        %swap3A_389 = arith.index_cast %add3A_381 : i32 to index
        %swap3A_390 = arith.constant 0 : index
        %swap3A_391 = tpu.vector_load %arg10[%swap3A_389, %swap3A_390] {strides = array<i32>} : memref<80x64xf32, #tpu.memory_space<vmem>>, vector<16xf32>,
        tpu.vector_store %arg10[%swap3A_389, %swap3A_390], %mul3A_388 {strides = array<i32>} : memref<80x64xf32, #tpu.memory_space<vmem>>, vector<16xf32>,
        %get3A_392 = arith.index_cast %add3A_381 : i32 to index
        %get3A_393 = arith.constant 16 : index
        %get3A_394 = tpu.vector_load %arg10[%get3A_392, %get3A_393] {strides = array<i32>} : memref<80x64xf32, #tpu.memory_space<vmem>>, vector<16xf32>,
        %mul3A_395 = arith.mulf %get3A_394, %gather3A_384 : vector<16xf32>
        %swap3A_396 = arith.index_cast %add3A_381 : i32 to index
        %swap3A_397 = arith.constant 16 : index
        %swap3A_398 = tpu.vector_load %arg10[%swap3A_396, %swap3A_397] {strides = array<i32>} : memref<80x64xf32, #tpu.memory_space<vmem>>, vector<16xf32>,
        tpu.vector_store %arg10[%swap3A_396, %swap3A_397], %mul3A_395 {strides = array<i32>} : memref<80x64xf32, #tpu.memory_space<vmem>>, vector<16xf32>,
        %get3A_399 = arith.index_cast %add3A_381 : i32 to index
        %get3A_400 = arith.constant 32 : index
        %get3A_401 = tpu.vector_load %arg10[%get3A_399, %get3A_400] {strides = array<i32>} : memref<80x64xf32, #tpu.memory_space<vmem>>, vector<16xf32>,
        %mul3A_402 = arith.mulf %get3A_401, %gather3A_384 : vector<16xf32>
        %swap3A_403 = arith.index_cast %add3A_381 : i32 to index
        %swap3A_404 = arith.constant 32 : index
        %swap3A_405 = tpu.vector_load %arg10[%swap3A_403, %swap3A_404] {strides = array<i32>} : memref<80x64xf32, #tpu.memory_space<vmem>>, vector<16xf32>,
        tpu.vector_store %arg10[%swap3A_403, %swap3A_404], %mul3A_402 {strides = array<i32>} : memref<80x64xf32, #tpu.memory_space<vmem>>, vector<16xf32>,
        %get3A_406 = arith.index_cast %add3A_381 : i32 to index
        %get3A_407 = arith.constant 48 : index
        %get3A_408 = tpu.vector_load %arg10[%get3A_406, %get3A_407] {strides = array<i32>} : memref<80x64xf32, #tpu.memory_space<vmem>>, vector<16xf32>,
        %mul3A_409 = arith.mulf %get3A_408, %gather3A_384 : vector<16xf32>
        %swap3A_410 = arith.index_cast %add3A_381 : i32 to index
        %swap3A_411 = arith.constant 48 : index
        %swap3A_412 = tpu.vector_load %arg10[%swap3A_410, %swap3A_411] {strides = array<i32>} : memref<80x64xf32, #tpu.memory_space<vmem>>, vector<16xf32>,
        tpu.vector_store %arg10[%swap3A_410, %swap3A_411], %mul3A_409 {strides = array<i32>} : memref<80x64xf32, #tpu.memory_space<vmem>>, vector<16xf32>,
      }
      %scan3A_160 = arith.constant 80 : i32
      %dma_start3A_161 = arith.constant 0 : i32
      %dma_start3A_162 = tpu.memref_slice %arg8[%add3A_138, %dma_start3A_161] : memref<250x80xi32, #tpu.memory_space<vmem>> -> memref<1x80xi32, #tpu.memory_space<vmem>>
      %dma_start3A_163 = tpu.memref_squeeze %dma_start3A_162 : memref<1x80xi32, #tpu.memory_space<vmem>> -> memref<80xi32, #tpu.memory_space<vmem>>
      %dma_start3A_164 = arith.constant 0 : i32
      %dma_start3A_165 = arith.constant 0 : i32
      %dma_start3A_166 = tpu.memref_slice %arg22[%dma_start3A_164, %dma_start3A_165] : memref<10240x64xf32, #tpu.memory_space<vmem_shared>> -> memref<10240x64xf32, #tpu.memory_space<vmem_shared>>
      tpu.enqueue_indirect_dma source(%arg10 : memref<80x64xf32, #tpu.memory_space<vmem>>) target(%dma_start3A_166 : memref<10240x64xf32, #tpu.memory_space<vmem_shared>>) offsets(%dma_start3A_163 : memref<80xi32, #tpu.memory_space<vmem>>) semaphore(%arg18 : memref<!tpu.dma_semaphore, #tpu.memory_space<semaphore_mem>>) {add = true}
      %add3A_167 = arith.constant 1 : i32
      %add3A_168 = arith.addi %add3A_136, %add3A_167 : i32
      %ge3A_169 = arith.constant 2 : i32
      %ge3A_170 = arith.cmpi sge, %add3A_168, %ge3A_169 : i32
      %convert_element_type3A_171 = arith.extui %ge3A_170 : i1 to i32
      %cond3A_172 = arith.constant 0 : i32
      %cond3A_173 = arith.cmpi ne, %convert_element_type3A_171, %cond3A_172 : i32
      scf.if %cond3A_173 {
        %sub3A = arith.constant 2 : i32
        %sub3A_269 = arith.subi %add3A_168, %sub3A : i32
        %dma_wait3A_270 = arith.constant 0 : i32
        %dma_wait3A_271 = tpu.memref_slice %arg8[%sub3A_269, %dma_wait3A_270] : memref<250x80xi32, #tpu.memory_space<vmem>> -> memref<1x80xi32, #tpu.memory_space<vmem>>
        %dma_wait3A_272 = tpu.memref_squeeze %dma_wait3A_271 : memref<1x80xi32, #tpu.memory_space<vmem>> -> memref<80xi32, #tpu.memory_space<vmem>>
        %dma_wait3A_273 = arith.constant 0 : i32
        %dma_wait3A_274 = arith.constant 0 : i32
        %dma_wait3A_275 = tpu.memref_slice %arg22[%dma_wait3A_273, %dma_wait3A_274] : memref<10240x64xf32, #tpu.memory_space<vmem_shared>> -> memref<10240x64xf32, #tpu.memory_space<vmem_shared>>
        tpu.wait_indirect_dma semaphore(%arg21 : memref<!tpu.dma_semaphore, #tpu.memory_space<semaphore_mem>>) src(%arg13 : memref<80x64xf32, #tpu.memory_space<vmem>>) dst(%dma_wait3A_275 : memref<10240x64xf32, #tpu.memory_space<vmem_shared>>)
      } else {
      }
      %add3A_174 = arith.constant 2 : i32
      %add3A_175 = arith.addi %add3A_168, %add3A_174 : i32
      %lt3A_176 = arith.constant 250 : i32
      %lt3A_177 = arith.cmpi slt, %add3A_175, %lt3A_176 : i32
      %convert_element_type3A_178 = arith.extui %lt3A_177 : i1 to i32
      %cond3A_179 = arith.constant 0 : i32
      %cond3A_180 = arith.cmpi ne, %convert_element_type3A_178, %cond3A_179 : i32
      scf.if %cond3A_180 {
        %add3A_269 = arith.constant 2 : i32
        %add3A_270 = arith.addi %add3A_168, %add3A_269 : i32
        %dma_start3A_271 = arith.constant 0 : i32
        %dma_start3A_272 = tpu.memref_slice %arg7[%add3A_270, %dma_start3A_271] : memref<250x80xi32, #tpu.memory_space<vmem>> -> memref<1x80xi32, #tpu.memory_space<vmem>>
        %dma_start3A_273 = tpu.memref_squeeze %dma_start3A_272 : memref<1x80xi32, #tpu.memory_space<vmem>> -> memref<80xi32, #tpu.memory_space<vmem>>
        %dma_start3A_274 = arith.constant 0 : i32
        %dma_start3A_275 = arith.constant 0 : i32
        %dma_start3A_276 = tpu.memref_slice %arg2[%dma_start3A_274, %dma_start3A_275] : memref<20000x64xf32, #tpu.memory_space<hbm>> -> memref<20000x64xf32, #tpu.memory_space<hbm>>
        tpu.enqueue_indirect_dma source(%dma_start3A_276 : memref<20000x64xf32, #tpu.memory_space<hbm>>) target(%arg13 : memref<80x64xf32, #tpu.memory_space<vmem>>) offsets(%dma_start3A_273 : memref<80xi32, #tpu.memory_space<vmem>>) semaphore(%arg17 : memref<!tpu.dma_semaphore, #tpu.memory_space<semaphore_mem>>)
      } else {
      }
      %dma_wait3A_181 = arith.constant 0 : i32
      %dma_wait3A_182 = tpu.memref_slice %arg7[%add3A_168, %dma_wait3A_181] : memref<250x80xi32, #tpu.memory_space<vmem>> -> memref<1x80xi32, #tpu.memory_space<vmem>>
      %dma_wait3A_183 = tpu.memref_squeeze %dma_wait3A_182 : memref<1x80xi32, #tpu.memory_space<vmem>> -> memref<80xi32, #tpu.memory_space<vmem>>
      %dma_wait3A_184 = arith.constant 0 : i32
      %dma_wait3A_185 = arith.constant 0 : i32
      %dma_wait3A_186 = tpu.memref_slice %arg2[%dma_wait3A_184, %dma_wait3A_185] : memref<20000x64xf32, #tpu.memory_space<hbm>> -> memref<20000x64xf32, #tpu.memory_space<hbm>>
      tpu.wait_indirect_dma semaphore(%arg15 : memref<!tpu.dma_semaphore, #tpu.memory_space<semaphore_mem>>) src(%dma_wait3A_186 : memref<20000x64xf32, #tpu.memory_space<hbm>>) dst(%arg11 : memref<80x64xf32, #tpu.memory_space<vmem>>)
      %mul3A_187 = arith.constant 80 : i32
      %mul3A_188 = arith.muli %add3A_168, %mul3A_187 : i32
      %broadcast_in_dim3A_189 = vector.broadcast %mul3A_188 : i32 to vector<16xi32>
      %scan3A_190 = arith.constant 0 : i32
      %scan3A_191 = arith.constant 80 : i32
      %scan3A_192 = arith.addi %scan3A_190, %scan3A_191 : i32
      %scan3A_193 = arith.constant 4 : i32
      scf.for %scan3A_269 = %scan3A_190 to %scan3A_192 step %scan3A_193  : i32 {
        %mul3A_270 = arith.constant 1 : i32
        %mul3A_271 = arith.muli %scan3A_269, %mul3A_270 : i32
        %add3A_272 = arith.constant 0 : i32
        %add3A_273 = arith.addi %add3A_272, %mul3A_271 : i32
        %add3A_274 = vector.broadcast %add3A_273 : i32 to vector<16xi32>
        %add3A_275 = arith.addi %broadcast_in_dim3A_189, %add3A_274 : vector<16xi32>
        %gather3A = tpu.vector_load_idx %arg9[%add3A_275] : memref<20000xf32, #tpu.memory_space<vmem>>[vector<16xi32>], vector<16xf32>,
        %get3A = arith.index_cast %add3A_273 : i32 to index
        %get3A_276 = arith.constant 0 : index
        %get3A_277 = tpu.vector_load %arg11[%get3A, %get3A_276] {strides = array<i32>} : memref<80x64xf32, #tpu.memory_space<vmem>>, vector<16xf32>,
        %mul3A_278 = arith.mulf %get3A_277, %gather3A : vector<16xf32>
        %swap3A = arith.index_cast %add3A_273 : i32 to index
        %swap3A_279 = arith.constant 0 : index
        %swap3A_280 = tpu.vector_load %arg11[%swap3A, %swap3A_279] {strides = array<i32>} : memref<80x64xf32, #tpu.memory_space<vmem>>, vector<16xf32>,
        tpu.vector_store %arg11[%swap3A, %swap3A_279], %mul3A_278 {strides = array<i32>} : memref<80x64xf32, #tpu.memory_space<vmem>>, vector<16xf32>,
        %get3A_281 = arith.index_cast %add3A_273 : i32 to index
        %get3A_282 = arith.constant 16 : index
        %get3A_283 = tpu.vector_load %arg11[%get3A_281, %get3A_282] {strides = array<i32>} : memref<80x64xf32, #tpu.memory_space<vmem>>, vector<16xf32>,
        %mul3A_284 = arith.mulf %get3A_283, %gather3A : vector<16xf32>
        %swap3A_285 = arith.index_cast %add3A_273 : i32 to index
        %swap3A_286 = arith.constant 16 : index
        %swap3A_287 = tpu.vector_load %arg11[%swap3A_285, %swap3A_286] {strides = array<i32>} : memref<80x64xf32, #tpu.memory_space<vmem>>, vector<16xf32>,
        tpu.vector_store %arg11[%swap3A_285, %swap3A_286], %mul3A_284 {strides = array<i32>} : memref<80x64xf32, #tpu.memory_space<vmem>>, vector<16xf32>,
        %get3A_288 = arith.index_cast %add3A_273 : i32 to index
        %get3A_289 = arith.constant 32 : index
        %get3A_290 = tpu.vector_load %arg11[%get3A_288, %get3A_289] {strides = array<i32>} : memref<80x64xf32, #tpu.memory_space<vmem>>, vector<16xf32>,
        %mul3A_291 = arith.mulf %get3A_290, %gather3A : vector<16xf32>
        %swap3A_292 = arith.index_cast %add3A_273 : i32 to index
        %swap3A_293 = arith.constant 32 : index
        %swap3A_294 = tpu.vector_load %arg11[%swap3A_292, %swap3A_293] {strides = array<i32>} : memref<80x64xf32, #tpu.memory_space<vmem>>, vector<16xf32>,
        tpu.vector_store %arg11[%swap3A_292, %swap3A_293], %mul3A_291 {strides = array<i32>} : memref<80x64xf32, #tpu.memory_space<vmem>>, vector<16xf32>,
        %get3A_295 = arith.index_cast %add3A_273 : i32 to index
        %get3A_296 = arith.constant 48 : index
        %get3A_297 = tpu.vector_load %arg11[%get3A_295, %get3A_296] {strides = array<i32>} : memref<80x64xf32, #tpu.memory_space<vmem>>, vector<16xf32>,
        %mul3A_298 = arith.mulf %get3A_297, %gather3A : vector<16xf32>
        %swap3A_299 = arith.index_cast %add3A_273 : i32 to index
        %swap3A_300 = arith.constant 48 : index
        %swap3A_301 = tpu.vector_load %arg11[%swap3A_299, %swap3A_300] {strides = array<i32>} : memref<80x64xf32, #tpu.memory_space<vmem>>, vector<16xf32>,
        tpu.vector_store %arg11[%swap3A_299, %swap3A_300], %mul3A_298 {strides = array<i32>} : memref<80x64xf32, #tpu.memory_space<vmem>>, vector<16xf32>,
        %scan3A_302 = arith.constant 1 : i32
        %scan3A_303 = arith.addi %scan3A_269, %scan3A_302 : i32
        %mul3A_304 = arith.constant 1 : i32
        %mul3A_305 = arith.muli %scan3A_303, %mul3A_304 : i32
        %add3A_306 = arith.constant 0 : i32
        %add3A_307 = arith.addi %add3A_306, %mul3A_305 : i32
        %add3A_308 = vector.broadcast %add3A_307 : i32 to vector<16xi32>
        %add3A_309 = arith.addi %broadcast_in_dim3A_189, %add3A_308 : vector<16xi32>
        %gather3A_310 = tpu.vector_load_idx %arg9[%add3A_309] : memref<20000xf32, #tpu.memory_space<vmem>>[vector<16xi32>], vector<16xf32>,
        %get3A_311 = arith.index_cast %add3A_307 : i32 to index
        %get3A_312 = arith.constant 0 : index
        %get3A_313 = tpu.vector_load %arg11[%get3A_311, %get3A_312] {strides = array<i32>} : memref<80x64xf32, #tpu.memory_space<vmem>>, vector<16xf32>,
        %mul3A_314 = arith.mulf %get3A_313, %gather3A_310 : vector<16xf32>
        %swap3A_315 = arith.index_cast %add3A_307 : i32 to index
        %swap3A_316 = arith.constant 0 : index
        %swap3A_317 = tpu.vector_load %arg11[%swap3A_315, %swap3A_316] {strides = array<i32>} : memref<80x64xf32, #tpu.memory_space<vmem>>, vector<16xf32>,
        tpu.vector_store %arg11[%swap3A_315, %swap3A_316], %mul3A_314 {strides = array<i32>} : memref<80x64xf32, #tpu.memory_space<vmem>>, vector<16xf32>,
        %get3A_318 = arith.index_cast %add3A_307 : i32 to index
        %get3A_319 = arith.constant 16 : index
        %get3A_320 = tpu.vector_load %arg11[%get3A_318, %get3A_319] {strides = array<i32>} : memref<80x64xf32, #tpu.memory_space<vmem>>, vector<16xf32>,
        %mul3A_321 = arith.mulf %get3A_320, %gather3A_310 : vector<16xf32>
        %swap3A_322 = arith.index_cast %add3A_307 : i32 to index
        %swap3A_323 = arith.constant 16 : index
        %swap3A_324 = tpu.vector_load %arg11[%swap3A_322, %swap3A_323] {strides = array<i32>} : memref<80x64xf32, #tpu.memory_space<vmem>>, vector<16xf32>,
        tpu.vector_store %arg11[%swap3A_322, %swap3A_323], %mul3A_321 {strides = array<i32>} : memref<80x64xf32, #tpu.memory_space<vmem>>, vector<16xf32>,
        %get3A_325 = arith.index_cast %add3A_307 : i32 to index
        %get3A_326 = arith.constant 32 : index
        %get3A_327 = tpu.vector_load %arg11[%get3A_325, %get3A_326] {strides = array<i32>} : memref<80x64xf32, #tpu.memory_space<vmem>>, vector<16xf32>,
        %mul3A_328 = arith.mulf %get3A_327, %gather3A_310 : vector<16xf32>
        %swap3A_329 = arith.index_cast %add3A_307 : i32 to index
        %swap3A_330 = arith.constant 32 : index
        %swap3A_331 = tpu.vector_load %arg11[%swap3A_329, %swap3A_330] {strides = array<i32>} : memref<80x64xf32, #tpu.memory_space<vmem>>, vector<16xf32>,
        tpu.vector_store %arg11[%swap3A_329, %swap3A_330], %mul3A_328 {strides = array<i32>} : memref<80x64xf32, #tpu.memory_space<vmem>>, vector<16xf32>,
        %get3A_332 = arith.index_cast %add3A_307 : i32 to index
        %get3A_333 = arith.constant 48 : index
        %get3A_334 = tpu.vector_load %arg11[%get3A_332, %get3A_333] {strides = array<i32>} : memref<80x64xf32, #tpu.memory_space<vmem>>, vector<16xf32>,
        %mul3A_335 = arith.mulf %get3A_334, %gather3A_310 : vector<16xf32>
        %swap3A_336 = arith.index_cast %add3A_307 : i32 to index
        %swap3A_337 = arith.constant 48 : index
        %swap3A_338 = tpu.vector_load %arg11[%swap3A_336, %swap3A_337] {strides = array<i32>} : memref<80x64xf32, #tpu.memory_space<vmem>>, vector<16xf32>,
        tpu.vector_store %arg11[%swap3A_336, %swap3A_337], %mul3A_335 {strides = array<i32>} : memref<80x64xf32, #tpu.memory_space<vmem>>, vector<16xf32>,
        %scan3A_339 = arith.constant 2 : i32
        %scan3A_340 = arith.addi %scan3A_269, %scan3A_339 : i32
        %mul3A_341 = arith.constant 1 : i32
        %mul3A_342 = arith.muli %scan3A_340, %mul3A_341 : i32
        %add3A_343 = arith.constant 0 : i32
        %add3A_344 = arith.addi %add3A_343, %mul3A_342 : i32
        %add3A_345 = vector.broadcast %add3A_344 : i32 to vector<16xi32>
        %add3A_346 = arith.addi %broadcast_in_dim3A_189, %add3A_345 : vector<16xi32>
        %gather3A_347 = tpu.vector_load_idx %arg9[%add3A_346] : memref<20000xf32, #tpu.memory_space<vmem>>[vector<16xi32>], vector<16xf32>,
        %get3A_348 = arith.index_cast %add3A_344 : i32 to index
        %get3A_349 = arith.constant 0 : index
        %get3A_350 = tpu.vector_load %arg11[%get3A_348, %get3A_349] {strides = array<i32>} : memref<80x64xf32, #tpu.memory_space<vmem>>, vector<16xf32>,
        %mul3A_351 = arith.mulf %get3A_350, %gather3A_347 : vector<16xf32>
        %swap3A_352 = arith.index_cast %add3A_344 : i32 to index
        %swap3A_353 = arith.constant 0 : index
        %swap3A_354 = tpu.vector_load %arg11[%swap3A_352, %swap3A_353] {strides = array<i32>} : memref<80x64xf32, #tpu.memory_space<vmem>>, vector<16xf32>,
        tpu.vector_store %arg11[%swap3A_352, %swap3A_353], %mul3A_351 {strides = array<i32>} : memref<80x64xf32, #tpu.memory_space<vmem>>, vector<16xf32>,
        %get3A_355 = arith.index_cast %add3A_344 : i32 to index
        %get3A_356 = arith.constant 16 : index
        %get3A_357 = tpu.vector_load %arg11[%get3A_355, %get3A_356] {strides = array<i32>} : memref<80x64xf32, #tpu.memory_space<vmem>>, vector<16xf32>,
        %mul3A_358 = arith.mulf %get3A_357, %gather3A_347 : vector<16xf32>
        %swap3A_359 = arith.index_cast %add3A_344 : i32 to index
        %swap3A_360 = arith.constant 16 : index
        %swap3A_361 = tpu.vector_load %arg11[%swap3A_359, %swap3A_360] {strides = array<i32>} : memref<80x64xf32, #tpu.memory_space<vmem>>, vector<16xf32>,
        tpu.vector_store %arg11[%swap3A_359, %swap3A_360], %mul3A_358 {strides = array<i32>} : memref<80x64xf32, #tpu.memory_space<vmem>>, vector<16xf32>,
        %get3A_362 = arith.index_cast %add3A_344 : i32 to index
        %get3A_363 = arith.constant 32 : index
        %get3A_364 = tpu.vector_load %arg11[%get3A_362, %get3A_363] {strides = array<i32>} : memref<80x64xf32, #tpu.memory_space<vmem>>, vector<16xf32>,
        %mul3A_365 = arith.mulf %get3A_364, %gather3A_347 : vector<16xf32>
        %swap3A_366 = arith.index_cast %add3A_344 : i32 to index
        %swap3A_367 = arith.constant 32 : index
        %swap3A_368 = tpu.vector_load %arg11[%swap3A_366, %swap3A_367] {strides = array<i32>} : memref<80x64xf32, #tpu.memory_space<vmem>>, vector<16xf32>,
        tpu.vector_store %arg11[%swap3A_366, %swap3A_367], %mul3A_365 {strides = array<i32>} : memref<80x64xf32, #tpu.memory_space<vmem>>, vector<16xf32>,
        %get3A_369 = arith.index_cast %add3A_344 : i32 to index
        %get3A_370 = arith.constant 48 : index
        %get3A_371 = tpu.vector_load %arg11[%get3A_369, %get3A_370] {strides = array<i32>} : memref<80x64xf32, #tpu.memory_space<vmem>>, vector<16xf32>,
        %mul3A_372 = arith.mulf %get3A_371, %gather3A_347 : vector<16xf32>
        %swap3A_373 = arith.index_cast %add3A_344 : i32 to index
        %swap3A_374 = arith.constant 48 : index
        %swap3A_375 = tpu.vector_load %arg11[%swap3A_373, %swap3A_374] {strides = array<i32>} : memref<80x64xf32, #tpu.memory_space<vmem>>, vector<16xf32>,
        tpu.vector_store %arg11[%swap3A_373, %swap3A_374], %mul3A_372 {strides = array<i32>} : memref<80x64xf32, #tpu.memory_space<vmem>>, vector<16xf32>,
        %scan3A_376 = arith.constant 3 : i32
        %scan3A_377 = arith.addi %scan3A_269, %scan3A_376 : i32
        %mul3A_378 = arith.constant 1 : i32
        %mul3A_379 = arith.muli %scan3A_377, %mul3A_378 : i32
        %add3A_380 = arith.constant 0 : i32
        %add3A_381 = arith.addi %add3A_380, %mul3A_379 : i32
        %add3A_382 = vector.broadcast %add3A_381 : i32 to vector<16xi32>
        %add3A_383 = arith.addi %broadcast_in_dim3A_189, %add3A_382 : vector<16xi32>
        %gather3A_384 = tpu.vector_load_idx %arg9[%add3A_383] : memref<20000xf32, #tpu.memory_space<vmem>>[vector<16xi32>], vector<16xf32>,
        %get3A_385 = arith.index_cast %add3A_381 : i32 to index
        %get3A_386 = arith.constant 0 : index
        %get3A_387 = tpu.vector_load %arg11[%get3A_385, %get3A_386] {strides = array<i32>} : memref<80x64xf32, #tpu.memory_space<vmem>>, vector<16xf32>,
        %mul3A_388 = arith.mulf %get3A_387, %gather3A_384 : vector<16xf32>
        %swap3A_389 = arith.index_cast %add3A_381 : i32 to index
        %swap3A_390 = arith.constant 0 : index
        %swap3A_391 = tpu.vector_load %arg11[%swap3A_389, %swap3A_390] {strides = array<i32>} : memref<80x64xf32, #tpu.memory_space<vmem>>, vector<16xf32>,
        tpu.vector_store %arg11[%swap3A_389, %swap3A_390], %mul3A_388 {strides = array<i32>} : memref<80x64xf32, #tpu.memory_space<vmem>>, vector<16xf32>,
        %get3A_392 = arith.index_cast %add3A_381 : i32 to index
        %get3A_393 = arith.constant 16 : index
        %get3A_394 = tpu.vector_load %arg11[%get3A_392, %get3A_393] {strides = array<i32>} : memref<80x64xf32, #tpu.memory_space<vmem>>, vector<16xf32>,
        %mul3A_395 = arith.mulf %get3A_394, %gather3A_384 : vector<16xf32>
        %swap3A_396 = arith.index_cast %add3A_381 : i32 to index
        %swap3A_397 = arith.constant 16 : index
        %swap3A_398 = tpu.vector_load %arg11[%swap3A_396, %swap3A_397] {strides = array<i32>} : memref<80x64xf32, #tpu.memory_space<vmem>>, vector<16xf32>,
        tpu.vector_store %arg11[%swap3A_396, %swap3A_397], %mul3A_395 {strides = array<i32>} : memref<80x64xf32, #tpu.memory_space<vmem>>, vector<16xf32>,
        %get3A_399 = arith.index_cast %add3A_381 : i32 to index
        %get3A_400 = arith.constant 32 : index
        %get3A_401 = tpu.vector_load %arg11[%get3A_399, %get3A_400] {strides = array<i32>} : memref<80x64xf32, #tpu.memory_space<vmem>>, vector<16xf32>,
        %mul3A_402 = arith.mulf %get3A_401, %gather3A_384 : vector<16xf32>
        %swap3A_403 = arith.index_cast %add3A_381 : i32 to index
        %swap3A_404 = arith.constant 32 : index
        %swap3A_405 = tpu.vector_load %arg11[%swap3A_403, %swap3A_404] {strides = array<i32>} : memref<80x64xf32, #tpu.memory_space<vmem>>, vector<16xf32>,
        tpu.vector_store %arg11[%swap3A_403, %swap3A_404], %mul3A_402 {strides = array<i32>} : memref<80x64xf32, #tpu.memory_space<vmem>>, vector<16xf32>,
        %get3A_406 = arith.index_cast %add3A_381 : i32 to index
        %get3A_407 = arith.constant 48 : index
        %get3A_408 = tpu.vector_load %arg11[%get3A_406, %get3A_407] {strides = array<i32>} : memref<80x64xf32, #tpu.memory_space<vmem>>, vector<16xf32>,
        %mul3A_409 = arith.mulf %get3A_408, %gather3A_384 : vector<16xf32>
        %swap3A_410 = arith.index_cast %add3A_381 : i32 to index
        %swap3A_411 = arith.constant 48 : index
        %swap3A_412 = tpu.vector_load %arg11[%swap3A_410, %swap3A_411] {strides = array<i32>} : memref<80x64xf32, #tpu.memory_space<vmem>>, vector<16xf32>,
        tpu.vector_store %arg11[%swap3A_410, %swap3A_411], %mul3A_409 {strides = array<i32>} : memref<80x64xf32, #tpu.memory_space<vmem>>, vector<16xf32>,
      }
      %scan3A_194 = arith.constant 80 : i32
      %dma_start3A_195 = arith.constant 0 : i32
      %dma_start3A_196 = tpu.memref_slice %arg8[%add3A_168, %dma_start3A_195] : memref<250x80xi32, #tpu.memory_space<vmem>> -> memref<1x80xi32, #tpu.memory_space<vmem>>
      %dma_start3A_197 = tpu.memref_squeeze %dma_start3A_196 : memref<1x80xi32, #tpu.memory_space<vmem>> -> memref<80xi32, #tpu.memory_space<vmem>>
      %dma_start3A_198 = arith.constant 0 : i32
      %dma_start3A_199 = arith.constant 0 : i32
      %dma_start3A_200 = tpu.memref_slice %arg22[%dma_start3A_198, %dma_start3A_199] : memref<10240x64xf32, #tpu.memory_space<vmem_shared>> -> memref<10240x64xf32, #tpu.memory_space<vmem_shared>>
      tpu.enqueue_indirect_dma source(%arg11 : memref<80x64xf32, #tpu.memory_space<vmem>>) target(%dma_start3A_200 : memref<10240x64xf32, #tpu.memory_space<vmem_shared>>) offsets(%dma_start3A_197 : memref<80xi32, #tpu.memory_space<vmem>>) semaphore(%arg19 : memref<!tpu.dma_semaphore, #tpu.memory_space<semaphore_mem>>) {add = true}
      %add3A_201 = arith.constant 2 : i32
      %add3A_202 = arith.addi %add3A_136, %add3A_201 : i32
      %ge3A_203 = arith.constant 2 : i32
      %ge3A_204 = arith.cmpi sge, %add3A_202, %ge3A_203 : i32
      %convert_element_type3A_205 = arith.extui %ge3A_204 : i1 to i32
      %cond3A_206 = arith.constant 0 : i32
      %cond3A_207 = arith.cmpi ne, %convert_element_type3A_205, %cond3A_206 : i32
      scf.if %cond3A_207 {
        %sub3A = arith.constant 2 : i32
        %sub3A_269 = arith.subi %add3A_202, %sub3A : i32
        %dma_wait3A_270 = arith.constant 0 : i32
        %dma_wait3A_271 = tpu.memref_slice %arg8[%sub3A_269, %dma_wait3A_270] : memref<250x80xi32, #tpu.memory_space<vmem>> -> memref<1x80xi32, #tpu.memory_space<vmem>>
        %dma_wait3A_272 = tpu.memref_squeeze %dma_wait3A_271 : memref<1x80xi32, #tpu.memory_space<vmem>> -> memref<80xi32, #tpu.memory_space<vmem>>
        %dma_wait3A_273 = arith.constant 0 : i32
        %dma_wait3A_274 = arith.constant 0 : i32
        %dma_wait3A_275 = tpu.memref_slice %arg22[%dma_wait3A_273, %dma_wait3A_274] : memref<10240x64xf32, #tpu.memory_space<vmem_shared>> -> memref<10240x64xf32, #tpu.memory_space<vmem_shared>>
        tpu.wait_indirect_dma semaphore(%arg18 : memref<!tpu.dma_semaphore, #tpu.memory_space<semaphore_mem>>) src(%arg10 : memref<80x64xf32, #tpu.memory_space<vmem>>) dst(%dma_wait3A_275 : memref<10240x64xf32, #tpu.memory_space<vmem_shared>>)
      } else {
      }
      %add3A_208 = arith.constant 2 : i32
      %add3A_209 = arith.addi %add3A_202, %add3A_208 : i32
      %lt3A_210 = arith.constant 250 : i32
      %lt3A_211 = arith.cmpi slt, %add3A_209, %lt3A_210 : i32
      %convert_element_type3A_212 = arith.extui %lt3A_211 : i1 to i32
      %cond3A_213 = arith.constant 0 : i32
      %cond3A_214 = arith.cmpi ne, %convert_element_type3A_212, %cond3A_213 : i32
      scf.if %cond3A_214 {
        %add3A_269 = arith.constant 2 : i32
        %add3A_270 = arith.addi %add3A_202, %add3A_269 : i32
        %dma_start3A_271 = arith.constant 0 : i32
        %dma_start3A_272 = tpu.memref_slice %arg7[%add3A_270, %dma_start3A_271] : memref<250x80xi32, #tpu.memory_space<vmem>> -> memref<1x80xi32, #tpu.memory_space<vmem>>
        %dma_start3A_273 = tpu.memref_squeeze %dma_start3A_272 : memref<1x80xi32, #tpu.memory_space<vmem>> -> memref<80xi32, #tpu.memory_space<vmem>>
        %dma_start3A_274 = arith.constant 0 : i32
        %dma_start3A_275 = arith.constant 0 : i32
        %dma_start3A_276 = tpu.memref_slice %arg2[%dma_start3A_274, %dma_start3A_275] : memref<20000x64xf32, #tpu.memory_space<hbm>> -> memref<20000x64xf32, #tpu.memory_space<hbm>>
        tpu.enqueue_indirect_dma source(%dma_start3A_276 : memref<20000x64xf32, #tpu.memory_space<hbm>>) target(%arg10 : memref<80x64xf32, #tpu.memory_space<vmem>>) offsets(%dma_start3A_273 : memref<80xi32, #tpu.memory_space<vmem>>) semaphore(%arg14 : memref<!tpu.dma_semaphore, #tpu.memory_space<semaphore_mem>>)
      } else {
      }
      %dma_wait3A_215 = arith.constant 0 : i32
      %dma_wait3A_216 = tpu.memref_slice %arg7[%add3A_202, %dma_wait3A_215] : memref<250x80xi32, #tpu.memory_space<vmem>> -> memref<1x80xi32, #tpu.memory_space<vmem>>
      %dma_wait3A_217 = tpu.memref_squeeze %dma_wait3A_216 : memref<1x80xi32, #tpu.memory_space<vmem>> -> memref<80xi32, #tpu.memory_space<vmem>>
      %dma_wait3A_218 = arith.constant 0 : i32
      %dma_wait3A_219 = arith.constant 0 : i32
      %dma_wait3A_220 = tpu.memref_slice %arg2[%dma_wait3A_218, %dma_wait3A_219] : memref<20000x64xf32, #tpu.memory_space<hbm>> -> memref<20000x64xf32, #tpu.memory_space<hbm>>
      tpu.wait_indirect_dma semaphore(%arg16 : memref<!tpu.dma_semaphore, #tpu.memory_space<semaphore_mem>>) src(%dma_wait3A_220 : memref<20000x64xf32, #tpu.memory_space<hbm>>) dst(%arg12 : memref<80x64xf32, #tpu.memory_space<vmem>>)
      %mul3A_221 = arith.constant 80 : i32
      %mul3A_222 = arith.muli %add3A_202, %mul3A_221 : i32
      %broadcast_in_dim3A_223 = vector.broadcast %mul3A_222 : i32 to vector<16xi32>
      %scan3A_224 = arith.constant 0 : i32
      %scan3A_225 = arith.constant 80 : i32
      %scan3A_226 = arith.addi %scan3A_224, %scan3A_225 : i32
      %scan3A_227 = arith.constant 4 : i32
      scf.for %scan3A_269 = %scan3A_224 to %scan3A_226 step %scan3A_227  : i32 {
        %mul3A_270 = arith.constant 1 : i32
        %mul3A_271 = arith.muli %scan3A_269, %mul3A_270 : i32
        %add3A_272 = arith.constant 0 : i32
        %add3A_273 = arith.addi %add3A_272, %mul3A_271 : i32
        %add3A_274 = vector.broadcast %add3A_273 : i32 to vector<16xi32>
        %add3A_275 = arith.addi %broadcast_in_dim3A_223, %add3A_274 : vector<16xi32>
        %gather3A = tpu.vector_load_idx %arg9[%add3A_275] : memref<20000xf32, #tpu.memory_space<vmem>>[vector<16xi32>], vector<16xf32>,
        %get3A = arith.index_cast %add3A_273 : i32 to index
        %get3A_276 = arith.constant 0 : index
        %get3A_277 = tpu.vector_load %arg12[%get3A, %get3A_276] {strides = array<i32>} : memref<80x64xf32, #tpu.memory_space<vmem>>, vector<16xf32>,
        %mul3A_278 = arith.mulf %get3A_277, %gather3A : vector<16xf32>
        %swap3A = arith.index_cast %add3A_273 : i32 to index
        %swap3A_279 = arith.constant 0 : index
        %swap3A_280 = tpu.vector_load %arg12[%swap3A, %swap3A_279] {strides = array<i32>} : memref<80x64xf32, #tpu.memory_space<vmem>>, vector<16xf32>,
        tpu.vector_store %arg12[%swap3A, %swap3A_279], %mul3A_278 {strides = array<i32>} : memref<80x64xf32, #tpu.memory_space<vmem>>, vector<16xf32>,
        %get3A_281 = arith.index_cast %add3A_273 : i32 to index
        %get3A_282 = arith.constant 16 : index
        %get3A_283 = tpu.vector_load %arg12[%get3A_281, %get3A_282] {strides = array<i32>} : memref<80x64xf32, #tpu.memory_space<vmem>>, vector<16xf32>,
        %mul3A_284 = arith.mulf %get3A_283, %gather3A : vector<16xf32>
        %swap3A_285 = arith.index_cast %add3A_273 : i32 to index
        %swap3A_286 = arith.constant 16 : index
        %swap3A_287 = tpu.vector_load %arg12[%swap3A_285, %swap3A_286] {strides = array<i32>} : memref<80x64xf32, #tpu.memory_space<vmem>>, vector<16xf32>,
        tpu.vector_store %arg12[%swap3A_285, %swap3A_286], %mul3A_284 {strides = array<i32>} : memref<80x64xf32, #tpu.memory_space<vmem>>, vector<16xf32>,
        %get3A_288 = arith.index_cast %add3A_273 : i32 to index
        %get3A_289 = arith.constant 32 : index
        %get3A_290 = tpu.vector_load %arg12[%get3A_288, %get3A_289] {strides = array<i32>} : memref<80x64xf32, #tpu.memory_space<vmem>>, vector<16xf32>,
        %mul3A_291 = arith.mulf %get3A_290, %gather3A : vector<16xf32>
        %swap3A_292 = arith.index_cast %add3A_273 : i32 to index
        %swap3A_293 = arith.constant 32 : index
        %swap3A_294 = tpu.vector_load %arg12[%swap3A_292, %swap3A_293] {strides = array<i32>} : memref<80x64xf32, #tpu.memory_space<vmem>>, vector<16xf32>,
        tpu.vector_store %arg12[%swap3A_292, %swap3A_293], %mul3A_291 {strides = array<i32>} : memref<80x64xf32, #tpu.memory_space<vmem>>, vector<16xf32>,
        %get3A_295 = arith.index_cast %add3A_273 : i32 to index
        %get3A_296 = arith.constant 48 : index
        %get3A_297 = tpu.vector_load %arg12[%get3A_295, %get3A_296] {strides = array<i32>} : memref<80x64xf32, #tpu.memory_space<vmem>>, vector<16xf32>,
        %mul3A_298 = arith.mulf %get3A_297, %gather3A : vector<16xf32>
        %swap3A_299 = arith.index_cast %add3A_273 : i32 to index
        %swap3A_300 = arith.constant 48 : index
        %swap3A_301 = tpu.vector_load %arg12[%swap3A_299, %swap3A_300] {strides = array<i32>} : memref<80x64xf32, #tpu.memory_space<vmem>>, vector<16xf32>,
        tpu.vector_store %arg12[%swap3A_299, %swap3A_300], %mul3A_298 {strides = array<i32>} : memref<80x64xf32, #tpu.memory_space<vmem>>, vector<16xf32>,
        %scan3A_302 = arith.constant 1 : i32
        %scan3A_303 = arith.addi %scan3A_269, %scan3A_302 : i32
        %mul3A_304 = arith.constant 1 : i32
        %mul3A_305 = arith.muli %scan3A_303, %mul3A_304 : i32
        %add3A_306 = arith.constant 0 : i32
        %add3A_307 = arith.addi %add3A_306, %mul3A_305 : i32
        %add3A_308 = vector.broadcast %add3A_307 : i32 to vector<16xi32>
        %add3A_309 = arith.addi %broadcast_in_dim3A_223, %add3A_308 : vector<16xi32>
        %gather3A_310 = tpu.vector_load_idx %arg9[%add3A_309] : memref<20000xf32, #tpu.memory_space<vmem>>[vector<16xi32>], vector<16xf32>,
        %get3A_311 = arith.index_cast %add3A_307 : i32 to index
        %get3A_312 = arith.constant 0 : index
        %get3A_313 = tpu.vector_load %arg12[%get3A_311, %get3A_312] {strides = array<i32>} : memref<80x64xf32, #tpu.memory_space<vmem>>, vector<16xf32>,
        %mul3A_314 = arith.mulf %get3A_313, %gather3A_310 : vector<16xf32>
        %swap3A_315 = arith.index_cast %add3A_307 : i32 to index
        %swap3A_316 = arith.constant 0 : index
        %swap3A_317 = tpu.vector_load %arg12[%swap3A_315, %swap3A_316] {strides = array<i32>} : memref<80x64xf32, #tpu.memory_space<vmem>>, vector<16xf32>,
        tpu.vector_store %arg12[%swap3A_315, %swap3A_316], %mul3A_314 {strides = array<i32>} : memref<80x64xf32, #tpu.memory_space<vmem>>, vector<16xf32>,
        %get3A_318 = arith.index_cast %add3A_307 : i32 to index
        %get3A_319 = arith.constant 16 : index
        %get3A_320 = tpu.vector_load %arg12[%get3A_318, %get3A_319] {strides = array<i32>} : memref<80x64xf32, #tpu.memory_space<vmem>>, vector<16xf32>,
        %mul3A_321 = arith.mulf %get3A_320, %gather3A_310 : vector<16xf32>
        %swap3A_322 = arith.index_cast %add3A_307 : i32 to index
        %swap3A_323 = arith.constant 16 : index
        %swap3A_324 = tpu.vector_load %arg12[%swap3A_322, %swap3A_323] {strides = array<i32>} : memref<80x64xf32, #tpu.memory_space<vmem>>, vector<16xf32>,
        tpu.vector_store %arg12[%swap3A_322, %swap3A_323], %mul3A_321 {strides = array<i32>} : memref<80x64xf32, #tpu.memory_space<vmem>>, vector<16xf32>,
        %get3A_325 = arith.index_cast %add3A_307 : i32 to index
        %get3A_326 = arith.constant 32 : index
        %get3A_327 = tpu.vector_load %arg12[%get3A_325, %get3A_326] {strides = array<i32>} : memref<80x64xf32, #tpu.memory_space<vmem>>, vector<16xf32>,
        %mul3A_328 = arith.mulf %get3A_327, %gather3A_310 : vector<16xf32>
        %swap3A_329 = arith.index_cast %add3A_307 : i32 to index
        %swap3A_330 = arith.constant 32 : index
        %swap3A_331 = tpu.vector_load %arg12[%swap3A_329, %swap3A_330] {strides = array<i32>} : memref<80x64xf32, #tpu.memory_space<vmem>>, vector<16xf32>,
        tpu.vector_store %arg12[%swap3A_329, %swap3A_330], %mul3A_328 {strides = array<i32>} : memref<80x64xf32, #tpu.memory_space<vmem>>, vector<16xf32>,
        %get3A_332 = arith.index_cast %add3A_307 : i32 to index
        %get3A_333 = arith.constant 48 : index
        %get3A_334 = tpu.vector_load %arg12[%get3A_332, %get3A_333] {strides = array<i32>} : memref<80x64xf32, #tpu.memory_space<vmem>>, vector<16xf32>,
        %mul3A_335 = arith.mulf %get3A_334, %gather3A_310 : vector<16xf32>
        %swap3A_336 = arith.index_cast %add3A_307 : i32 to index
        %swap3A_337 = arith.constant 48 : index
        %swap3A_338 = tpu.vector_load %arg12[%swap3A_336, %swap3A_337] {strides = array<i32>} : memref<80x64xf32, #tpu.memory_space<vmem>>, vector<16xf32>,
        tpu.vector_store %arg12[%swap3A_336, %swap3A_337], %mul3A_335 {strides = array<i32>} : memref<80x64xf32, #tpu.memory_space<vmem>>, vector<16xf32>,
        %scan3A_339 = arith.constant 2 : i32
        %scan3A_340 = arith.addi %scan3A_269, %scan3A_339 : i32
        %mul3A_341 = arith.constant 1 : i32
        %mul3A_342 = arith.muli %scan3A_340, %mul3A_341 : i32
        %add3A_343 = arith.constant 0 : i32
        %add3A_344 = arith.addi %add3A_343, %mul3A_342 : i32
        %add3A_345 = vector.broadcast %add3A_344 : i32 to vector<16xi32>
        %add3A_346 = arith.addi %broadcast_in_dim3A_223, %add3A_345 : vector<16xi32>
        %gather3A_347 = tpu.vector_load_idx %arg9[%add3A_346] : memref<20000xf32, #tpu.memory_space<vmem>>[vector<16xi32>], vector<16xf32>,
        %get3A_348 = arith.index_cast %add3A_344 : i32 to index
        %get3A_349 = arith.constant 0 : index
        %get3A_350 = tpu.vector_load %arg12[%get3A_348, %get3A_349] {strides = array<i32>} : memref<80x64xf32, #tpu.memory_space<vmem>>, vector<16xf32>,
        %mul3A_351 = arith.mulf %get3A_350, %gather3A_347 : vector<16xf32>
        %swap3A_352 = arith.index_cast %add3A_344 : i32 to index
        %swap3A_353 = arith.constant 0 : index
        %swap3A_354 = tpu.vector_load %arg12[%swap3A_352, %swap3A_353] {strides = array<i32>} : memref<80x64xf32, #tpu.memory_space<vmem>>, vector<16xf32>,
        tpu.vector_store %arg12[%swap3A_352, %swap3A_353], %mul3A_351 {strides = array<i32>} : memref<80x64xf32, #tpu.memory_space<vmem>>, vector<16xf32>,
        %get3A_355 = arith.index_cast %add3A_344 : i32 to index
        %get3A_356 = arith.constant 16 : index
        %get3A_357 = tpu.vector_load %arg12[%get3A_355, %get3A_356] {strides = array<i32>} : memref<80x64xf32, #tpu.memory_space<vmem>>, vector<16xf32>,
        %mul3A_358 = arith.mulf %get3A_357, %gather3A_347 : vector<16xf32>
        %swap3A_359 = arith.index_cast %add3A_344 : i32 to index
        %swap3A_360 = arith.constant 16 : index
        %swap3A_361 = tpu.vector_load %arg12[%swap3A_359, %swap3A_360] {strides = array<i32>} : memref<80x64xf32, #tpu.memory_space<vmem>>, vector<16xf32>,
        tpu.vector_store %arg12[%swap3A_359, %swap3A_360], %mul3A_358 {strides = array<i32>} : memref<80x64xf32, #tpu.memory_space<vmem>>, vector<16xf32>,
        %get3A_362 = arith.index_cast %add3A_344 : i32 to index
        %get3A_363 = arith.constant 32 : index
        %get3A_364 = tpu.vector_load %arg12[%get3A_362, %get3A_363] {strides = array<i32>} : memref<80x64xf32, #tpu.memory_space<vmem>>, vector<16xf32>,
        %mul3A_365 = arith.mulf %get3A_364, %gather3A_347 : vector<16xf32>
        %swap3A_366 = arith.index_cast %add3A_344 : i32 to index
        %swap3A_367 = arith.constant 32 : index
        %swap3A_368 = tpu.vector_load %arg12[%swap3A_366, %swap3A_367] {strides = array<i32>} : memref<80x64xf32, #tpu.memory_space<vmem>>, vector<16xf32>,
        tpu.vector_store %arg12[%swap3A_366, %swap3A_367], %mul3A_365 {strides = array<i32>} : memref<80x64xf32, #tpu.memory_space<vmem>>, vector<16xf32>,
        %get3A_369 = arith.index_cast %add3A_344 : i32 to index
        %get3A_370 = arith.constant 48 : index
        %get3A_371 = tpu.vector_load %arg12[%get3A_369, %get3A_370] {strides = array<i32>} : memref<80x64xf32, #tpu.memory_space<vmem>>, vector<16xf32>,
        %mul3A_372 = arith.mulf %get3A_371, %gather3A_347 : vector<16xf32>
        %swap3A_373 = arith.index_cast %add3A_344 : i32 to index
        %swap3A_374 = arith.constant 48 : index
        %swap3A_375 = tpu.vector_load %arg12[%swap3A_373, %swap3A_374] {strides = array<i32>} : memref<80x64xf32, #tpu.memory_space<vmem>>, vector<16xf32>,
        tpu.vector_store %arg12[%swap3A_373, %swap3A_374], %mul3A_372 {strides = array<i32>} : memref<80x64xf32, #tpu.memory_space<vmem>>, vector<16xf32>,
        %scan3A_376 = arith.constant 3 : i32
        %scan3A_377 = arith.addi %scan3A_269, %scan3A_376 : i32
        %mul3A_378 = arith.constant 1 : i32
        %mul3A_379 = arith.muli %scan3A_377, %mul3A_378 : i32
        %add3A_380 = arith.constant 0 : i32
        %add3A_381 = arith.addi %add3A_380, %mul3A_379 : i32
        %add3A_382 = vector.broadcast %add3A_381 : i32 to vector<16xi32>
        %add3A_383 = arith.addi %broadcast_in_dim3A_223, %add3A_382 : vector<16xi32>
        %gather3A_384 = tpu.vector_load_idx %arg9[%add3A_383] : memref<20000xf32, #tpu.memory_space<vmem>>[vector<16xi32>], vector<16xf32>,
        %get3A_385 = arith.index_cast %add3A_381 : i32 to index
        %get3A_386 = arith.constant 0 : index
        %get3A_387 = tpu.vector_load %arg12[%get3A_385, %get3A_386] {strides = array<i32>} : memref<80x64xf32, #tpu.memory_space<vmem>>, vector<16xf32>,
        %mul3A_388 = arith.mulf %get3A_387, %gather3A_384 : vector<16xf32>
        %swap3A_389 = arith.index_cast %add3A_381 : i32 to index
        %swap3A_390 = arith.constant 0 : index
        %swap3A_391 = tpu.vector_load %arg12[%swap3A_389, %swap3A_390] {strides = array<i32>} : memref<80x64xf32, #tpu.memory_space<vmem>>, vector<16xf32>,
        tpu.vector_store %arg12[%swap3A_389, %swap3A_390], %mul3A_388 {strides = array<i32>} : memref<80x64xf32, #tpu.memory_space<vmem>>, vector<16xf32>,
        %get3A_392 = arith.index_cast %add3A_381 : i32 to index
        %get3A_393 = arith.constant 16 : index
        %get3A_394 = tpu.vector_load %arg12[%get3A_392, %get3A_393] {strides = array<i32>} : memref<80x64xf32, #tpu.memory_space<vmem>>, vector<16xf32>,
        %mul3A_395 = arith.mulf %get3A_394, %gather3A_384 : vector<16xf32>
        %swap3A_396 = arith.index_cast %add3A_381 : i32 to index
        %swap3A_397 = arith.constant 16 : index
        %swap3A_398 = tpu.vector_load %arg12[%swap3A_396, %swap3A_397] {strides = array<i32>} : memref<80x64xf32, #tpu.memory_space<vmem>>, vector<16xf32>,
        tpu.vector_store %arg12[%swap3A_396, %swap3A_397], %mul3A_395 {strides = array<i32>} : memref<80x64xf32, #tpu.memory_space<vmem>>, vector<16xf32>,
        %get3A_399 = arith.index_cast %add3A_381 : i32 to index
        %get3A_400 = arith.constant 32 : index
        %get3A_401 = tpu.vector_load %arg12[%get3A_399, %get3A_400] {strides = array<i32>} : memref<80x64xf32, #tpu.memory_space<vmem>>, vector<16xf32>,
        %mul3A_402 = arith.mulf %get3A_401, %gather3A_384 : vector<16xf32>
        %swap3A_403 = arith.index_cast %add3A_381 : i32 to index
        %swap3A_404 = arith.constant 32 : index
        %swap3A_405 = tpu.vector_load %arg12[%swap3A_403, %swap3A_404] {strides = array<i32>} : memref<80x64xf32, #tpu.memory_space<vmem>>, vector<16xf32>,
        tpu.vector_store %arg12[%swap3A_403, %swap3A_404], %mul3A_402 {strides = array<i32>} : memref<80x64xf32, #tpu.memory_space<vmem>>, vector<16xf32>,
        %get3A_406 = arith.index_cast %add3A_381 : i32 to index
        %get3A_407 = arith.constant 48 : index
        %get3A_408 = tpu.vector_load %arg12[%get3A_406, %get3A_407] {strides = array<i32>} : memref<80x64xf32, #tpu.memory_space<vmem>>, vector<16xf32>,
        %mul3A_409 = arith.mulf %get3A_408, %gather3A_384 : vector<16xf32>
        %swap3A_410 = arith.index_cast %add3A_381 : i32 to index
        %swap3A_411 = arith.constant 48 : index
        %swap3A_412 = tpu.vector_load %arg12[%swap3A_410, %swap3A_411] {strides = array<i32>} : memref<80x64xf32, #tpu.memory_space<vmem>>, vector<16xf32>,
        tpu.vector_store %arg12[%swap3A_410, %swap3A_411], %mul3A_409 {strides = array<i32>} : memref<80x64xf32, #tpu.memory_space<vmem>>, vector<16xf32>,
      }
      %scan3A_228 = arith.constant 80 : i32
      %dma_start3A_229 = arith.constant 0 : i32
      %dma_start3A_230 = tpu.memref_slice %arg8[%add3A_202, %dma_start3A_229] : memref<250x80xi32, #tpu.memory_space<vmem>> -> memref<1x80xi32, #tpu.memory_space<vmem>>
      %dma_start3A_231 = tpu.memref_squeeze %dma_start3A_230 : memref<1x80xi32, #tpu.memory_space<vmem>> -> memref<80xi32, #tpu.memory_space<vmem>>
      %dma_start3A_232 = arith.constant 0 : i32
      %dma_start3A_233 = arith.constant 0 : i32
      %dma_start3A_234 = tpu.memref_slice %arg22[%dma_start3A_232, %dma_start3A_233] : memref<10240x64xf32, #tpu.memory_space<vmem_shared>> -> memref<10240x64xf32, #tpu.memory_space<vmem_shared>>
      tpu.enqueue_indirect_dma source(%arg12 : memref<80x64xf32, #tpu.memory_space<vmem>>) target(%dma_start3A_234 : memref<10240x64xf32, #tpu.memory_space<vmem_shared>>) offsets(%dma_start3A_231 : memref<80xi32, #tpu.memory_space<vmem>>) semaphore(%arg20 : memref<!tpu.dma_semaphore, #tpu.memory_space<semaphore_mem>>) {add = true}
      %add3A_235 = arith.constant 3 : i32
      %add3A_236 = arith.addi %add3A_136, %add3A_235 : i32
      %ge3A_237 = arith.constant 2 : i32
      %ge3A_238 = arith.cmpi sge, %add3A_236, %ge3A_237 : i32
      %convert_element_type3A_239 = arith.extui %ge3A_238 : i1 to i32
      %cond3A_240 = arith.constant 0 : i32
      %cond3A_241 = arith.cmpi ne, %convert_element_type3A_239, %cond3A_240 : i32
      scf.if %cond3A_241 {
        %sub3A = arith.constant 2 : i32
        %sub3A_269 = arith.subi %add3A_236, %sub3A : i32
        %dma_wait3A_270 = arith.constant 0 : i32
        %dma_wait3A_271 = tpu.memref_slice %arg8[%sub3A_269, %dma_wait3A_270] : memref<250x80xi32, #tpu.memory_space<vmem>> -> memref<1x80xi32, #tpu.memory_space<vmem>>
        %dma_wait3A_272 = tpu.memref_squeeze %dma_wait3A_271 : memref<1x80xi32, #tpu.memory_space<vmem>> -> memref<80xi32, #tpu.memory_space<vmem>>
        %dma_wait3A_273 = arith.constant 0 : i32
        %dma_wait3A_274 = arith.constant 0 : i32
        %dma_wait3A_275 = tpu.memref_slice %arg22[%dma_wait3A_273, %dma_wait3A_274] : memref<10240x64xf32, #tpu.memory_space<vmem_shared>> -> memref<10240x64xf32, #tpu.memory_space<vmem_shared>>
        tpu.wait_indirect_dma semaphore(%arg19 : memref<!tpu.dma_semaphore, #tpu.memory_space<semaphore_mem>>) src(%arg11 : memref<80x64xf32, #tpu.memory_space<vmem>>) dst(%dma_wait3A_275 : memref<10240x64xf32, #tpu.memory_space<vmem_shared>>)
      } else {
      }
      %add3A_242 = arith.constant 2 : i32
      %add3A_243 = arith.addi %add3A_236, %add3A_242 : i32
      %lt3A_244 = arith.constant 250 : i32
      %lt3A_245 = arith.cmpi slt, %add3A_243, %lt3A_244 : i32
      %convert_element_type3A_246 = arith.extui %lt3A_245 : i1 to i32
      %cond3A_247 = arith.constant 0 : i32
      %cond3A_248 = arith.cmpi ne, %convert_element_type3A_246, %cond3A_247 : i32
      scf.if %cond3A_248 {
        %add3A_269 = arith.constant 2 : i32
        %add3A_270 = arith.addi %add3A_236, %add3A_269 : i32
        %dma_start3A_271 = arith.constant 0 : i32
        %dma_start3A_272 = tpu.memref_slice %arg7[%add3A_270, %dma_start3A_271] : memref<250x80xi32, #tpu.memory_space<vmem>> -> memref<1x80xi32, #tpu.memory_space<vmem>>
        %dma_start3A_273 = tpu.memref_squeeze %dma_start3A_272 : memref<1x80xi32, #tpu.memory_space<vmem>> -> memref<80xi32, #tpu.memory_space<vmem>>
        %dma_start3A_274 = arith.constant 0 : i32
        %dma_start3A_275 = arith.constant 0 : i32
        %dma_start3A_276 = tpu.memref_slice %arg2[%dma_start3A_274, %dma_start3A_275] : memref<20000x64xf32, #tpu.memory_space<hbm>> -> memref<20000x64xf32, #tpu.memory_space<hbm>>
        tpu.enqueue_indirect_dma source(%dma_start3A_276 : memref<20000x64xf32, #tpu.memory_space<hbm>>) target(%arg11 : memref<80x64xf32, #tpu.memory_space<vmem>>) offsets(%dma_start3A_273 : memref<80xi32, #tpu.memory_space<vmem>>) semaphore(%arg15 : memref<!tpu.dma_semaphore, #tpu.memory_space<semaphore_mem>>)
      } else {
      }
      %dma_wait3A_249 = arith.constant 0 : i32
      %dma_wait3A_250 = tpu.memref_slice %arg7[%add3A_236, %dma_wait3A_249] : memref<250x80xi32, #tpu.memory_space<vmem>> -> memref<1x80xi32, #tpu.memory_space<vmem>>
      %dma_wait3A_251 = tpu.memref_squeeze %dma_wait3A_250 : memref<1x80xi32, #tpu.memory_space<vmem>> -> memref<80xi32, #tpu.memory_space<vmem>>
      %dma_wait3A_252 = arith.constant 0 : i32
      %dma_wait3A_253 = arith.constant 0 : i32
      %dma_wait3A_254 = tpu.memref_slice %arg2[%dma_wait3A_252, %dma_wait3A_253] : memref<20000x64xf32, #tpu.memory_space<hbm>> -> memref<20000x64xf32, #tpu.memory_space<hbm>>
      tpu.wait_indirect_dma semaphore(%arg17 : memref<!tpu.dma_semaphore, #tpu.memory_space<semaphore_mem>>) src(%dma_wait3A_254 : memref<20000x64xf32, #tpu.memory_space<hbm>>) dst(%arg13 : memref<80x64xf32, #tpu.memory_space<vmem>>)
      %mul3A_255 = arith.constant 80 : i32
      %mul3A_256 = arith.muli %add3A_236, %mul3A_255 : i32
      %broadcast_in_dim3A_257 = vector.broadcast %mul3A_256 : i32 to vector<16xi32>
      %scan3A_258 = arith.constant 0 : i32
      %scan3A_259 = arith.constant 80 : i32
      %scan3A_260 = arith.addi %scan3A_258, %scan3A_259 : i32
      %scan3A_261 = arith.constant 4 : i32
      scf.for %scan3A_269 = %scan3A_258 to %scan3A_260 step %scan3A_261  : i32 {
        %mul3A_270 = arith.constant 1 : i32
        %mul3A_271 = arith.muli %scan3A_269, %mul3A_270 : i32
        %add3A_272 = arith.constant 0 : i32
        %add3A_273 = arith.addi %add3A_272, %mul3A_271 : i32
        %add3A_274 = vector.broadcast %add3A_273 : i32 to vector<16xi32>
        %add3A_275 = arith.addi %broadcast_in_dim3A_257, %add3A_274 : vector<16xi32>
        %gather3A = tpu.vector_load_idx %arg9[%add3A_275] : memref<20000xf32, #tpu.memory_space<vmem>>[vector<16xi32>], vector<16xf32>,
        %get3A = arith.index_cast %add3A_273 : i32 to index
        %get3A_276 = arith.constant 0 : index
        %get3A_277 = tpu.vector_load %arg13[%get3A, %get3A_276] {strides = array<i32>} : memref<80x64xf32, #tpu.memory_space<vmem>>, vector<16xf32>,
        %mul3A_278 = arith.mulf %get3A_277, %gather3A : vector<16xf32>
        %swap3A = arith.index_cast %add3A_273 : i32 to index
        %swap3A_279 = arith.constant 0 : index
        %swap3A_280 = tpu.vector_load %arg13[%swap3A, %swap3A_279] {strides = array<i32>} : memref<80x64xf32, #tpu.memory_space<vmem>>, vector<16xf32>,
        tpu.vector_store %arg13[%swap3A, %swap3A_279], %mul3A_278 {strides = array<i32>} : memref<80x64xf32, #tpu.memory_space<vmem>>, vector<16xf32>,
        %get3A_281 = arith.index_cast %add3A_273 : i32 to index
        %get3A_282 = arith.constant 16 : index
        %get3A_283 = tpu.vector_load %arg13[%get3A_281, %get3A_282] {strides = array<i32>} : memref<80x64xf32, #tpu.memory_space<vmem>>, vector<16xf32>,
        %mul3A_284 = arith.mulf %get3A_283, %gather3A : vector<16xf32>
        %swap3A_285 = arith.index_cast %add3A_273 : i32 to index
        %swap3A_286 = arith.constant 16 : index
        %swap3A_287 = tpu.vector_load %arg13[%swap3A_285, %swap3A_286] {strides = array<i32>} : memref<80x64xf32, #tpu.memory_space<vmem>>, vector<16xf32>,
        tpu.vector_store %arg13[%swap3A_285, %swap3A_286], %mul3A_284 {strides = array<i32>} : memref<80x64xf32, #tpu.memory_space<vmem>>, vector<16xf32>,
        %get3A_288 = arith.index_cast %add3A_273 : i32 to index
        %get3A_289 = arith.constant 32 : index
        %get3A_290 = tpu.vector_load %arg13[%get3A_288, %get3A_289] {strides = array<i32>} : memref<80x64xf32, #tpu.memory_space<vmem>>, vector<16xf32>,
        %mul3A_291 = arith.mulf %get3A_290, %gather3A : vector<16xf32>
        %swap3A_292 = arith.index_cast %add3A_273 : i32 to index
        %swap3A_293 = arith.constant 32 : index
        %swap3A_294 = tpu.vector_load %arg13[%swap3A_292, %swap3A_293] {strides = array<i32>} : memref<80x64xf32, #tpu.memory_space<vmem>>, vector<16xf32>,
        tpu.vector_store %arg13[%swap3A_292, %swap3A_293], %mul3A_291 {strides = array<i32>} : memref<80x64xf32, #tpu.memory_space<vmem>>, vector<16xf32>,
        %get3A_295 = arith.index_cast %add3A_273 : i32 to index
        %get3A_296 = arith.constant 48 : index
        %get3A_297 = tpu.vector_load %arg13[%get3A_295, %get3A_296] {strides = array<i32>} : memref<80x64xf32, #tpu.memory_space<vmem>>, vector<16xf32>,
        %mul3A_298 = arith.mulf %get3A_297, %gather3A : vector<16xf32>
        %swap3A_299 = arith.index_cast %add3A_273 : i32 to index
        %swap3A_300 = arith.constant 48 : index
        %swap3A_301 = tpu.vector_load %arg13[%swap3A_299, %swap3A_300] {strides = array<i32>} : memref<80x64xf32, #tpu.memory_space<vmem>>, vector<16xf32>,
        tpu.vector_store %arg13[%swap3A_299, %swap3A_300], %mul3A_298 {strides = array<i32>} : memref<80x64xf32, #tpu.memory_space<vmem>>, vector<16xf32>,
        %scan3A_302 = arith.constant 1 : i32
        %scan3A_303 = arith.addi %scan3A_269, %scan3A_302 : i32
        %mul3A_304 = arith.constant 1 : i32
        %mul3A_305 = arith.muli %scan3A_303, %mul3A_304 : i32
        %add3A_306 = arith.constant 0 : i32
        %add3A_307 = arith.addi %add3A_306, %mul3A_305 : i32
        %add3A_308 = vector.broadcast %add3A_307 : i32 to vector<16xi32>
        %add3A_309 = arith.addi %broadcast_in_dim3A_257, %add3A_308 : vector<16xi32>
        %gather3A_310 = tpu.vector_load_idx %arg9[%add3A_309] : memref<20000xf32, #tpu.memory_space<vmem>>[vector<16xi32>], vector<16xf32>,
        %get3A_311 = arith.index_cast %add3A_307 : i32 to index
        %get3A_312 = arith.constant 0 : index
        %get3A_313 = tpu.vector_load %arg13[%get3A_311, %get3A_312] {strides = array<i32>} : memref<80x64xf32, #tpu.memory_space<vmem>>, vector<16xf32>,
        %mul3A_314 = arith.mulf %get3A_313, %gather3A_310 : vector<16xf32>
        %swap3A_315 = arith.index_cast %add3A_307 : i32 to index
        %swap3A_316 = arith.constant 0 : index
        %swap3A_317 = tpu.vector_load %arg13[%swap3A_315, %swap3A_316] {strides = array<i32>} : memref<80x64xf32, #tpu.memory_space<vmem>>, vector<16xf32>,
        tpu.vector_store %arg13[%swap3A_315, %swap3A_316], %mul3A_314 {strides = array<i32>} : memref<80x64xf32, #tpu.memory_space<vmem>>, vector<16xf32>,
        %get3A_318 = arith.index_cast %add3A_307 : i32 to index
        %get3A_319 = arith.constant 16 : index
        %get3A_320 = tpu.vector_load %arg13[%get3A_318, %get3A_319] {strides = array<i32>} : memref<80x64xf32, #tpu.memory_space<vmem>>, vector<16xf32>,
        %mul3A_321 = arith.mulf %get3A_320, %gather3A_310 : vector<16xf32>
        %swap3A_322 = arith.index_cast %add3A_307 : i32 to index
        %swap3A_323 = arith.constant 16 : index
        %swap3A_324 = tpu.vector_load %arg13[%swap3A_322, %swap3A_323] {strides = array<i32>} : memref<80x64xf32, #tpu.memory_space<vmem>>, vector<16xf32>,
        tpu.vector_store %arg13[%swap3A_322, %swap3A_323], %mul3A_321 {strides = array<i32>} : memref<80x64xf32, #tpu.memory_space<vmem>>, vector<16xf32>,
        %get3A_325 = arith.index_cast %add3A_307 : i32 to index
        %get3A_326 = arith.constant 32 : index
        %get3A_327 = tpu.vector_load %arg13[%get3A_325, %get3A_326] {strides = array<i32>} : memref<80x64xf32, #tpu.memory_space<vmem>>, vector<16xf32>,
        %mul3A_328 = arith.mulf %get3A_327, %gather3A_310 : vector<16xf32>
        %swap3A_329 = arith.index_cast %add3A_307 : i32 to index
        %swap3A_330 = arith.constant 32 : index
        %swap3A_331 = tpu.vector_load %arg13[%swap3A_329, %swap3A_330] {strides = array<i32>} : memref<80x64xf32, #tpu.memory_space<vmem>>, vector<16xf32>,
        tpu.vector_store %arg13[%swap3A_329, %swap3A_330], %mul3A_328 {strides = array<i32>} : memref<80x64xf32, #tpu.memory_space<vmem>>, vector<16xf32>,
        %get3A_332 = arith.index_cast %add3A_307 : i32 to index
        %get3A_333 = arith.constant 48 : index
        %get3A_334 = tpu.vector_load %arg13[%get3A_332, %get3A_333] {strides = array<i32>} : memref<80x64xf32, #tpu.memory_space<vmem>>, vector<16xf32>,
        %mul3A_335 = arith.mulf %get3A_334, %gather3A_310 : vector<16xf32>
        %swap3A_336 = arith.index_cast %add3A_307 : i32 to index
        %swap3A_337 = arith.constant 48 : index
        %swap3A_338 = tpu.vector_load %arg13[%swap3A_336, %swap3A_337] {strides = array<i32>} : memref<80x64xf32, #tpu.memory_space<vmem>>, vector<16xf32>,
        tpu.vector_store %arg13[%swap3A_336, %swap3A_337], %mul3A_335 {strides = array<i32>} : memref<80x64xf32, #tpu.memory_space<vmem>>, vector<16xf32>,
        %scan3A_339 = arith.constant 2 : i32
        %scan3A_340 = arith.addi %scan3A_269, %scan3A_339 : i32
        %mul3A_341 = arith.constant 1 : i32
        %mul3A_342 = arith.muli %scan3A_340, %mul3A_341 : i32
        %add3A_343 = arith.constant 0 : i32
        %add3A_344 = arith.addi %add3A_343, %mul3A_342 : i32
        %add3A_345 = vector.broadcast %add3A_344 : i32 to vector<16xi32>
        %add3A_346 = arith.addi %broadcast_in_dim3A_257, %add3A_345 : vector<16xi32>
        %gather3A_347 = tpu.vector_load_idx %arg9[%add3A_346] : memref<20000xf32, #tpu.memory_space<vmem>>[vector<16xi32>], vector<16xf32>,
        %get3A_348 = arith.index_cast %add3A_344 : i32 to index
        %get3A_349 = arith.constant 0 : index
        %get3A_350 = tpu.vector_load %arg13[%get3A_348, %get3A_349] {strides = array<i32>} : memref<80x64xf32, #tpu.memory_space<vmem>>, vector<16xf32>,
        %mul3A_351 = arith.mulf %get3A_350, %gather3A_347 : vector<16xf32>
        %swap3A_352 = arith.index_cast %add3A_344 : i32 to index
        %swap3A_353 = arith.constant 0 : index
        %swap3A_354 = tpu.vector_load %arg13[%swap3A_352, %swap3A_353] {strides = array<i32>} : memref<80x64xf32, #tpu.memory_space<vmem>>, vector<16xf32>,
        tpu.vector_store %arg13[%swap3A_352, %swap3A_353], %mul3A_351 {strides = array<i32>} : memref<80x64xf32, #tpu.memory_space<vmem>>, vector<16xf32>,
        %get3A_355 = arith.index_cast %add3A_344 : i32 to index
        %get3A_356 = arith.constant 16 : index
        %get3A_357 = tpu.vector_load %arg13[%get3A_355, %get3A_356] {strides = array<i32>} : memref<80x64xf32, #tpu.memory_space<vmem>>, vector<16xf32>,
        %mul3A_358 = arith.mulf %get3A_357, %gather3A_347 : vector<16xf32>
        %swap3A_359 = arith.index_cast %add3A_344 : i32 to index
        %swap3A_360 = arith.constant 16 : index
        %swap3A_361 = tpu.vector_load %arg13[%swap3A_359, %swap3A_360] {strides = array<i32>} : memref<80x64xf32, #tpu.memory_space<vmem>>, vector<16xf32>,
        tpu.vector_store %arg13[%swap3A_359, %swap3A_360], %mul3A_358 {strides = array<i32>} : memref<80x64xf32, #tpu.memory_space<vmem>>, vector<16xf32>,
        %get3A_362 = arith.index_cast %add3A_344 : i32 to index
        %get3A_363 = arith.constant 32 : index
        %get3A_364 = tpu.vector_load %arg13[%get3A_362, %get3A_363] {strides = array<i32>} : memref<80x64xf32, #tpu.memory_space<vmem>>, vector<16xf32>,
        %mul3A_365 = arith.mulf %get3A_364, %gather3A_347 : vector<16xf32>
        %swap3A_366 = arith.index_cast %add3A_344 : i32 to index
        %swap3A_367 = arith.constant 32 : index
        %swap3A_368 = tpu.vector_load %arg13[%swap3A_366, %swap3A_367] {strides = array<i32>} : memref<80x64xf32, #tpu.memory_space<vmem>>, vector<16xf32>,
        tpu.vector_store %arg13[%swap3A_366, %swap3A_367], %mul3A_365 {strides = array<i32>} : memref<80x64xf32, #tpu.memory_space<vmem>>, vector<16xf32>,
        %get3A_369 = arith.index_cast %add3A_344 : i32 to index
        %get3A_370 = arith.constant 48 : index
        %get3A_371 = tpu.vector_load %arg13[%get3A_369, %get3A_370] {strides = array<i32>} : memref<80x64xf32, #tpu.memory_space<vmem>>, vector<16xf32>,
        %mul3A_372 = arith.mulf %get3A_371, %gather3A_347 : vector<16xf32>
        %swap3A_373 = arith.index_cast %add3A_344 : i32 to index
        %swap3A_374 = arith.constant 48 : index
        %swap3A_375 = tpu.vector_load %arg13[%swap3A_373, %swap3A_374] {strides = array<i32>} : memref<80x64xf32, #tpu.memory_space<vmem>>, vector<16xf32>,
        tpu.vector_store %arg13[%swap3A_373, %swap3A_374], %mul3A_372 {strides = array<i32>} : memref<80x64xf32, #tpu.memory_space<vmem>>, vector<16xf32>,
        %scan3A_376 = arith.constant 3 : i32
        %scan3A_377 = arith.addi %scan3A_269, %scan3A_376 : i32
        %mul3A_378 = arith.constant 1 : i32
        %mul3A_379 = arith.muli %scan3A_377, %mul3A_378 : i32
        %add3A_380 = arith.constant 0 : i32
        %add3A_381 = arith.addi %add3A_380, %mul3A_379 : i32
        %add3A_382 = vector.broadcast %add3A_381 : i32 to vector<16xi32>
        %add3A_383 = arith.addi %broadcast_in_dim3A_257, %add3A_382 : vector<16xi32>
        %gather3A_384 = tpu.vector_load_idx %arg9[%add3A_383] : memref<20000xf32, #tpu.memory_space<vmem>>[vector<16xi32>], vector<16xf32>,
        %get3A_385 = arith.index_cast %add3A_381 : i32 to index
        %get3A_386 = arith.constant 0 : index
        %get3A_387 = tpu.vector_load %arg13[%get3A_385, %get3A_386] {strides = array<i32>} : memref<80x64xf32, #tpu.memory_space<vmem>>, vector<16xf32>,
        %mul3A_388 = arith.mulf %get3A_387, %gather3A_384 : vector<16xf32>
        %swap3A_389 = arith.index_cast %add3A_381 : i32 to index
        %swap3A_390 = arith.constant 0 : index
        %swap3A_391 = tpu.vector_load %arg13[%swap3A_389, %swap3A_390] {strides = array<i32>} : memref<80x64xf32, #tpu.memory_space<vmem>>, vector<16xf32>,
        tpu.vector_store %arg13[%swap3A_389, %swap3A_390], %mul3A_388 {strides = array<i32>} : memref<80x64xf32, #tpu.memory_space<vmem>>, vector<16xf32>,
        %get3A_392 = arith.index_cast %add3A_381 : i32 to index
        %get3A_393 = arith.constant 16 : index
        %get3A_394 = tpu.vector_load %arg13[%get3A_392, %get3A_393] {strides = array<i32>} : memref<80x64xf32, #tpu.memory_space<vmem>>, vector<16xf32>,
        %mul3A_395 = arith.mulf %get3A_394, %gather3A_384 : vector<16xf32>
        %swap3A_396 = arith.index_cast %add3A_381 : i32 to index
        %swap3A_397 = arith.constant 16 : index
        %swap3A_398 = tpu.vector_load %arg13[%swap3A_396, %swap3A_397] {strides = array<i32>} : memref<80x64xf32, #tpu.memory_space<vmem>>, vector<16xf32>,
        tpu.vector_store %arg13[%swap3A_396, %swap3A_397], %mul3A_395 {strides = array<i32>} : memref<80x64xf32, #tpu.memory_space<vmem>>, vector<16xf32>,
        %get3A_399 = arith.index_cast %add3A_381 : i32 to index
        %get3A_400 = arith.constant 32 : index
        %get3A_401 = tpu.vector_load %arg13[%get3A_399, %get3A_400] {strides = array<i32>} : memref<80x64xf32, #tpu.memory_space<vmem>>, vector<16xf32>,
        %mul3A_402 = arith.mulf %get3A_401, %gather3A_384 : vector<16xf32>
        %swap3A_403 = arith.index_cast %add3A_381 : i32 to index
        %swap3A_404 = arith.constant 32 : index
        %swap3A_405 = tpu.vector_load %arg13[%swap3A_403, %swap3A_404] {strides = array<i32>} : memref<80x64xf32, #tpu.memory_space<vmem>>, vector<16xf32>,
        tpu.vector_store %arg13[%swap3A_403, %swap3A_404], %mul3A_402 {strides = array<i32>} : memref<80x64xf32, #tpu.memory_space<vmem>>, vector<16xf32>,
        %get3A_406 = arith.index_cast %add3A_381 : i32 to index
        %get3A_407 = arith.constant 48 : index
        %get3A_408 = tpu.vector_load %arg13[%get3A_406, %get3A_407] {strides = array<i32>} : memref<80x64xf32, #tpu.memory_space<vmem>>, vector<16xf32>,
        %mul3A_409 = arith.mulf %get3A_408, %gather3A_384 : vector<16xf32>
        %swap3A_410 = arith.index_cast %add3A_381 : i32 to index
        %swap3A_411 = arith.constant 48 : index
        %swap3A_412 = tpu.vector_load %arg13[%swap3A_410, %swap3A_411] {strides = array<i32>} : memref<80x64xf32, #tpu.memory_space<vmem>>, vector<16xf32>,
        tpu.vector_store %arg13[%swap3A_410, %swap3A_411], %mul3A_409 {strides = array<i32>} : memref<80x64xf32, #tpu.memory_space<vmem>>, vector<16xf32>,
      }
      %scan3A_262 = arith.constant 80 : i32
      %dma_start3A_263 = arith.constant 0 : i32
      %dma_start3A_264 = tpu.memref_slice %arg8[%add3A_236, %dma_start3A_263] : memref<250x80xi32, #tpu.memory_space<vmem>> -> memref<1x80xi32, #tpu.memory_space<vmem>>
      %dma_start3A_265 = tpu.memref_squeeze %dma_start3A_264 : memref<1x80xi32, #tpu.memory_space<vmem>> -> memref<80xi32, #tpu.memory_space<vmem>>
      %dma_start3A_266 = arith.constant 0 : i32
      %dma_start3A_267 = arith.constant 0 : i32
      %dma_start3A_268 = tpu.memref_slice %arg22[%dma_start3A_266, %dma_start3A_267] : memref<10240x64xf32, #tpu.memory_space<vmem_shared>> -> memref<10240x64xf32, #tpu.memory_space<vmem_shared>>
      tpu.enqueue_indirect_dma source(%arg13 : memref<80x64xf32, #tpu.memory_space<vmem>>) target(%dma_start3A_268 : memref<10240x64xf32, #tpu.memory_space<vmem_shared>>) offsets(%dma_start3A_265 : memref<80xi32, #tpu.memory_space<vmem>>) semaphore(%arg21 : memref<!tpu.dma_semaphore, #tpu.memory_space<semaphore_mem>>) {add = true}
    }
    %scan3A_57 = arith.constant 62 : i32
    %dma_wait3A = arith.constant 246 : i32
    %dma_wait3A_58 = arith.constant 0 : i32
    %dma_wait3A_59 = tpu.memref_slice %arg8[%dma_wait3A, %dma_wait3A_58] : memref<250x80xi32, #tpu.memory_space<vmem>> -> memref<1x80xi32, #tpu.memory_space<vmem>>
    %dma_wait3A_60 = tpu.memref_squeeze %dma_wait3A_59 : memref<1x80xi32, #tpu.memory_space<vmem>> -> memref<80xi32, #tpu.memory_space<vmem>>
    %dma_wait3A_61 = arith.constant 0 : i32
    %dma_wait3A_62 = arith.constant 0 : i32
    %dma_wait3A_63 = tpu.memref_slice %arg22[%dma_wait3A_61, %dma_wait3A_62] : memref<10240x64xf32, #tpu.memory_space<vmem_shared>> -> memref<10240x64xf32, #tpu.memory_space<vmem_shared>>
    tpu.wait_indirect_dma semaphore(%arg20 : memref<!tpu.dma_semaphore, #tpu.memory_space<semaphore_mem>>) src(%arg12 : memref<80x64xf32, #tpu.memory_space<vmem>>) dst(%dma_wait3A_63 : memref<10240x64xf32, #tpu.memory_space<vmem_shared>>)
    %dma_wait3A_64 = arith.constant 248 : i32
    %dma_wait3A_65 = arith.constant 0 : i32
    %dma_wait3A_66 = tpu.memref_slice %arg7[%dma_wait3A_64, %dma_wait3A_65] : memref<250x80xi32, #tpu.memory_space<vmem>> -> memref<1x80xi32, #tpu.memory_space<vmem>>
    %dma_wait3A_67 = tpu.memref_squeeze %dma_wait3A_66 : memref<1x80xi32, #tpu.memory_space<vmem>> -> memref<80xi32, #tpu.memory_space<vmem>>
    %dma_wait3A_68 = arith.constant 0 : i32
    %dma_wait3A_69 = arith.constant 0 : i32
    %dma_wait3A_70 = tpu.memref_slice %arg2[%dma_wait3A_68, %dma_wait3A_69] : memref<20000x64xf32, #tpu.memory_space<hbm>> -> memref<20000x64xf32, #tpu.memory_space<hbm>>
    tpu.wait_indirect_dma semaphore(%arg14 : memref<!tpu.dma_semaphore, #tpu.memory_space<semaphore_mem>>) src(%dma_wait3A_70 : memref<20000x64xf32, #tpu.memory_space<hbm>>) dst(%arg10 : memref<80x64xf32, #tpu.memory_space<vmem>>)
    %broadcast_in_dim3A_71 = arith.constant 19840 : i32
    %broadcast_in_dim3A_72 = vector.broadcast %broadcast_in_dim3A_71 : i32 to vector<16xi32>
    %scan3A_73 = arith.constant 0 : i32
    %scan3A_74 = arith.constant 80 : i32
    %scan3A_75 = arith.addi %scan3A_73, %scan3A_74 : i32
    %scan3A_76 = arith.constant 4 : i32
    scf.for %scan3A_132 = %scan3A_73 to %scan3A_75 step %scan3A_76  : i32 {
      %mul3A_133 = arith.constant 1 : i32
      %mul3A_134 = arith.muli %scan3A_132, %mul3A_133 : i32
      %add3A_135 = arith.constant 0 : i32
      %add3A_136 = arith.addi %add3A_135, %mul3A_134 : i32
      %add3A_137 = vector.broadcast %add3A_136 : i32 to vector<16xi32>
      %add3A_138 = arith.addi %broadcast_in_dim3A_72, %add3A_137 : vector<16xi32>
      %gather3A = tpu.vector_load_idx %arg9[%add3A_138] : memref<20000xf32, #tpu.memory_space<vmem>>[vector<16xi32>], vector<16xf32>,
      %get3A = arith.index_cast %add3A_136 : i32 to index
      %get3A_139 = arith.constant 0 : index
      %get3A_140 = tpu.vector_load %arg10[%get3A, %get3A_139] {strides = array<i32>} : memref<80x64xf32, #tpu.memory_space<vmem>>, vector<16xf32>,
      %mul3A_141 = arith.mulf %get3A_140, %gather3A : vector<16xf32>
      %swap3A = arith.index_cast %add3A_136 : i32 to index
      %swap3A_142 = arith.constant 0 : index
      %swap3A_143 = tpu.vector_load %arg10[%swap3A, %swap3A_142] {strides = array<i32>} : memref<80x64xf32, #tpu.memory_space<vmem>>, vector<16xf32>,
      tpu.vector_store %arg10[%swap3A, %swap3A_142], %mul3A_141 {strides = array<i32>} : memref<80x64xf32, #tpu.memory_space<vmem>>, vector<16xf32>,
      %get3A_144 = arith.index_cast %add3A_136 : i32 to index
      %get3A_145 = arith.constant 16 : index
      %get3A_146 = tpu.vector_load %arg10[%get3A_144, %get3A_145] {strides = array<i32>} : memref<80x64xf32, #tpu.memory_space<vmem>>, vector<16xf32>,
      %mul3A_147 = arith.mulf %get3A_146, %gather3A : vector<16xf32>
      %swap3A_148 = arith.index_cast %add3A_136 : i32 to index
      %swap3A_149 = arith.constant 16 : index
      %swap3A_150 = tpu.vector_load %arg10[%swap3A_148, %swap3A_149] {strides = array<i32>} : memref<80x64xf32, #tpu.memory_space<vmem>>, vector<16xf32>,
      tpu.vector_store %arg10[%swap3A_148, %swap3A_149], %mul3A_147 {strides = array<i32>} : memref<80x64xf32, #tpu.memory_space<vmem>>, vector<16xf32>,
      %get3A_151 = arith.index_cast %add3A_136 : i32 to index
      %get3A_152 = arith.constant 32 : index
      %get3A_153 = tpu.vector_load %arg10[%get3A_151, %get3A_152] {strides = array<i32>} : memref<80x64xf32, #tpu.memory_space<vmem>>, vector<16xf32>,
      %mul3A_154 = arith.mulf %get3A_153, %gather3A : vector<16xf32>
      %swap3A_155 = arith.index_cast %add3A_136 : i32 to index
      %swap3A_156 = arith.constant 32 : index
      %swap3A_157 = tpu.vector_load %arg10[%swap3A_155, %swap3A_156] {strides = array<i32>} : memref<80x64xf32, #tpu.memory_space<vmem>>, vector<16xf32>,
      tpu.vector_store %arg10[%swap3A_155, %swap3A_156], %mul3A_154 {strides = array<i32>} : memref<80x64xf32, #tpu.memory_space<vmem>>, vector<16xf32>,
      %get3A_158 = arith.index_cast %add3A_136 : i32 to index
      %get3A_159 = arith.constant 48 : index
      %get3A_160 = tpu.vector_load %arg10[%get3A_158, %get3A_159] {strides = array<i32>} : memref<80x64xf32, #tpu.memory_space<vmem>>, vector<16xf32>,
      %mul3A_161 = arith.mulf %get3A_160, %gather3A : vector<16xf32>
      %swap3A_162 = arith.index_cast %add3A_136 : i32 to index
      %swap3A_163 = arith.constant 48 : index
      %swap3A_164 = tpu.vector_load %arg10[%swap3A_162, %swap3A_163] {strides = array<i32>} : memref<80x64xf32, #tpu.memory_space<vmem>>, vector<16xf32>,
      tpu.vector_store %arg10[%swap3A_162, %swap3A_163], %mul3A_161 {strides = array<i32>} : memref<80x64xf32, #tpu.memory_space<vmem>>, vector<16xf32>,
      %scan3A_165 = arith.constant 1 : i32
      %scan3A_166 = arith.addi %scan3A_132, %scan3A_165 : i32
      %mul3A_167 = arith.constant 1 : i32
      %mul3A_168 = arith.muli %scan3A_166, %mul3A_167 : i32
      %add3A_169 = arith.constant 0 : i32
      %add3A_170 = arith.addi %add3A_169, %mul3A_168 : i32
      %add3A_171 = vector.broadcast %add3A_170 : i32 to vector<16xi32>
      %add3A_172 = arith.addi %broadcast_in_dim3A_72, %add3A_171 : vector<16xi32>
      %gather3A_173 = tpu.vector_load_idx %arg9[%add3A_172] : memref<20000xf32, #tpu.memory_space<vmem>>[vector<16xi32>], vector<16xf32>,
      %get3A_174 = arith.index_cast %add3A_170 : i32 to index
      %get3A_175 = arith.constant 0 : index
      %get3A_176 = tpu.vector_load %arg10[%get3A_174, %get3A_175] {strides = array<i32>} : memref<80x64xf32, #tpu.memory_space<vmem>>, vector<16xf32>,
      %mul3A_177 = arith.mulf %get3A_176, %gather3A_173 : vector<16xf32>
      %swap3A_178 = arith.index_cast %add3A_170 : i32 to index
      %swap3A_179 = arith.constant 0 : index
      %swap3A_180 = tpu.vector_load %arg10[%swap3A_178, %swap3A_179] {strides = array<i32>} : memref<80x64xf32, #tpu.memory_space<vmem>>, vector<16xf32>,
      tpu.vector_store %arg10[%swap3A_178, %swap3A_179], %mul3A_177 {strides = array<i32>} : memref<80x64xf32, #tpu.memory_space<vmem>>, vector<16xf32>,
      %get3A_181 = arith.index_cast %add3A_170 : i32 to index
      %get3A_182 = arith.constant 16 : index
      %get3A_183 = tpu.vector_load %arg10[%get3A_181, %get3A_182] {strides = array<i32>} : memref<80x64xf32, #tpu.memory_space<vmem>>, vector<16xf32>,
      %mul3A_184 = arith.mulf %get3A_183, %gather3A_173 : vector<16xf32>
      %swap3A_185 = arith.index_cast %add3A_170 : i32 to index
      %swap3A_186 = arith.constant 16 : index
      %swap3A_187 = tpu.vector_load %arg10[%swap3A_185, %swap3A_186] {strides = array<i32>} : memref<80x64xf32, #tpu.memory_space<vmem>>, vector<16xf32>,
      tpu.vector_store %arg10[%swap3A_185, %swap3A_186], %mul3A_184 {strides = array<i32>} : memref<80x64xf32, #tpu.memory_space<vmem>>, vector<16xf32>,
      %get3A_188 = arith.index_cast %add3A_170 : i32 to index
      %get3A_189 = arith.constant 32 : index
      %get3A_190 = tpu.vector_load %arg10[%get3A_188, %get3A_189] {strides = array<i32>} : memref<80x64xf32, #tpu.memory_space<vmem>>, vector<16xf32>,
      %mul3A_191 = arith.mulf %get3A_190, %gather3A_173 : vector<16xf32>
      %swap3A_192 = arith.index_cast %add3A_170 : i32 to index
      %swap3A_193 = arith.constant 32 : index
      %swap3A_194 = tpu.vector_load %arg10[%swap3A_192, %swap3A_193] {strides = array<i32>} : memref<80x64xf32, #tpu.memory_space<vmem>>, vector<16xf32>,
      tpu.vector_store %arg10[%swap3A_192, %swap3A_193], %mul3A_191 {strides = array<i32>} : memref<80x64xf32, #tpu.memory_space<vmem>>, vector<16xf32>,
      %get3A_195 = arith.index_cast %add3A_170 : i32 to index
      %get3A_196 = arith.constant 48 : index
      %get3A_197 = tpu.vector_load %arg10[%get3A_195, %get3A_196] {strides = array<i32>} : memref<80x64xf32, #tpu.memory_space<vmem>>, vector<16xf32>,
      %mul3A_198 = arith.mulf %get3A_197, %gather3A_173 : vector<16xf32>
      %swap3A_199 = arith.index_cast %add3A_170 : i32 to index
      %swap3A_200 = arith.constant 48 : index
      %swap3A_201 = tpu.vector_load %arg10[%swap3A_199, %swap3A_200] {strides = array<i32>} : memref<80x64xf32, #tpu.memory_space<vmem>>, vector<16xf32>,
      tpu.vector_store %arg10[%swap3A_199, %swap3A_200], %mul3A_198 {strides = array<i32>} : memref<80x64xf32, #tpu.memory_space<vmem>>, vector<16xf32>,
      %scan3A_202 = arith.constant 2 : i32
      %scan3A_203 = arith.addi %scan3A_132, %scan3A_202 : i32
      %mul3A_204 = arith.constant 1 : i32
      %mul3A_205 = arith.muli %scan3A_203, %mul3A_204 : i32
      %add3A_206 = arith.constant 0 : i32
      %add3A_207 = arith.addi %add3A_206, %mul3A_205 : i32
      %add3A_208 = vector.broadcast %add3A_207 : i32 to vector<16xi32>
      %add3A_209 = arith.addi %broadcast_in_dim3A_72, %add3A_208 : vector<16xi32>
      %gather3A_210 = tpu.vector_load_idx %arg9[%add3A_209] : memref<20000xf32, #tpu.memory_space<vmem>>[vector<16xi32>], vector<16xf32>,
      %get3A_211 = arith.index_cast %add3A_207 : i32 to index
      %get3A_212 = arith.constant 0 : index
      %get3A_213 = tpu.vector_load %arg10[%get3A_211, %get3A_212] {strides = array<i32>} : memref<80x64xf32, #tpu.memory_space<vmem>>, vector<16xf32>,
      %mul3A_214 = arith.mulf %get3A_213, %gather3A_210 : vector<16xf32>
      %swap3A_215 = arith.index_cast %add3A_207 : i32 to index
      %swap3A_216 = arith.constant 0 : index
      %swap3A_217 = tpu.vector_load %arg10[%swap3A_215, %swap3A_216] {strides = array<i32>} : memref<80x64xf32, #tpu.memory_space<vmem>>, vector<16xf32>,
      tpu.vector_store %arg10[%swap3A_215, %swap3A_216], %mul3A_214 {strides = array<i32>} : memref<80x64xf32, #tpu.memory_space<vmem>>, vector<16xf32>,
      %get3A_218 = arith.index_cast %add3A_207 : i32 to index
      %get3A_219 = arith.constant 16 : index
      %get3A_220 = tpu.vector_load %arg10[%get3A_218, %get3A_219] {strides = array<i32>} : memref<80x64xf32, #tpu.memory_space<vmem>>, vector<16xf32>,
      %mul3A_221 = arith.mulf %get3A_220, %gather3A_210 : vector<16xf32>
      %swap3A_222 = arith.index_cast %add3A_207 : i32 to index
      %swap3A_223 = arith.constant 16 : index
      %swap3A_224 = tpu.vector_load %arg10[%swap3A_222, %swap3A_223] {strides = array<i32>} : memref<80x64xf32, #tpu.memory_space<vmem>>, vector<16xf32>,
      tpu.vector_store %arg10[%swap3A_222, %swap3A_223], %mul3A_221 {strides = array<i32>} : memref<80x64xf32, #tpu.memory_space<vmem>>, vector<16xf32>,
      %get3A_225 = arith.index_cast %add3A_207 : i32 to index
      %get3A_226 = arith.constant 32 : index
      %get3A_227 = tpu.vector_load %arg10[%get3A_225, %get3A_226] {strides = array<i32>} : memref<80x64xf32, #tpu.memory_space<vmem>>, vector<16xf32>,
      %mul3A_228 = arith.mulf %get3A_227, %gather3A_210 : vector<16xf32>
      %swap3A_229 = arith.index_cast %add3A_207 : i32 to index
      %swap3A_230 = arith.constant 32 : index
      %swap3A_231 = tpu.vector_load %arg10[%swap3A_229, %swap3A_230] {strides = array<i32>} : memref<80x64xf32, #tpu.memory_space<vmem>>, vector<16xf32>,
      tpu.vector_store %arg10[%swap3A_229, %swap3A_230], %mul3A_228 {strides = array<i32>} : memref<80x64xf32, #tpu.memory_space<vmem>>, vector<16xf32>,
      %get3A_232 = arith.index_cast %add3A_207 : i32 to index
      %get3A_233 = arith.constant 48 : index
      %get3A_234 = tpu.vector_load %arg10[%get3A_232, %get3A_233] {strides = array<i32>} : memref<80x64xf32, #tpu.memory_space<vmem>>, vector<16xf32>,
      %mul3A_235 = arith.mulf %get3A_234, %gather3A_210 : vector<16xf32>
      %swap3A_236 = arith.index_cast %add3A_207 : i32 to index
      %swap3A_237 = arith.constant 48 : index
      %swap3A_238 = tpu.vector_load %arg10[%swap3A_236, %swap3A_237] {strides = array<i32>} : memref<80x64xf32, #tpu.memory_space<vmem>>, vector<16xf32>,
      tpu.vector_store %arg10[%swap3A_236, %swap3A_237], %mul3A_235 {strides = array<i32>} : memref<80x64xf32, #tpu.memory_space<vmem>>, vector<16xf32>,
      %scan3A_239 = arith.constant 3 : i32
      %scan3A_240 = arith.addi %scan3A_132, %scan3A_239 : i32
      %mul3A_241 = arith.constant 1 : i32
      %mul3A_242 = arith.muli %scan3A_240, %mul3A_241 : i32
      %add3A_243 = arith.constant 0 : i32
      %add3A_244 = arith.addi %add3A_243, %mul3A_242 : i32
      %add3A_245 = vector.broadcast %add3A_244 : i32 to vector<16xi32>
      %add3A_246 = arith.addi %broadcast_in_dim3A_72, %add3A_245 : vector<16xi32>
      %gather3A_247 = tpu.vector_load_idx %arg9[%add3A_246] : memref<20000xf32, #tpu.memory_space<vmem>>[vector<16xi32>], vector<16xf32>,
      %get3A_248 = arith.index_cast %add3A_244 : i32 to index
      %get3A_249 = arith.constant 0 : index
      %get3A_250 = tpu.vector_load %arg10[%get3A_248, %get3A_249] {strides = array<i32>} : memref<80x64xf32, #tpu.memory_space<vmem>>, vector<16xf32>,
      %mul3A_251 = arith.mulf %get3A_250, %gather3A_247 : vector<16xf32>
      %swap3A_252 = arith.index_cast %add3A_244 : i32 to index
      %swap3A_253 = arith.constant 0 : index
      %swap3A_254 = tpu.vector_load %arg10[%swap3A_252, %swap3A_253] {strides = array<i32>} : memref<80x64xf32, #tpu.memory_space<vmem>>, vector<16xf32>,
      tpu.vector_store %arg10[%swap3A_252, %swap3A_253], %mul3A_251 {strides = array<i32>} : memref<80x64xf32, #tpu.memory_space<vmem>>, vector<16xf32>,
      %get3A_255 = arith.index_cast %add3A_244 : i32 to index
      %get3A_256 = arith.constant 16 : index
      %get3A_257 = tpu.vector_load %arg10[%get3A_255, %get3A_256] {strides = array<i32>} : memref<80x64xf32, #tpu.memory_space<vmem>>, vector<16xf32>,
      %mul3A_258 = arith.mulf %get3A_257, %gather3A_247 : vector<16xf32>
      %swap3A_259 = arith.index_cast %add3A_244 : i32 to index
      %swap3A_260 = arith.constant 16 : index
      %swap3A_261 = tpu.vector_load %arg10[%swap3A_259, %swap3A_260] {strides = array<i32>} : memref<80x64xf32, #tpu.memory_space<vmem>>, vector<16xf32>,
      tpu.vector_store %arg10[%swap3A_259, %swap3A_260], %mul3A_258 {strides = array<i32>} : memref<80x64xf32, #tpu.memory_space<vmem>>, vector<16xf32>,
      %get3A_262 = arith.index_cast %add3A_244 : i32 to index
      %get3A_263 = arith.constant 32 : index
      %get3A_264 = tpu.vector_load %arg10[%get3A_262, %get3A_263] {strides = array<i32>} : memref<80x64xf32, #tpu.memory_space<vmem>>, vector<16xf32>,
      %mul3A_265 = arith.mulf %get3A_264, %gather3A_247 : vector<16xf32>
      %swap3A_266 = arith.index_cast %add3A_244 : i32 to index
      %swap3A_267 = arith.constant 32 : index
      %swap3A_268 = tpu.vector_load %arg10[%swap3A_266, %swap3A_267] {strides = array<i32>} : memref<80x64xf32, #tpu.memory_space<vmem>>, vector<16xf32>,
      tpu.vector_store %arg10[%swap3A_266, %swap3A_267], %mul3A_265 {strides = array<i32>} : memref<80x64xf32, #tpu.memory_space<vmem>>, vector<16xf32>,
      %get3A_269 = arith.index_cast %add3A_244 : i32 to index
      %get3A_270 = arith.constant 48 : index
      %get3A_271 = tpu.vector_load %arg10[%get3A_269, %get3A_270] {strides = array<i32>} : memref<80x64xf32, #tpu.memory_space<vmem>>, vector<16xf32>,
      %mul3A_272 = arith.mulf %get3A_271, %gather3A_247 : vector<16xf32>
      %swap3A_273 = arith.index_cast %add3A_244 : i32 to index
      %swap3A_274 = arith.constant 48 : index
      %swap3A_275 = tpu.vector_load %arg10[%swap3A_273, %swap3A_274] {strides = array<i32>} : memref<80x64xf32, #tpu.memory_space<vmem>>, vector<16xf32>,
      tpu.vector_store %arg10[%swap3A_273, %swap3A_274], %mul3A_272 {strides = array<i32>} : memref<80x64xf32, #tpu.memory_space<vmem>>, vector<16xf32>,
    }
    %scan3A_77 = arith.constant 80 : i32
    %dma_start3A_78 = arith.constant 248 : i32
    %dma_start3A_79 = arith.constant 0 : i32
    %dma_start3A_80 = tpu.memref_slice %arg8[%dma_start3A_78, %dma_start3A_79] : memref<250x80xi32, #tpu.memory_space<vmem>> -> memref<1x80xi32, #tpu.memory_space<vmem>>
    %dma_start3A_81 = tpu.memref_squeeze %dma_start3A_80 : memref<1x80xi32, #tpu.memory_space<vmem>> -> memref<80xi32, #tpu.memory_space<vmem>>
    %dma_start3A_82 = arith.constant 0 : i32
    %dma_start3A_83 = arith.constant 0 : i32
    %dma_start3A_84 = tpu.memref_slice %arg22[%dma_start3A_82, %dma_start3A_83] : memref<10240x64xf32, #tpu.memory_space<vmem_shared>> -> memref<10240x64xf32, #tpu.memory_space<vmem_shared>>
    tpu.enqueue_indirect_dma source(%arg10 : memref<80x64xf32, #tpu.memory_space<vmem>>) target(%dma_start3A_84 : memref<10240x64xf32, #tpu.memory_space<vmem_shared>>) offsets(%dma_start3A_81 : memref<80xi32, #tpu.memory_space<vmem>>) semaphore(%arg18 : memref<!tpu.dma_semaphore, #tpu.memory_space<semaphore_mem>>) {add = true}
    %dma_wait3A_85 = arith.constant 247 : i32
    %dma_wait3A_86 = arith.constant 0 : i32
    %dma_wait3A_87 = tpu.memref_slice %arg8[%dma_wait3A_85, %dma_wait3A_86] : memref<250x80xi32, #tpu.memory_space<vmem>> -> memref<1x80xi32, #tpu.memory_space<vmem>>
    %dma_wait3A_88 = tpu.memref_squeeze %dma_wait3A_87 : memref<1x80xi32, #tpu.memory_space<vmem>> -> memref<80xi32, #tpu.memory_space<vmem>>
    %dma_wait3A_89 = arith.constant 0 : i32
    %dma_wait3A_90 = arith.constant 0 : i32
    %dma_wait3A_91 = tpu.memref_slice %arg22[%dma_wait3A_89, %dma_wait3A_90] : memref<10240x64xf32, #tpu.memory_space<vmem_shared>> -> memref<10240x64xf32, #tpu.memory_space<vmem_shared>>
    tpu.wait_indirect_dma semaphore(%arg21 : memref<!tpu.dma_semaphore, #tpu.memory_space<semaphore_mem>>) src(%arg13 : memref<80x64xf32, #tpu.memory_space<vmem>>) dst(%dma_wait3A_91 : memref<10240x64xf32, #tpu.memory_space<vmem_shared>>)
    %dma_wait3A_92 = arith.constant 249 : i32
    %dma_wait3A_93 = arith.constant 0 : i32
    %dma_wait3A_94 = tpu.memref_slice %arg7[%dma_wait3A_92, %dma_wait3A_93] : memref<250x80xi32, #tpu.memory_space<vmem>> -> memref<1x80xi32, #tpu.memory_space<vmem>>
    %dma_wait3A_95 = tpu.memref_squeeze %dma_wait3A_94 : memref<1x80xi32, #tpu.memory_space<vmem>> -> memref<80xi32, #tpu.memory_space<vmem>>
    %dma_wait3A_96 = arith.constant 0 : i32
    %dma_wait3A_97 = arith.constant 0 : i32
    %dma_wait3A_98 = tpu.memref_slice %arg2[%dma_wait3A_96, %dma_wait3A_97] : memref<20000x64xf32, #tpu.memory_space<hbm>> -> memref<20000x64xf32, #tpu.memory_space<hbm>>
    tpu.wait_indirect_dma semaphore(%arg15 : memref<!tpu.dma_semaphore, #tpu.memory_space<semaphore_mem>>) src(%dma_wait3A_98 : memref<20000x64xf32, #tpu.memory_space<hbm>>) dst(%arg11 : memref<80x64xf32, #tpu.memory_space<vmem>>)
    %broadcast_in_dim3A_99 = arith.constant 19920 : i32
    %broadcast_in_dim3A_100 = vector.broadcast %broadcast_in_dim3A_99 : i32 to vector<16xi32>
    %scan3A_101 = arith.constant 0 : i32
    %scan3A_102 = arith.constant 80 : i32
    %scan3A_103 = arith.addi %scan3A_101, %scan3A_102 : i32
    %scan3A_104 = arith.constant 4 : i32
    scf.for %scan3A_132 = %scan3A_101 to %scan3A_103 step %scan3A_104  : i32 {
      %mul3A_133 = arith.constant 1 : i32
      %mul3A_134 = arith.muli %scan3A_132, %mul3A_133 : i32
      %add3A_135 = arith.constant 0 : i32
      %add3A_136 = arith.addi %add3A_135, %mul3A_134 : i32
      %add3A_137 = vector.broadcast %add3A_136 : i32 to vector<16xi32>
      %add3A_138 = arith.addi %broadcast_in_dim3A_100, %add3A_137 : vector<16xi32>
      %gather3A = tpu.vector_load_idx %arg9[%add3A_138] : memref<20000xf32, #tpu.memory_space<vmem>>[vector<16xi32>], vector<16xf32>,
      %get3A = arith.index_cast %add3A_136 : i32 to index
      %get3A_139 = arith.constant 0 : index
      %get3A_140 = tpu.vector_load %arg11[%get3A, %get3A_139] {strides = array<i32>} : memref<80x64xf32, #tpu.memory_space<vmem>>, vector<16xf32>,
      %mul3A_141 = arith.mulf %get3A_140, %gather3A : vector<16xf32>
      %swap3A = arith.index_cast %add3A_136 : i32 to index
      %swap3A_142 = arith.constant 0 : index
      %swap3A_143 = tpu.vector_load %arg11[%swap3A, %swap3A_142] {strides = array<i32>} : memref<80x64xf32, #tpu.memory_space<vmem>>, vector<16xf32>,
      tpu.vector_store %arg11[%swap3A, %swap3A_142], %mul3A_141 {strides = array<i32>} : memref<80x64xf32, #tpu.memory_space<vmem>>, vector<16xf32>,
      %get3A_144 = arith.index_cast %add3A_136 : i32 to index
      %get3A_145 = arith.constant 16 : index
      %get3A_146 = tpu.vector_load %arg11[%get3A_144, %get3A_145] {strides = array<i32>} : memref<80x64xf32, #tpu.memory_space<vmem>>, vector<16xf32>,
      %mul3A_147 = arith.mulf %get3A_146, %gather3A : vector<16xf32>
      %swap3A_148 = arith.index_cast %add3A_136 : i32 to index
      %swap3A_149 = arith.constant 16 : index
      %swap3A_150 = tpu.vector_load %arg11[%swap3A_148, %swap3A_149] {strides = array<i32>} : memref<80x64xf32, #tpu.memory_space<vmem>>, vector<16xf32>,
      tpu.vector_store %arg11[%swap3A_148, %swap3A_149], %mul3A_147 {strides = array<i32>} : memref<80x64xf32, #tpu.memory_space<vmem>>, vector<16xf32>,
      %get3A_151 = arith.index_cast %add3A_136 : i32 to index
      %get3A_152 = arith.constant 32 : index
      %get3A_153 = tpu.vector_load %arg11[%get3A_151, %get3A_152] {strides = array<i32>} : memref<80x64xf32, #tpu.memory_space<vmem>>, vector<16xf32>,
      %mul3A_154 = arith.mulf %get3A_153, %gather3A : vector<16xf32>
      %swap3A_155 = arith.index_cast %add3A_136 : i32 to index
      %swap3A_156 = arith.constant 32 : index
      %swap3A_157 = tpu.vector_load %arg11[%swap3A_155, %swap3A_156] {strides = array<i32>} : memref<80x64xf32, #tpu.memory_space<vmem>>, vector<16xf32>,
      tpu.vector_store %arg11[%swap3A_155, %swap3A_156], %mul3A_154 {strides = array<i32>} : memref<80x64xf32, #tpu.memory_space<vmem>>, vector<16xf32>,
      %get3A_158 = arith.index_cast %add3A_136 : i32 to index
      %get3A_159 = arith.constant 48 : index
      %get3A_160 = tpu.vector_load %arg11[%get3A_158, %get3A_159] {strides = array<i32>} : memref<80x64xf32, #tpu.memory_space<vmem>>, vector<16xf32>,
      %mul3A_161 = arith.mulf %get3A_160, %gather3A : vector<16xf32>
      %swap3A_162 = arith.index_cast %add3A_136 : i32 to index
      %swap3A_163 = arith.constant 48 : index
      %swap3A_164 = tpu.vector_load %arg11[%swap3A_162, %swap3A_163] {strides = array<i32>} : memref<80x64xf32, #tpu.memory_space<vmem>>, vector<16xf32>,
      tpu.vector_store %arg11[%swap3A_162, %swap3A_163], %mul3A_161 {strides = array<i32>} : memref<80x64xf32, #tpu.memory_space<vmem>>, vector<16xf32>,
      %scan3A_165 = arith.constant 1 : i32
      %scan3A_166 = arith.addi %scan3A_132, %scan3A_165 : i32
      %mul3A_167 = arith.constant 1 : i32
      %mul3A_168 = arith.muli %scan3A_166, %mul3A_167 : i32
      %add3A_169 = arith.constant 0 : i32
      %add3A_170 = arith.addi %add3A_169, %mul3A_168 : i32
      %add3A_171 = vector.broadcast %add3A_170 : i32 to vector<16xi32>
      %add3A_172 = arith.addi %broadcast_in_dim3A_100, %add3A_171 : vector<16xi32>
      %gather3A_173 = tpu.vector_load_idx %arg9[%add3A_172] : memref<20000xf32, #tpu.memory_space<vmem>>[vector<16xi32>], vector<16xf32>,
      %get3A_174 = arith.index_cast %add3A_170 : i32 to index
      %get3A_175 = arith.constant 0 : index
      %get3A_176 = tpu.vector_load %arg11[%get3A_174, %get3A_175] {strides = array<i32>} : memref<80x64xf32, #tpu.memory_space<vmem>>, vector<16xf32>,
      %mul3A_177 = arith.mulf %get3A_176, %gather3A_173 : vector<16xf32>
      %swap3A_178 = arith.index_cast %add3A_170 : i32 to index
      %swap3A_179 = arith.constant 0 : index
      %swap3A_180 = tpu.vector_load %arg11[%swap3A_178, %swap3A_179] {strides = array<i32>} : memref<80x64xf32, #tpu.memory_space<vmem>>, vector<16xf32>,
      tpu.vector_store %arg11[%swap3A_178, %swap3A_179], %mul3A_177 {strides = array<i32>} : memref<80x64xf32, #tpu.memory_space<vmem>>, vector<16xf32>,
      %get3A_181 = arith.index_cast %add3A_170 : i32 to index
      %get3A_182 = arith.constant 16 : index
      %get3A_183 = tpu.vector_load %arg11[%get3A_181, %get3A_182] {strides = array<i32>} : memref<80x64xf32, #tpu.memory_space<vmem>>, vector<16xf32>,
      %mul3A_184 = arith.mulf %get3A_183, %gather3A_173 : vector<16xf32>
      %swap3A_185 = arith.index_cast %add3A_170 : i32 to index
      %swap3A_186 = arith.constant 16 : index
      %swap3A_187 = tpu.vector_load %arg11[%swap3A_185, %swap3A_186] {strides = array<i32>} : memref<80x64xf32, #tpu.memory_space<vmem>>, vector<16xf32>,
      tpu.vector_store %arg11[%swap3A_185, %swap3A_186], %mul3A_184 {strides = array<i32>} : memref<80x64xf32, #tpu.memory_space<vmem>>, vector<16xf32>,
      %get3A_188 = arith.index_cast %add3A_170 : i32 to index
      %get3A_189 = arith.constant 32 : index
      %get3A_190 = tpu.vector_load %arg11[%get3A_188, %get3A_189] {strides = array<i32>} : memref<80x64xf32, #tpu.memory_space<vmem>>, vector<16xf32>,
      %mul3A_191 = arith.mulf %get3A_190, %gather3A_173 : vector<16xf32>
      %swap3A_192 = arith.index_cast %add3A_170 : i32 to index
      %swap3A_193 = arith.constant 32 : index
      %swap3A_194 = tpu.vector_load %arg11[%swap3A_192, %swap3A_193] {strides = array<i32>} : memref<80x64xf32, #tpu.memory_space<vmem>>, vector<16xf32>,
      tpu.vector_store %arg11[%swap3A_192, %swap3A_193], %mul3A_191 {strides = array<i32>} : memref<80x64xf32, #tpu.memory_space<vmem>>, vector<16xf32>,
      %get3A_195 = arith.index_cast %add3A_170 : i32 to index
      %get3A_196 = arith.constant 48 : index
      %get3A_197 = tpu.vector_load %arg11[%get3A_195, %get3A_196] {strides = array<i32>} : memref<80x64xf32, #tpu.memory_space<vmem>>, vector<16xf32>,
      %mul3A_198 = arith.mulf %get3A_197, %gather3A_173 : vector<16xf32>
      %swap3A_199 = arith.index_cast %add3A_170 : i32 to index
      %swap3A_200 = arith.constant 48 : index
      %swap3A_201 = tpu.vector_load %arg11[%swap3A_199, %swap3A_200] {strides = array<i32>} : memref<80x64xf32, #tpu.memory_space<vmem>>, vector<16xf32>,
      tpu.vector_store %arg11[%swap3A_199, %swap3A_200], %mul3A_198 {strides = array<i32>} : memref<80x64xf32, #tpu.memory_space<vmem>>, vector<16xf32>,
      %scan3A_202 = arith.constant 2 : i32
      %scan3A_203 = arith.addi %scan3A_132, %scan3A_202 : i32
      %mul3A_204 = arith.constant 1 : i32
      %mul3A_205 = arith.muli %scan3A_203, %mul3A_204 : i32
      %add3A_206 = arith.constant 0 : i32
      %add3A_207 = arith.addi %add3A_206, %mul3A_205 : i32
      %add3A_208 = vector.broadcast %add3A_207 : i32 to vector<16xi32>
      %add3A_209 = arith.addi %broadcast_in_dim3A_100, %add3A_208 : vector<16xi32>
      %gather3A_210 = tpu.vector_load_idx %arg9[%add3A_209] : memref<20000xf32, #tpu.memory_space<vmem>>[vector<16xi32>], vector<16xf32>,
      %get3A_211 = arith.index_cast %add3A_207 : i32 to index
      %get3A_212 = arith.constant 0 : index
      %get3A_213 = tpu.vector_load %arg11[%get3A_211, %get3A_212] {strides = array<i32>} : memref<80x64xf32, #tpu.memory_space<vmem>>, vector<16xf32>,
      %mul3A_214 = arith.mulf %get3A_213, %gather3A_210 : vector<16xf32>
      %swap3A_215 = arith.index_cast %add3A_207 : i32 to index
      %swap3A_216 = arith.constant 0 : index
      %swap3A_217 = tpu.vector_load %arg11[%swap3A_215, %swap3A_216] {strides = array<i32>} : memref<80x64xf32, #tpu.memory_space<vmem>>, vector<16xf32>,
      tpu.vector_store %arg11[%swap3A_215, %swap3A_216], %mul3A_214 {strides = array<i32>} : memref<80x64xf32, #tpu.memory_space<vmem>>, vector<16xf32>,
      %get3A_218 = arith.index_cast %add3A_207 : i32 to index
      %get3A_219 = arith.constant 16 : index
      %get3A_220 = tpu.vector_load %arg11[%get3A_218, %get3A_219] {strides = array<i32>} : memref<80x64xf32, #tpu.memory_space<vmem>>, vector<16xf32>,
      %mul3A_221 = arith.mulf %get3A_220, %gather3A_210 : vector<16xf32>
      %swap3A_222 = arith.index_cast %add3A_207 : i32 to index
      %swap3A_223 = arith.constant 16 : index
      %swap3A_224 = tpu.vector_load %arg11[%swap3A_222, %swap3A_223] {strides = array<i32>} : memref<80x64xf32, #tpu.memory_space<vmem>>, vector<16xf32>,
      tpu.vector_store %arg11[%swap3A_222, %swap3A_223], %mul3A_221 {strides = array<i32>} : memref<80x64xf32, #tpu.memory_space<vmem>>, vector<16xf32>,
      %get3A_225 = arith.index_cast %add3A_207 : i32 to index
      %get3A_226 = arith.constant 32 : index
      %get3A_227 = tpu.vector_load %arg11[%get3A_225, %get3A_226] {strides = array<i32>} : memref<80x64xf32, #tpu.memory_space<vmem>>, vector<16xf32>,
      %mul3A_228 = arith.mulf %get3A_227, %gather3A_210 : vector<16xf32>
      %swap3A_229 = arith.index_cast %add3A_207 : i32 to index
      %swap3A_230 = arith.constant 32 : index
      %swap3A_231 = tpu.vector_load %arg11[%swap3A_229, %swap3A_230] {strides = array<i32>} : memref<80x64xf32, #tpu.memory_space<vmem>>, vector<16xf32>,
      tpu.vector_store %arg11[%swap3A_229, %swap3A_230], %mul3A_228 {strides = array<i32>} : memref<80x64xf32, #tpu.memory_space<vmem>>, vector<16xf32>,
      %get3A_232 = arith.index_cast %add3A_207 : i32 to index
      %get3A_233 = arith.constant 48 : index
      %get3A_234 = tpu.vector_load %arg11[%get3A_232, %get3A_233] {strides = array<i32>} : memref<80x64xf32, #tpu.memory_space<vmem>>, vector<16xf32>,
      %mul3A_235 = arith.mulf %get3A_234, %gather3A_210 : vector<16xf32>
      %swap3A_236 = arith.index_cast %add3A_207 : i32 to index
      %swap3A_237 = arith.constant 48 : index
      %swap3A_238 = tpu.vector_load %arg11[%swap3A_236, %swap3A_237] {strides = array<i32>} : memref<80x64xf32, #tpu.memory_space<vmem>>, vector<16xf32>,
      tpu.vector_store %arg11[%swap3A_236, %swap3A_237], %mul3A_235 {strides = array<i32>} : memref<80x64xf32, #tpu.memory_space<vmem>>, vector<16xf32>,
      %scan3A_239 = arith.constant 3 : i32
      %scan3A_240 = arith.addi %scan3A_132, %scan3A_239 : i32
      %mul3A_241 = arith.constant 1 : i32
      %mul3A_242 = arith.muli %scan3A_240, %mul3A_241 : i32
      %add3A_243 = arith.constant 0 : i32
      %add3A_244 = arith.addi %add3A_243, %mul3A_242 : i32
      %add3A_245 = vector.broadcast %add3A_244 : i32 to vector<16xi32>
      %add3A_246 = arith.addi %broadcast_in_dim3A_100, %add3A_245 : vector<16xi32>
      %gather3A_247 = tpu.vector_load_idx %arg9[%add3A_246] : memref<20000xf32, #tpu.memory_space<vmem>>[vector<16xi32>], vector<16xf32>,
      %get3A_248 = arith.index_cast %add3A_244 : i32 to index
      %get3A_249 = arith.constant 0 : index
      %get3A_250 = tpu.vector_load %arg11[%get3A_248, %get3A_249] {strides = array<i32>} : memref<80x64xf32, #tpu.memory_space<vmem>>, vector<16xf32>,
      %mul3A_251 = arith.mulf %get3A_250, %gather3A_247 : vector<16xf32>
      %swap3A_252 = arith.index_cast %add3A_244 : i32 to index
      %swap3A_253 = arith.constant 0 : index
      %swap3A_254 = tpu.vector_load %arg11[%swap3A_252, %swap3A_253] {strides = array<i32>} : memref<80x64xf32, #tpu.memory_space<vmem>>, vector<16xf32>,
      tpu.vector_store %arg11[%swap3A_252, %swap3A_253], %mul3A_251 {strides = array<i32>} : memref<80x64xf32, #tpu.memory_space<vmem>>, vector<16xf32>,
      %get3A_255 = arith.index_cast %add3A_244 : i32 to index
      %get3A_256 = arith.constant 16 : index
      %get3A_257 = tpu.vector_load %arg11[%get3A_255, %get3A_256] {strides = array<i32>} : memref<80x64xf32, #tpu.memory_space<vmem>>, vector<16xf32>,
      %mul3A_258 = arith.mulf %get3A_257, %gather3A_247 : vector<16xf32>
      %swap3A_259 = arith.index_cast %add3A_244 : i32 to index
      %swap3A_260 = arith.constant 16 : index
      %swap3A_261 = tpu.vector_load %arg11[%swap3A_259, %swap3A_260] {strides = array<i32>} : memref<80x64xf32, #tpu.memory_space<vmem>>, vector<16xf32>,
      tpu.vector_store %arg11[%swap3A_259, %swap3A_260], %mul3A_258 {strides = array<i32>} : memref<80x64xf32, #tpu.memory_space<vmem>>, vector<16xf32>,
      %get3A_262 = arith.index_cast %add3A_244 : i32 to index
      %get3A_263 = arith.constant 32 : index
      %get3A_264 = tpu.vector_load %arg11[%get3A_262, %get3A_263] {strides = array<i32>} : memref<80x64xf32, #tpu.memory_space<vmem>>, vector<16xf32>,
      %mul3A_265 = arith.mulf %get3A_264, %gather3A_247 : vector<16xf32>
      %swap3A_266 = arith.index_cast %add3A_244 : i32 to index
      %swap3A_267 = arith.constant 32 : index
      %swap3A_268 = tpu.vector_load %arg11[%swap3A_266, %swap3A_267] {strides = array<i32>} : memref<80x64xf32, #tpu.memory_space<vmem>>, vector<16xf32>,
      tpu.vector_store %arg11[%swap3A_266, %swap3A_267], %mul3A_265 {strides = array<i32>} : memref<80x64xf32, #tpu.memory_space<vmem>>, vector<16xf32>,
      %get3A_269 = arith.index_cast %add3A_244 : i32 to index
      %get3A_270 = arith.constant 48 : index
      %get3A_271 = tpu.vector_load %arg11[%get3A_269, %get3A_270] {strides = array<i32>} : memref<80x64xf32, #tpu.memory_space<vmem>>, vector<16xf32>,
      %mul3A_272 = arith.mulf %get3A_271, %gather3A_247 : vector<16xf32>
      %swap3A_273 = arith.index_cast %add3A_244 : i32 to index
      %swap3A_274 = arith.constant 48 : index
      %swap3A_275 = tpu.vector_load %arg11[%swap3A_273, %swap3A_274] {strides = array<i32>} : memref<80x64xf32, #tpu.memory_space<vmem>>, vector<16xf32>,
      tpu.vector_store %arg11[%swap3A_273, %swap3A_274], %mul3A_272 {strides = array<i32>} : memref<80x64xf32, #tpu.memory_space<vmem>>, vector<16xf32>,
    }
    %scan3A_105 = arith.constant 80 : i32
    %dma_start3A_106 = arith.constant 249 : i32
    %dma_start3A_107 = arith.constant 0 : i32
    %dma_start3A_108 = tpu.memref_slice %arg8[%dma_start3A_106, %dma_start3A_107] : memref<250x80xi32, #tpu.memory_space<vmem>> -> memref<1x80xi32, #tpu.memory_space<vmem>>
    %dma_start3A_109 = tpu.memref_squeeze %dma_start3A_108 : memref<1x80xi32, #tpu.memory_space<vmem>> -> memref<80xi32, #tpu.memory_space<vmem>>
    %dma_start3A_110 = arith.constant 0 : i32
    %dma_start3A_111 = arith.constant 0 : i32
    %dma_start3A_112 = tpu.memref_slice %arg22[%dma_start3A_110, %dma_start3A_111] : memref<10240x64xf32, #tpu.memory_space<vmem_shared>> -> memref<10240x64xf32, #tpu.memory_space<vmem_shared>>
    tpu.enqueue_indirect_dma source(%arg11 : memref<80x64xf32, #tpu.memory_space<vmem>>) target(%dma_start3A_112 : memref<10240x64xf32, #tpu.memory_space<vmem_shared>>) offsets(%dma_start3A_109 : memref<80xi32, #tpu.memory_space<vmem>>) semaphore(%arg19 : memref<!tpu.dma_semaphore, #tpu.memory_space<semaphore_mem>>) {add = true}
    %dma_wait3A_113 = arith.constant 248 : i32
    %dma_wait3A_114 = arith.constant 0 : i32
    %dma_wait3A_115 = tpu.memref_slice %arg8[%dma_wait3A_113, %dma_wait3A_114] : memref<250x80xi32, #tpu.memory_space<vmem>> -> memref<1x80xi32, #tpu.memory_space<vmem>>
    %dma_wait3A_116 = tpu.memref_squeeze %dma_wait3A_115 : memref<1x80xi32, #tpu.memory_space<vmem>> -> memref<80xi32, #tpu.memory_space<vmem>>
    %dma_wait3A_117 = arith.constant 0 : i32
    %dma_wait3A_118 = arith.constant 0 : i32
    %dma_wait3A_119 = tpu.memref_slice %arg22[%dma_wait3A_117, %dma_wait3A_118] : memref<10240x64xf32, #tpu.memory_space<vmem_shared>> -> memref<10240x64xf32, #tpu.memory_space<vmem_shared>>
    tpu.wait_indirect_dma semaphore(%arg18 : memref<!tpu.dma_semaphore, #tpu.memory_space<semaphore_mem>>) src(%arg10 : memref<80x64xf32, #tpu.memory_space<vmem>>) dst(%dma_wait3A_119 : memref<10240x64xf32, #tpu.memory_space<vmem_shared>>)
    %dma_wait3A_120 = arith.constant 249 : i32
    %dma_wait3A_121 = arith.constant 0 : i32
    %dma_wait3A_122 = tpu.memref_slice %arg8[%dma_wait3A_120, %dma_wait3A_121] : memref<250x80xi32, #tpu.memory_space<vmem>> -> memref<1x80xi32, #tpu.memory_space<vmem>>
    %dma_wait3A_123 = tpu.memref_squeeze %dma_wait3A_122 : memref<1x80xi32, #tpu.memory_space<vmem>> -> memref<80xi32, #tpu.memory_space<vmem>>
    %dma_wait3A_124 = arith.constant 0 : i32
    %dma_wait3A_125 = arith.constant 0 : i32
    %dma_wait3A_126 = tpu.memref_slice %arg22[%dma_wait3A_124, %dma_wait3A_125] : memref<10240x64xf32, #tpu.memory_space<vmem_shared>> -> memref<10240x64xf32, #tpu.memory_space<vmem_shared>>
    tpu.wait_indirect_dma semaphore(%arg19 : memref<!tpu.dma_semaphore, #tpu.memory_space<semaphore_mem>>) src(%arg11 : memref<80x64xf32, #tpu.memory_space<vmem>>) dst(%dma_wait3A_126 : memref<10240x64xf32, #tpu.memory_space<vmem_shared>>)
    %barrier3A_127 = arith.constant 0 : index
    tpu.barrier barrier_id(%barrier3A_127)
    %mul3A_128 = arith.constant 640 : i32
    %mul3A_129 = arith.muli %arg1, %mul3A_128 : i32
    %mul3A_130 = arith.constant 640 : i32
    %mul3A_131 = arith.muli %arg1, %mul3A_130 : i32
    "tpu.region"() ({
      %run_scoped3A = tpu.sem_alloc : memref<!tpu.dma_semaphore, #tpu.memory_space<semaphore_mem>>
      %dma_start3A_132 = arith.constant 0 : i32
      %dma_start3A_133 = tpu.memref_slice %arg6[%arg0, %mul3A_131, %dma_start3A_132] : memref<2x10240x64xf32, #tpu.memory_space<hbm>> -> memref<1x640x64xf32, #tpu.memory_space<hbm>>
      %dma_start3A_134 = tpu.memref_squeeze %dma_start3A_133 : memref<1x640x64xf32, #tpu.memory_space<hbm>> -> memref<640x64xf32, #tpu.memory_space<hbm>>
      %dma_start3A_135 = arith.constant 0 : i32
      %dma_start3A_136 = tpu.memref_slice %arg22[%mul3A_129, %dma_start3A_135] : memref<10240x64xf32, #tpu.memory_space<vmem_shared>> -> memref<640x64xf32, #tpu.memory_space<vmem_shared>>
      tpu.enqueue_dma source(%dma_start3A_136 : memref<640x64xf32, #tpu.memory_space<vmem_shared>>) target(%dma_start3A_134 : memref<640x64xf32, #tpu.memory_space<hbm>>) target_semaphore(%run_scoped3A : memref<!tpu.dma_semaphore, #tpu.memory_space<semaphore_mem>>)
      %dma_wait3A_137 = arith.constant 0 : i32
      %dma_wait3A_138 = tpu.memref_slice %arg6[%arg0, %mul3A_131, %dma_wait3A_137] : memref<2x10240x64xf32, #tpu.memory_space<hbm>> -> memref<1x640x64xf32, #tpu.memory_space<hbm>>
      %dma_wait3A_139 = tpu.memref_squeeze %dma_wait3A_138 : memref<1x640x64xf32, #tpu.memory_space<hbm>> -> memref<640x64xf32, #tpu.memory_space<hbm>>
      %dma_wait3A_140 = arith.constant 0 : i32
      %dma_wait3A_141 = tpu.memref_slice %arg22[%mul3A_129, %dma_wait3A_140] : memref<10240x64xf32, #tpu.memory_space<vmem_shared>> -> memref<640x64xf32, #tpu.memory_space<vmem_shared>>
      tpu.wait_dma2 semaphore(%run_scoped3A : memref<!tpu.dma_semaphore, #tpu.memory_space<semaphore_mem>>) src(%dma_wait3A_141 : memref<640x64xf32, #tpu.memory_space<vmem_shared>>) dst(%dma_wait3A_139 : memref<640x64xf32, #tpu.memory_space<hbm>>)
      tpu.yield
    }) : () -> ()
    return
  }
}

module attributes {stable_mosaic.version = 14 : i64} {
  func.func @_linear_body(%arg0: i32, %arg1: memref<2x1000x64xf32, #tpu.memory_space<vmem>>, %arg2: memref<128x128xf32, #tpu.memory_space<vmem>>, %arg3: memref<1x128xf32, #tpu.memory_space<vmem>>, %arg4: memref<1000x128xf32, #tpu.memory_space<vmem>>) attributes {dimension_semantics = [#tpu.dimension_semantics<arbitrary>], iteration_bounds = array<i64: 10>, scalar_prefetch = 0 : i64, scratch_operands = 0 : i64, tpu.core_type = #tpu.core_type<tc>, window_params = [{transform_indices = @transform_0, window_bounds = array<i64: 2, 1000, 64>}, {pipeline_mode = #tpu.pipeline_mode<synchronous>, transform_indices = @transform_1, window_bounds = array<i64: 128, 128>}, {pipeline_mode = #tpu.pipeline_mode<synchronous>, transform_indices = @transform_2, window_bounds = array<i64: 1, 128>}, {transform_indices = @transform_3, window_bounds = array<i64: 1000, 128>}]} {
    %get3A = arith.constant 0 : index
    %get3A_0 = arith.constant 0 : index
    %get3A_1 = arith.constant 0 : index
    %get3A_2 = vector.load %arg1[%get3A, %get3A_0, %get3A_1] : memref<2x1000x64xf32, #tpu.memory_space<vmem>>, vector<1x1000x64xf32>
    %get3A_3 = vector.shape_cast %get3A_2 : vector<1x1000x64xf32> to vector<1000x64xf32>
    %get3A_4 = arith.constant 0 : index
    %get3A_5 = arith.constant 0 : index
    %get3A_6 = vector.load %arg2[%get3A_4, %get3A_5] : memref<128x128xf32, #tpu.memory_space<vmem>>, vector<128x64xf32>
    %dot_general3A = arith.constant dense<0.000000e+00> : vector<1000x128xf32>
    %dot_general3A_7 = tpu.matmul %get3A_3, %get3A_6, %dot_general3A {dimension_numbers = #tpu.dot_dimension_numbers<[1], [1], [0], [0], [0, 0, 1, 0], [], []>, transpose_lhs_hint = false} : vector<1000x64xf32>, vector<128x64xf32>, vector<1000x128xf32> -> vector<1000x128xf32>
    %get3A_8 = arith.constant 1 : index
    %get3A_9 = arith.constant 0 : index
    %get3A_10 = arith.constant 0 : index
    %get3A_11 = vector.load %arg1[%get3A_8, %get3A_9, %get3A_10] : memref<2x1000x64xf32, #tpu.memory_space<vmem>>, vector<1x1000x64xf32>
    %get3A_12 = vector.shape_cast %get3A_11 : vector<1x1000x64xf32> to vector<1000x64xf32>
    %get3A_13 = arith.constant 0 : index
    %get3A_14 = arith.constant 64 : index
    %get3A_15 = vector.load %arg2[%get3A_13, %get3A_14] : memref<128x128xf32, #tpu.memory_space<vmem>>, vector<128x64xf32>
    %dot_general3A_16 = arith.constant dense<0.000000e+00> : vector<1000x128xf32>
    %dot_general3A_17 = tpu.matmul %get3A_12, %get3A_15, %dot_general3A_16 {dimension_numbers = #tpu.dot_dimension_numbers<[1], [1], [0], [0], [0, 0, 1, 0], [], []>, transpose_lhs_hint = false} : vector<1000x64xf32>, vector<128x64xf32>, vector<1000x128xf32> -> vector<1000x128xf32>
    %add3A = arith.addf %dot_general3A_7, %dot_general3A_17 : vector<1000x128xf32>
    %get3A_18 = arith.constant 0 : index
    %get3A_19 = arith.constant 0 : index
    %get3A_20 = vector.load %arg3[%get3A_18, %get3A_19] : memref<1x128xf32, #tpu.memory_space<vmem>>, vector<1x128xf32>
    %add3A_21 = vector.broadcast %get3A_20 : vector<1x128xf32> to vector<1000x128xf32>
    %add3A_22 = arith.addf %add3A, %add3A_21 : vector<1000x128xf32>
    %swap3A = arith.constant 0 : index
    %swap3A_23 = arith.constant 0 : index
    %swap3A_24 = vector.load %arg4[%swap3A, %swap3A_23] : memref<1000x128xf32, #tpu.memory_space<vmem>>, vector<1000x128xf32>
    tpu.vector_store %arg4[%swap3A, %swap3A_23], %add3A_22 {strides = array<i32>} : memref<1000x128xf32, #tpu.memory_space<vmem>>, vector<1000x128xf32>,
    return
  }
  func.func @transform_0(%arg0: i32) -> (i32, i32, i32) {
    %c0_i32 = arith.constant 0 : i32
    %c0_i32_0 = arith.constant 0 : i32
    %c0_i32_1 = arith.constant 0 : i32
    return %c0_i32, %arg0, %c0_i32_0 : i32, i32, i32
  }
  func.func @transform_1(%arg0: i32) -> (i32, i32) {
    %c0_i32 = arith.constant 0 : i32
    %c0_i32_0 = arith.constant 0 : i32
    %c0_i32_1 = arith.constant 0 : i32
    return %c0_i32, %c0_i32_0 : i32, i32
  }
  func.func @transform_2(%arg0: i32) -> (i32, i32) {
    %c0_i32 = arith.constant 0 : i32
    %c0_i32_0 = arith.constant 0 : i32
    %c0_i32_1 = arith.constant 0 : i32
    return %c0_i32, %c0_i32_0 : i32, i32
  }
  func.func @transform_3(%arg0: i32) -> (i32, i32) {
    %c0_i32 = arith.constant 0 : i32
    %c0_i32_0 = arith.constant 0 : i32
    return %arg0, %c0_i32 : i32, i32
  }
}

</mosaic_0001>

<sc_bundles>
// kernel: kernel.4.cloned.1.call-start
scs
__scs_entry_jumppad:
0x0: {  	(pc) =	sbr.rel $0x88, $3  }
0x1: {  	(tag) =	ssettag $0x0;
	lr =	simm.s32 $0x1  }
0x2: {  	[smem:$0x3F9C] =	sst lr;
	_ =	strace $0xD0000000  }
0x3: {  	_ = 	snop  }
0x4: {  	_ = 	snop  }
0x5: {  	_ = 	snop  }
0x6: {  	_ = 	snop  }
0x7: {  	_ = 	snop  }
__scs_overlays_trampoline_lowered:
0x8: {  	[smem:$0x3FAB] =	sst s0  }
0x9: {  	[smem:$0x3FAC] =	sst s1  }
0xa: {  	[smem:$0x3FAD] =	sst s2  }
0xb: {  	[smem:$0x3FAE] =	sst s3  }
0xc: {  	[smem:$0x3FAF] =	sst s4  }
0xd: {  	[smem:$0x3FB0] =	sst s5  }
0xe: {  	[smem:$0x3FB1] =	sst s6  }
0xf: {  	[smem:$0x3FB2] =	sst s7  }
0x10: {  	[smem:$0x3FB3] =	sst s8  }
0x11: {  	[smem:$0x3FB4] =	sst s9;
	s0 =	simm.s32 @!p0 $0x0  }
0x12: {  	s1 =	sld [smem:$0x3F9A];
	s0 =	simm.s32 @p0 $0x1  }
0x13: {  	[smem:$0x3FB5] =	sst s0;
	s0 =	simm.s32 @!p1 $0x0  }
0x14: {  	s2 =	sld [smem:$0x3F99];
	s0 =	simm.s32 @p1 $0x1  }
0x15: {  	[smem:$0x3FB6] =	sst s0;
	s0 =	simm.s32 @!p2 $0x0  }
0x16: {  	s3 =	sld [smem:$0x3FDB];
	s0 =	simm.s32 @p2 $0x1  }
0x17: {  	s4 =	simm.s32 $0x1BF5;
	[smem:$0x3FB8] =	sst s0  }
0x18: {  	s0 =	sld [smem:$0x3F9B];
	_ =	swait.ge [sflag:s4], $0x0  }
0x19: {  	s7 =	sld [smem:$0x3F9C]  }
0x1a: {  	s8 =	sadd.s32 $0xFFFFE003, lr  }
0x1b: {  	s9 =	sadd.s32 $0xFFFFFEF7, lr;
	s5 =	simm.s32 $0xFFFFFFFF;
	p2 =	slt.u32 s8, $0xFFFFF086  }
0x1c: {  	p1 =	slt.u32 s9, $0xF7A;
	s5 =	simm.s32 @!p2 $0x0  }
0x1d: {  	s5 =	simm.s32 @p1 $0x1;
	p0 =	seq.s32 s7, s2  }
0x1e: {  	s7 =	smul.u32 @!p0 $0xF7A, s2;
	p2 =	seq.s32 @!p0 s5, $0x0  }
0x1f: {  	s9 =	smul.u32 $0xF7A, s1;
	s8 =	simm.s32 @!p0 $0x1BF5;
	p2 =	por !p2, p0  }
0x20: {  	[sflag:s8] =	ssyncset.s32 @!p0 $0xFFFFF086;
	s6 =	sadd.s32 @!p0 s3, s7;
	s7 =	simm.s32 @!p0 $0x108  }
0x21: {  	s3 =	sadd.s32 s3, s9;
	s6 =	sadd.s32 @!p0 $0x88, s6;
	s7 =	simm.s32 @p2 $0x1082  }
0x22: {  	[simem:s7], [sflag:s8] =	dma.local @!p0 [hbm:s6], $0xF7A  }
0x23: {  	s9 =	sor.u32 $0xD0000000, s2;
	s6 =	simm.s32 $0x108;
	_ =	swait.ge @!p0 [sflag:s8], $0x0  }
0x24: {  	s3 =	sadd.s32 $0x88, s3;
	s6 =	simm.s32 @!p1 $0x1082;
	[sflag:s4] =	ssyncset.s32 $0xFFFFF086  }
0x25: {  	[simem:s6], [sflag:s4] =	dma.local [hbm:s3], $0xF7A  }
0x26: {  	[smem:$0x3F9C] =	sst s1;
	(tag) =	ssettag s2;
	_ =	strace s9  }
0x27: {  	s1 =	sld [smem:$0x3FAC]  }
0x28: {  	s2 =	sld [smem:$0x3FAD]  }
0x29: {  	s4 =	sld [smem:$0x3FAF]  }
0x2a: {  	p0 =	seq.s32 s5, $0x0;
	s5 =	sld [smem:$0x3FB0]  }
0x2b: {  	s6 =	sld [smem:$0x3FB1]  }
0x2c: {  	s7 =	sld [smem:$0x3FB2]  }
0x2d: {  	s3 =	simm.s32 $0x108;
	s8 =	sld [smem:$0x3FB3]  }
0x2e: {  	s3 =	simm.s32 @!p0 $0x1082;
	s9 =	sld [smem:$0x3FB4]  }
0x2f: {  	lr =	sadd.s32 s0, s3;
	s0 =	sld [smem:$0x3FAB]  }
0x30: {  	s3 =	sld [smem:$0x3FAE]  }
0x31: {  	[smem:$0x3FB7] =	sst s10  }
0x32: {  	s10 =	sld [smem:$0x3FB5];
	_ =	sdelay $0x3  }
0x33: {  	p0 =	seq.s32 s10, $0x1;
	s10 =	sld [smem:$0x3FB7];
	_ =	sdelay $0x3  }
0x34: {  	[smem:$0x3FB7] =	sst s10  }
0x35: {  	s10 =	sld [smem:$0x3FB6];
	_ =	sdelay $0x3  }
0x36: {  	p1 =	seq.s32 s10, $0x1;
	s10 =	sld [smem:$0x3FB7];
	_ =	sdelay $0x3  }
0x37: {  	[smem:$0x3FB7] =	sst s10  }
0x38: {  	s10 =	sld [smem:$0x3FB8]  }
0x39: {  	_ = 	snop;
	(pc) =	sbr.ind lr, $3  }
0x3a: {  	_ = 	snop  }
0x3b: {  	_ = 	snop  }
0x3c: {  	p2 =	seq.s32 s10, $0x1;
	s10 =	sld [smem:$0x3FB7]  }
0x3d: {  	_ =	shalt  }
0x3e: {  	_ =	shalt  }
0x3f: {  	_ =	shalt  }
0x40: {  	_ =	shalt  }
0x41: {  	_ =	shalt  }
0x42: {  	_ =	shalt  }
0x43: {  	_ =	shalt  }
0x44: {  	_ =	shalt  }
0x45: {  	_ =	shalt  }
0x46: {  	_ =	shalt  }
0x47: {  	_ =	shalt  }
0x48: {  	_ =	shalt  }
0x49: {  	_ =	shalt  }
0x4a: {  	_ =	shalt  }
0x4b: {  	_ =	shalt  }
0x4c: {  	_ =	shalt  }
0x4d: {  	_ =	shalt  }
0x4e: {  	_ =	shalt  }
0x4f: {  	_ =	shalt  }
0x50: {  	_ =	shalt  }
0x51: {  	_ =	shalt  }
0x52: {  	_ =	shalt  }
0x53: {  	_ =	shalt  }
0x54: {  	_ =	shalt  }
0x55: {  	_ =	shalt  }
0x56: {  	_ =	shalt  }
0x57: {  	_ =	shalt  }
0x58: {  	_ =	shalt  }
0x59: {  	_ =	shalt  }
0x5a: {  	_ =	shalt  }
0x5b: {  	_ =	shalt  }
0x5c: {  	_ =	shalt  }
0x5d: {  	_ =	shalt  }
0x5e: {  	_ =	shalt  }
0x5f: {  	_ =	shalt  }
0x60: {  	_ =	shalt  }
0x61: {  	_ =	shalt  }
0x62: {  	_ =	shalt  }
0x63: {  	_ =	shalt  }
0x64: {  	_ =	shalt  }
0x65: {  	_ =	shalt  }
0x66: {  	_ =	shalt  }
0x67: {  	_ =	shalt  }
0x68: {  	_ =	shalt  }
0x69: {  	_ =	shalt  }
0x6a: {  	_ =	shalt  }
0x6b: {  	_ =	shalt  }
0x6c: {  	_ =	shalt  }
0x6d: {  	_ =	shalt  }
0x6e: {  	_ =	shalt  }
0x6f: {  	_ =	shalt  }
0x70: {  	_ =	shalt  }
0x71: {  	_ =	shalt  }
0x72: {  	_ =	shalt  }
0x73: {  	_ =	shalt  }
0x74: {  	_ =	shalt  }
0x75: {  	_ =	shalt  }
0x76: {  	_ =	shalt  }
0x77: {  	_ =	shalt  }
0x78: {  	_ =	shalt  }
0x79: {  	_ =	shalt  }
0x7a: {  	_ =	shalt  }
0x7b: {  	_ =	shalt  }
0x7c: {  	_ =	shalt  }
0x7d: {  	_ =	shalt  }
0x7e: {  	_ =	shalt  }
0x7f: {  	_ =	shalt  }
0x80: {  	_ =	shalt  }
0x81: {  	_ =	shalt  }
0x82: {  	_ =	shalt  }
0x83: {  	_ =	shalt  }
0x84: {  	_ =	shalt  }
0x85: {  	_ =	shalt  }
0x86: {  	_ =	shalt  }
0x87: {  	_ =	shalt  }
.Lfunc_end0:
.L_simem_size_0:
called_computation_lowered:
.L_overlay_start_0:
0x88: {  	s2 =	sld [smem:$0x3FD9]  }
0x89: {  	s3 =	sld [smem:$0x3FFE];
	_ =	sdelay $0x1  }
0x8a: {  	s1 =	srdreg.scid  }
0x8b: {  	s0 =	sand.u32 $0x1, s1  }
0x8c: {  	s17 =	sshll.u32 s0, $0xA;
	s2 =	sadd.s32 s3, s2  }
0x8d: {  	s2 =	sadd.s32 s2, s17  }
0x8e: {  	[smem:$0x3FC3] =	sst s2  }
0x8f: {  	_ = 	snop  }
0x90: {  	s2 =	sld [smem:$0x3FC9]  }
0x91: {  	s18 =	sld [smem:$0x3FC7]  }
0x92: {  	s4 =	sld [smem:$0x3FD0];
	(tm) =	ssettm $0x1  }
0x93: {  	s5 =	sld [smem:$0x3FFB];
	_ =	sdelay $0x3  }
0x94: {  	_ =	strace s5  }
0x95: {  	s5 =	sld [smem:$0x3FFC];
	_ =	sdelay $0x3  }
0x96: {  	_ =	strace s5  }
0x97: {  	s5 =	sld [smem:$0x3FFD];
	_ =	sdelay $0x3  }
0x98: {  	_ =	strace s5  }
0x99: {  	_ =	strace $0x8FFFFFFF  }
0x9a: {  	s19 =	sld [smem:$0x3FDB];
	_ =	sdelay $0x1  }
0x9b: {  	s6 =	simm.s32 $_scs_section_size  }
0x9c: {  	s7 =	simm.s32 $_size__tile_overlayer_lowered;
	s8 =	simm.s32 $_tile_overlayer_lowered  }
0x9d: {  	s22 =	simm.s32 $0x1BFF;
	s21 =	sshll.u32 s8, $0x1;
	s5 =	sadd.s32 s6, s19  }
0x9e: {  	s9 =	simm.s32 $0x0;
	s20 =	sshll.u32 s7, $0x1;
	s7 =	sadd.s32 s21, s5  }
0x9f: {  	[timem:s9], [sflag:s22] =	dma.local [hbm:s7], s20  }
0xa0: {  	_ =	swait.ge [sflag:s22], s20  }
0xa1: {  	s6 =	ssub.s32 $0x0, s20;
	[sflag:s22] =	ssyncset.done $0x0  }
0xa2: {  	[sflag:s22] =	ssyncadd.s32 s6;
	_ =	sdelay $0x1  }
0xa3: {  	s23 =	simm.s32 $0x1B8B  }
0xa4: {  	_ =	swait.ge [sflag:s23], $0x1  }
0xa5: {  	[sflag:s23] =	ssyncset.done $0x0  }
0xa6: {  	s25 =	simm.s32 $0x1B8E;
	s24 =	sld [smem:$0x3FFE];
	[sflag:s23] =	ssyncadd.s32 $0xFFFFFFFF  }
0xa7: {  	s26 =	simm.s32 $execute0_lowered;
	[smem:$0x3FD2] =	sst s25  }
0xa8: {  	s7 =	sshll.u32 s26, $0x1;
	_ =	strace $0x80000046;
	[dreg:$0x1] =	wrdreg $0xFFFFFFFF  }
0xa9: {  	s28 =	simm.s32 $_size_execute0_lowered;
	s5 =	sadd.s32 s5, s7;
	[dreg:$0x0] =	wrdreg $0x0  }
0xaa: {  	s7 =	sshll.u32 s28, $0x1;
	[dreg:$0x2] =	wrdreg s5  }
0xab: {  	[dreg:$0x3] =	wrdreg s7  }
0xac: {  	[dreg:$0x4] =	wrdreg $0xC0  }
0xad: {  	_ =	task [dreg:s9], $0x5FFFF  }
0xae: {  	[dreg:$0x1] =	wrdreg $0xFFFFFFFF  }
0xaf: {  	[dreg:$0x0] =	wrdreg $0x60  }
0xb0: {  	[dreg:$0x2] =	wrdreg s2  }
0xb1: {  	[dreg:$0x3] =	wrdreg s24  }
0xb2: {  	[dreg:$0x4] =	wrdreg s4  }
0xb3: {  	[dreg:$0x5] =	wrdreg s18  }
0xb4: {  	[dreg:$0x6] =	wrdreg $0x13A600  }
0xb5: {  	[dreg:$0x7] =	wrdreg $0x9  }
0xb6: {  	_ =	task.clear_ibuf [dreg:s9], $0x8FFFF;
	_ =	strace $0x90000046  }
0xb7: {  	s29 =	simm.s32 $0x9;
	_ =	strace $0x80000048  }
0xb8: {  	_ =	swait.ge [sflag:s29], $0x1  }
0xb9: {  	[sflag:s29] =	ssyncadd.s32 $0xFFFFFFFF  }
0xba: {  	_ =	strace $0x90000048  }
0xbb: {  	_ =	sfence  }
0xbc: {  	s30 =	sld [smem:$0x0];
	_ =	sdelay $0x2  }
0xbd: {  	s31 =	sshll.u32 s1, $0xD;
	s1 =	sshrl.u32 s1, $0x2  }
0xbe: {  	s3 =	sand.u32 $0x4000, s31;
	s1 =	sadd.s32 s1, s30  }
0xbf: {  	s0 =	sor.u32 s3, s0;
	s1 =	sshll.u32 s1, $0x11  }
0xc0: {  	s0 =	sor.u32 s1, s0  }
0xc1: {  	s0 =	sadd.s32 $0x8F2B, s0  }
0xc2: {  	[sflag:s0] =	ssyncadd.remote.s32 $0x1  }
0xc3: {  	_ =	sfence.sel $0xFFFF  }
0xc4: {  	[dreg:$0x0] =	wrdreg $0xFFFFFFFF;
	(pc) =	sbr.abs _section_cstart, $3  }
0xc5: {  	[dreg:$0x1] =	wrdreg $0xFFFFFFFF  }
0xc6: {  	_ =	task.clear_ibuf [dreg:s9], $0x2FFFF;
	_ =	strace $0x9FFFFFFF  }
0xc7: {  	(tm) =	ssettm $0x7FFFFFFF  }
tec
execute0_lowered:
.L_overlay_start_1:
0x0: {  	(tag) =	ssettag $0x1  }
0x1: {  	s1 =	rddreg [dreg:$0x0]  }
0x2: {  	s0 =	rddreg [dreg:$0x1]  }
0x3: {  	s2 =	rddreg [dreg:$0x2]  }
0x4: {  	s5 =	rddreg [dreg:$0x3]  }
0x5: {  	s3 =	rddreg [dreg:$0x4]  }
0x6: {  	s6 =	srdreg.scid;
	s12 =	stileid.u32  }
0x7: {  	s4 =	simm.s32 $0x0;
	s28 =	simm.s32 $0x3;
	s7 =	smul.u32 $0xA000, s12  }
0x8: {  	s29 =	simm.s32 $0x12660;
	s30 =	simm.s32 $0x5;
	s10 =	smul.u32 $0x28000, s12  }
0x9: {  	s31 =	simm.s32 $0x6;
	s6 =	sand.u32 $0x1, s6;
	s12 =	smul.u32 $0x9C4, s12  }
0xa: {  	[smem:$0x7FF] =	sst s4;
	s8 =	smul.u32 $0xA0000, s6;
	s9 =	ssub.s32 $0x2, s6  }
0xb: {  	_ =	strace $0x80000047;
	s11 =	sshrl.u32 s9, $0x1;
	s15 =	sshrl.u32 s10, $0x2  }
0xc: {  	s16 =	sadd.s32 s2, s12;
	s18 =	sadd.s32 s5, s12;
	s2 =	simm.s32 $0x8  }
0xd: {  	s5 =	simm.s32 $0x0;
	[dreg:$0x7] =	wrdreg s16;
	s17 =	sadd.s32 s15, s3  }
0xe: {  	s8 =	sadd.s32 s7, s8;
	[dreg:$0x8] =	wrdreg s18;
	s19 =	sadd.s32 $0x1400, s17  }
0xf: {  	s9 =	ssub.s32 s9, s11;
	s20 =	sadd.s32 $0x2800, s17;
	[dreg:$0x9] =	wrdreg s19  }
0x10: {  	s18 =	simm.s32 $0x9;
	s21 =	sadd.s32 $0x3C00, s17;
	[dreg:$0xa] =	wrdreg s20  }
0x11: {  	s8 =	sshrl.u32 s8, $0x3;
	s22 =	sadd.s32 $0x5000, s17;
	[dreg:$0xb] =	wrdreg s21  }
0x12: {  	s23 =	sadd.s32 $0x6400, s17;
	s24 =	sadd.s32 $0x7800, s17;
	[dreg:$0xc] =	wrdreg s22  }
0x13: {  	s26 =	smax.u32 s9, $0x1;
	s13 =	sadd.s32 s8, s0;
	[dreg:$0xd] =	wrdreg s23  }
0x14: {  	s0 =	sadd.s32 s0, s12;
	s8 =	sadd.s32 s7, s3;
	[dreg:$0xe] =	wrdreg s24  }
0x15: {  	[dreg:$0x11] =	wrdreg s26;
	s20 =	simm.s32 $0x9C40;
	s21 =	simm.s32 $0xEA60  }
0x16: {  	s22 =	simm.s32 $0x50;
	s23 =	simm.s32 $0xFE60;
	s24 =	simm.s32 $0x2  }
0x17: {  	s26 =	simm.s32 $0x1;
	[dreg:$0x6] =	wrdreg s0;
	s0 =	sadd.s32 $0x8C00, s17  }
0x18: {  	s19 =	simm.s32 $0x7;
	s25 =	sadd.s32 $0x9E00, s13;
	[dreg:$0xf] =	wrdreg s0  }
0x19: {  	v1 =	vimm.f32 $0.0e+00;
	v0 =	vmov s6;
	[dreg:$0x10] =	wrdreg s25;
	s25 =	simm.s32 $0x11260;
	s0 =	simm.s32 $0x4  }
.LBB2_1:
0x1a: {  	s6 =	rddreg [dreg:$0x6]  }
0x1b: {  	[tilespmem:s4], [sflag:$0x9] =	stream.linear.gather [hbm4b:s6+s4], $0x4E20, $0x38;
	[tilespmem:$0x1DA60] =	vst v63  }
0x1c: {  	_ =	swait.ge [sflag:s18], $0x4E20  }
0x1d: {  	[sflag:s18] =	ssyncset.done $0x0  }
0x1e: {  	s7 =	simm.s32 $0x4E20;
	s16 =	rddreg [dreg:$0x7];
	[sflag:s18] =	ssyncadd.s32 $0xFFFFB1E0  }
0x1f: {  	[tilespmem:s7], [sflag:$0x9] =	stream.linear.gather [hbm4b:s16+s4], $0x4E20, $0x38;
	[tilespmem:$0x1DA60] =	vst v63  }
0x20: {  	_ =	swait.ge [sflag:s18], $0x4E20  }
0x21: {  	[sflag:s18] =	ssyncset.done $0x0  }
0x22: {  	s17 =	rddreg [dreg:$0x8];
	[sflag:s18] =	ssyncadd.s32 $0xFFFFB1E0  }
0x23: {  	[tilespmem:s20], [sflag:$0x9] =	stream.linear.gather [hbm4b:s17+s4], $0x4E20, $0x38;
	[tilespmem:$0x1DA60] =	vst v63  }
0x24: {  	_ =	swait.ge [sflag:s18], $0x4E20  }
0x25: {  	[sflag:s18] =	ssyncset.done $0x0  }
0x26: {  	s6 =	simm.s32 $0x0;
	[sflag:s18] =	ssyncadd.s32 $0xFFFFB1E0  }
0x27: {  	v4 =	vld [tilespmem:s6+$0x0]  }
0x28: {  	v5 =	vld [tilespmem:s6+$0x10]  }
0x29: {  	v3 =	vld [tilespmem:s6+$0x20]  }
0x2a: {  	s7 =	simm.s32 $0x140;
	v2 =	vld [tilespmem:s6+$0x30]  }
.LBB2_2:
0x2b: {  	p0 =	sne.s32 s7, $0x13740;
	v6 =	vld [tilespmem:s6+$0x40]  }
0x2c: {  	v4 =	vshll.u32 v4, $0x1  }
0x2d: {  	v4 =	vor.u32 v0, v4;
	v5 =	vshll.u32 v5, $0x1  }
.Ltmp0:
0x2e: {  	s9 =	sshra.s32 s7, $0x2;
	[tilespmem:s6+$0x0] =	vst v4;
	v5 =	vor.u32 v0, v5;
	v3 =	vshll.u32 v3, $0x1;
	(pc) =	sbr.rel @p0 .LBB2_2-.Ltmp0, $4  }
0x2f: {  	v4 =	vld [tilespmem:s9+$0x0];
	[tilespmem:s6+$0x10] =	vst v5;
	v3 =	vor.u32 v0, v3;
	v2 =	vshll.u32 v2, $0x1  }
0x30: {  	v5 =	vld [tilespmem:s9+$0x10];
	[tilespmem:s6+$0x20] =	vst v3;
	v2 =	vor.u32 v0, v2;
	v6 =	vshll.u32 v6, $0x1  }
0x31: {  	v3 =	vld [tilespmem:s9+$0x20];
	[tilespmem:s6+$0x30] =	vst v2;
	v6 =	vor.u32 v0, v6  }
0x32: {  	s7 =	sadd.s32 $0x140, s7;
	v2 =	vld [tilespmem:s9+$0x30];
	[tilespmem:s6+$0x40] =	vst v6;
	s6 =	smov.u32 s9  }
0x33: {  	v6 =	vld [tilespmem:s6+$0x40]  }
0x34: {  	v4 =	vshll.u32 v4, $0x1  }
0x35: {  	v4 =	vor.u32 v0, v4;
	v5 =	vshll.u32 v5, $0x1  }
0x36: {  	[tilespmem:s6+$0x0] =	vst v4;
	v63 =	vor.u32 v0, v5;
	v3 =	vshll.u32 v3, $0x1  }
0x37: {  	[tilespmem:s6+$0x10] =	vst v63;
	v3 =	vor.u32 v0, v3;
	v2 =	vshll.u32 v2, $0x1  }
0x38: {  	[tilespmem:s6+$0x20] =	vst v3;
	v2 =	vor.u32 v0, v2;
	v3 =	vshll.u32 v6, $0x1  }
0x39: {  	[tilespmem:s6+$0x30] =	vst v2;
	v2 =	vor.u32 v0, v3  }
0x3a: {  	s7 =	simm.s32 $0x100;
	[tilespmem:s6+$0x40] =	vst v2;
	s6 =	simm.s32 $0x0  }
.LBB2_4:
0x3b: {  	p0 =	sne.s32 s7, $0x4F00;
	[tilespmem:s6+$0xEA90] =	vst v1;
	s9 =	smov.u32 s7;
	s7 =	sadd.s32 $0x100, s7  }
.Ltmp1:
0x3c: {  	[tilespmem:s6+$0xEA80] =	vst v1;
	(pc) =	sbr.rel @p0 .LBB2_4-.Ltmp1, $3  }
0x3d: {  	[tilespmem:s6+$0xEA60] =	vst v1  }
0x3e: {  	[tilespmem:s6+$0xEA70] =	vst v1;
	_ =	sdelay $0x1  }
0x3f: {  	s6 =	sshra.s32 s9, $0x2  }
0x40: {  	[tilespmem:s6+$0xEA90] =	vst v1  }
0x41: {  	[tilespmem:s6+$0xEA80] =	vst v1  }
0x42: {  	[tilespmem:s6+$0xEA60] =	vst v1  }
0x43: {  	[tilespmem:s6+$0xEA70] =	vst v1  }
0x44: {  	[spmem:s8] =	stream.linear.scatter [tilespmem:s21], [sflag:$0x9], $0x1400, $0x38;
	[tilespmem:$0x1DA60] =	vst v63  }
0x45: {  	_ =	swait.ge [sflag:s18], $0x1400  }
0x46: {  	[sflag:s18] =	ssyncset.done $0x0  }
0x47: {  	s11 =	rddreg [dreg:$0x9];
	[sflag:s18] =	ssyncadd.s32 $0xFFFFEC00  }
0x48: {  	[spmem:s11] =	stream.linear.scatter [tilespmem:s21], [sflag:$0x9], $0x1400, $0x38;
	[tilespmem:$0x1DA60] =	vst v63  }
0x49: {  	_ =	swait.ge [sflag:s18], $0x1400  }
0x4a: {  	[sflag:s18] =	ssyncset.done $0x0  }
0x4b: {  	s12 =	rddreg [dreg:$0xa];
	[sflag:s18] =	ssyncadd.s32 $0xFFFFEC00  }
0x4c: {  	[spmem:s12] =	stream.linear.scatter [tilespmem:s21], [sflag:$0x9], $0x1400, $0x38;
	[tilespmem:$0x1DA60] =	vst v63  }
0x4d: {  	_ =	swait.ge [sflag:s18], $0x1400  }
0x4e: {  	[sflag:s18] =	ssyncset.done $0x0  }
0x4f: {  	s13 =	rddreg [dreg:$0xb];
	[sflag:s18] =	ssyncadd.s32 $0xFFFFEC00  }
0x50: {  	[spmem:s13] =	stream.linear.scatter [tilespmem:s21], [sflag:$0x9], $0x1400, $0x38;
	[tilespmem:$0x1DA60] =	vst v63  }
0x51: {  	_ =	swait.ge [sflag:s18], $0x1400  }
0x52: {  	[sflag:s18] =	ssyncset.done $0x0  }
0x53: {  	s14 =	rddreg [dreg:$0xc];
	[sflag:s18] =	ssyncadd.s32 $0xFFFFEC00  }
0x54: {  	[spmem:s14] =	stream.linear.scatter [tilespmem:s21], [sflag:$0x9], $0x1400, $0x38;
	[tilespmem:$0x1DA60] =	vst v63  }
0x55: {  	_ =	swait.ge [sflag:s18], $0x1400  }
0x56: {  	[sflag:s18] =	ssyncset.done $0x0  }
0x57: {  	s15 =	rddreg [dreg:$0xd];
	[sflag:s18] =	ssyncadd.s32 $0xFFFFEC00  }
0x58: {  	[spmem:s15] =	stream.linear.scatter [tilespmem:s21], [sflag:$0x9], $0x1400, $0x38;
	[tilespmem:$0x1DA60] =	vst v63  }
0x59: {  	_ =	swait.ge [sflag:s18], $0x1400  }
0x5a: {  	[sflag:s18] =	ssyncset.done $0x0  }
0x5b: {  	s16 =	rddreg [dreg:$0xe];
	[sflag:s18] =	ssyncadd.s32 $0xFFFFEC00  }
0x5c: {  	[spmem:s16] =	stream.linear.scatter [tilespmem:s21], [sflag:$0x9], $0x1400, $0x38;
	[tilespmem:$0x1DA60] =	vst v63  }
0x5d: {  	_ =	swait.ge [sflag:s18], $0x1400  }
0x5e: {  	[sflag:s18] =	ssyncset.done $0x0  }
0x5f: {  	s17 =	rddreg [dreg:$0xf];
	[sflag:s18] =	ssyncadd.s32 $0xFFFFEC00  }
0x60: {  	[spmem:s17] =	stream.linear.scatter [tilespmem:s21], [sflag:$0x9], $0x1400, $0x38;
	[tilespmem:$0x1DA60] =	vst v63  }
0x61: {  	_ =	swait.ge [sflag:s18], $0x1400  }
0x62: {  	[sflag:s18] =	ssyncset.done $0x0  }
0x63: {  	[sflag:s18] =	ssyncadd.s32 $0xFFFFEC00  }
0x64: {  	s6 =	simm.s32 $0x0;
	[bflag:$0x0] =	sbarrier.arrive $0xFFFF  }
0x65: {  	[tilespmem:s21], [sflag:$0x1] =	stream.indirect.gather [hbm4b:s1+s22], $0x40, s6, s22, $0xb8;
	[tilespmem:$0x1DA60] =	vst v63  }
0x66: {  	_ = 	snop  }
0x67: {  	[tilespmem:s23], [sflag:$0x2] =	stream.indirect.gather [hbm4b:s1+s22], $0x40, s22, s22, $0xb8;
	[tilespmem:$0x1DA60] =	vst v63  }
.LBB2_6:
0x68: {  	s10 =	sshll.u32 s6, $0x2;
	p0 =	seq.s32 s6, $0x0;
	s11 =	smul.u32 $0x140, s6  }
0x69: {  	s9 =	sor.u32 @!p0 $0x2, s10  }
0x6a: {  	s7 =	simm.s32 @!p0 $0x7;
	s9 =	simm.s32 @p0 $0x2;
	s13 =	sadd.s32 $0x0, s11  }
0x6b: {  	_ =	swait.ge @!p0 [sflag:s7], $0x1400;
	s12 =	smul.u32 $0x140, s9;
	v2 =	vmov s13  }
0x6c: {  	[sflag:s7] =	ssyncset.done @!p0 $0x0;
	v2 =	vand.u32 $0xFFFFFFFC, v2  }
0x6d: {  	[sflag:s7] =	ssyncadd.s32 @!p0 $0xFFFFEC00;
	s15 =	sshra.s32 s12, $0x2;
	v2 =	vbroadcast v2, $0x0  }
0x6e: {  	[tilespmem:s25], [sflag:$0x3] =	stream.indirect.gather [hbm4b:s1+s22], $0x40, s15, s22, $0xb8;
	[tilespmem:$0x1DA60] =	vst v63  }
0x6f: {  	_ =	swait.ge [sflag:s26], $0x1400  }
0x70: {  	[sflag:s26] =	ssyncset.done $0x0  }
0x71: {  	s12 =	simm.s32 $0xEAE0;
	[sflag:s26] =	ssyncadd.s32 $0xFFFFEC00  }
0x72: {  	v3 =	vld [tilespmem:s12+$0xFFFFFFB0]  }
0x73: {  	v2 =	vld.idx.msk [tilespmem:v2+s20+$0x0], $0xffff  }
0x74: {  	v4 =	vld [tilespmem:s12+$0xFFFFFF80]  }
0x75: {  	s16 =	sadd.s32 $0x1, s13;
	v5 =	vld [tilespmem:s12+$0xFFFFFF90]  }
0x76: {  	v6 =	vmov s16;
	v7 =	vld [tilespmem:s12+$0xFFFFFFA0]  }
0x77: {  	v6 =	vand.u32 $0xFFFFFFFD, v6  }
0x78: {  	v6 =	vbroadcast v6, $0x0;
	v3 =	vmul.f32 v3, v2  }
0x79: {  	v4 =	vmul.f32 v4, v2  }
0x7a: {  	v5 =	vmul.f32 v5, v2;
	[tilespmem:s12+$0xFFFFFFB0] =	vst v3  }
0x7b: {  	v2 =	vmul.f32 v7, v2;
	[tilespmem:s12+$0xFFFFFF80] =	vst v4  }
0x7c: {  	[tilespmem:s12+$0xFFFFFF90] =	vst v5  }
0x7d: {  	[tilespmem:s12+$0xFFFFFFA0] =	vst v2;
	v3 =	vld [tilespmem:s12+$0xFFFFFFC0]  }
0x7e: {  	v2 =	vld.idx.msk [tilespmem:v6+s20+$0x0], $0xffff  }
0x7f: {  	v4 =	vld [tilespmem:s12+$0xFFFFFFF0]  }
0x80: {  	s17 =	sadd.s32 $0x2, s13;
	v5 =	vld [tilespmem:s12+$0xFFFFFFD0]  }
0x81: {  	v62 =	vmov s17;
	v61 =	vld [tilespmem:s12+$0xFFFFFFE0]  }
0x82: {  	v7 =	vand.u32 $0xFFFFFFFE, v62  }
0x83: {  	v7 =	vbroadcast v7, $0x0;
	v3 =	vmul.f32 v3, v2  }
0x84: {  	v4 =	vmul.f32 v4, v2  }
0x85: {  	v5 =	vmul.f32 v5, v2;
	[tilespmem:s12+$0xFFFFFFC0] =	vst v3  }
0x86: {  	v2 =	vmul.f32 v61, v2;
	[tilespmem:s12+$0xFFFFFFF0] =	vst v4  }
0x87: {  	[tilespmem:s12+$0xFFFFFFD0] =	vst v5  }
0x88: {  	[tilespmem:s12+$0xFFFFFFE0] =	vst v2;
	v2 =	vld [tilespmem:s12+$0x0]  }
0x89: {  	v3 =	vld.idx.msk [tilespmem:v7+s20+$0x0], $0xffff  }
0x8a: {  	v4 =	vld [tilespmem:s12+$0x30]  }
0x8b: {  	v5 =	vld [tilespmem:s12+$0x20];
	_ =	sdelay $0x1  }
0x8c: {  	v63 =	vld [tilespmem:s12+$0x10]  }
0x8d: {  	v2 =	vmul.f32 v2, v3  }
0x8e: {  	s13 =	sadd.s32 $0x3, s13;
	v4 =	vmul.f32 v4, v3  }
0x8f: {  	v5 =	vmul.f32 v5, v3;
	[tilespmem:s12+$0x0] =	vst v2;
	v2 =	vmov s13  }
0x90: {  	[tilespmem:s12+$0x30] =	vst v4  }
0x91: {  	s7 =	simm.s32 $0x4;
	v3 =	vmul.f32 v63, v3;
	[tilespmem:s12+$0x20] =	vst v5;
	s13 =	simm.s32 $0xEAE0  }
.LBB2_7:
0x92: {  	p1 =	slt.u32 s7, $0x4C  }
0x93: {  	[tilespmem:s12+$0x10] =	vst v3;
	v3 =	vld [tilespmem:s12+$0x70];
	s13 =	sadd.s32 $0x100, s13;
	s14 =	smov.u32 s7;
	s7 =	sadd.s32 $0x4, s7  }
0x94: {  	v2 =	vld.idx.msk [tilespmem:v2+s20+$0x0], $0xffff  }
0x95: {  	v4 =	vld [tilespmem:s12+$0x40]  }
0x96: {  	v5 =	vld [tilespmem:s12+$0x50]  }
0x97: {  	s14 =	sadd.s32 s11, s14;
	v6 =	vld [tilespmem:s12+$0x60]  }
0x98: {  	v7 =	vmov s14;
	s15 =	sadd.s32 $0x1, s14;
	s16 =	sadd.s32 $0x2, s14;
	s14 =	sadd.s32 $0x3, s14  }
0x99: {  	v7 =	vand.u32 $0xFFFFFFFC, v7;
	v8 =	vmov s15;
	v9 =	vmov s16  }
0x9a: {  	v7 =	vbroadcast v7, $0x0;
	v8 =	vand.u32 $0xFFFFFFFD, v8;
	v4 =	vmul.f32 v4, v2  }
0x9b: {  	v9 =	vand.u32 $0xFFFFFFFE, v9;
	v3 =	vmul.f32 v3, v2;
	v5 =	vmul.f32 v5, v2  }
0x9c: {  	[tilespmem:s12+$0x40] =	vst v4;
	v2 =	vmul.f32 v6, v2  }
0x9d: {  	[tilespmem:s12+$0x70] =	vst v3  }
0x9e: {  	v3 =	vld [tilespmem:s13+$0xFFFFFFA0];
	[tilespmem:s12+$0x50] =	vst v5  }
0x9f: {  	v4 =	vld [tilespmem:s13+$0xFFFFFFB0];
	[tilespmem:s12+$0x60] =	vst v2;
	s12 =	smov.u32 s13  }
0xa0: {  	v2 =	vld.idx.msk [tilespmem:v7+s20+$0x0], $0xffff  }
0xa1: {  	v5 =	vld [tilespmem:s13+$0xFFFFFF80]  }
0xa2: {  	v6 =	vld [tilespmem:s13+$0xFFFFFF90];
	_ =	sdelay $0x2  }
0xa3: {  	v7 =	vbroadcast v8, $0x0  }
0xa4: {  	v4 =	vmul.f32 v4, v2;
	v5 =	vmul.f32 v5, v2  }
0xa5: {  	v6 =	vmul.f32 v6, v2;
	v2 =	vmul.f32 v3, v2  }
0xa6: {  	[tilespmem:s13+$0xFFFFFFB0] =	vst v4  }
0xa7: {  	[tilespmem:s13+$0xFFFFFF80] =	vst v5  }
0xa8: {  	[tilespmem:s13+$0xFFFFFF90] =	vst v6;
	v3 =	vld [tilespmem:s13+$0xFFFFFFF0]  }
0xa9: {  	[tilespmem:s13+$0xFFFFFFA0] =	vst v2;
	v2 =	vld [tilespmem:s13+$0xFFFFFFD0]  }
0xaa: {  	v4 =	vld.idx.msk [tilespmem:v7+s20+$0x0], $0xffff  }
0xab: {  	v5 =	vld [tilespmem:s13+$0xFFFFFFC0]  }
0xac: {  	v6 =	vld [tilespmem:s13+$0xFFFFFFE0];
	_ =	sdelay $0x2  }
0xad: {  	v7 =	vbroadcast v9, $0x0  }
0xae: {  	v2 =	vmul.f32 v2, v4;
	v5 =	vmul.f32 v5, v4  }
0xaf: {  	v3 =	vmul.f32 v3, v4;
	v6 =	vmul.f32 v6, v4  }
0xb0: {  	[tilespmem:s13+$0xFFFFFFC0] =	vst v5  }
0xb1: {  	[tilespmem:s13+$0xFFFFFFF0] =	vst v3  }
0xb2: {  	[tilespmem:s13+$0xFFFFFFD0] =	vst v2;
	v2 =	vld [tilespmem:s13+$0x30]  }
0xb3: {  	[tilespmem:s13+$0xFFFFFFE0] =	vst v6;
	v3 =	vld [tilespmem:s13+$0x0]  }
0xb4: {  	v4 =	vld.idx.msk [tilespmem:v7+s20+$0x0], $0xffff  }
0xb5: {  	v5 =	vld [tilespmem:s13+$0x10]  }
0xb6: {  	v6 =	vld [tilespmem:s13+$0x20];
	_ =	sdelay $0x3  }
.Ltmp2:
0xb7: {  	v7 =	vmul.f32 v3, v4;
	v3 =	vmul.f32 v5, v4;
	(pc) =	sbr.rel @p1 .LBB2_7-.Ltmp2, $4  }
0xb8: {  	v5 =	vmul.f32 v6, v4;
	v4 =	vmul.f32 v2, v4;
	v2 =	vmov s14  }
0xb9: {  	[tilespmem:s13+$0x0] =	vst v7  }
0xba: {  	[tilespmem:s13+$0x30] =	vst v4  }
0xbb: {  	[tilespmem:s13+$0x20] =	vst v5  }
0xbc: {  	_ =	sdelay $0x2  }
0xbd: {  	[tilespmem:s12+$0x10] =	vst v3;
	v3 =	vld [tilespmem:s12+$0x40]  }
0xbe: {  	v2 =	vld.idx.msk [tilespmem:v2+s20+$0x0], $0xffff  }
0xbf: {  	v4 =	vld [tilespmem:s12+$0x70]  }
0xc0: {  	v5 =	vld [tilespmem:s12+$0x50]  }
0xc1: {  	v6 =	vld [tilespmem:s12+$0x60];
	_ =	sdelay $0x1  }
0xc2: {  	v3 =	vmul.f32 v3, v2  }
0xc3: {  	v4 =	vmul.f32 v4, v2  }
0xc4: {  	s7 =	smul.u32 $0x500, s6;
	v5 =	vmul.f32 v5, v2;
	[tilespmem:s12+$0x40] =	vst v3  }
0xc5: {  	v2 =	vmul.f32 v6, v2;
	[tilespmem:s12+$0x70] =	vst v4  }
0xc6: {  	s7 =	sshra.s32 s7, $0x2;
	[tilespmem:s12+$0x50] =	vst v5  }
0xc7: {  	s10 =	sor.u32 @!p0 $0x3, s10;
	s11 =	sadd.s32 $0x50, s11;
	s13 =	sadd.s32 $0x4E20, s7;
	[tilespmem:s12+$0x60] =	vst v2  }
0xc8: {  	[spmem:s3] =	stream.indirect.scatter.add.f32 [tilespmem:s21], [sflag:$0x5], $0x40, s13, s22, $0xb8;
	[tilespmem:$0x1DA60] =	vst v63  }
0xc9: {  	s10 =	simm.s32 @p0 $0x3;
	s12 =	simm.s32 @!p0 $0x8;
	s13 =	sadd.s32 $0x0, s11  }
0xca: {  	s14 =	smul.u32 $0x140, s10;
	_ =	swait.ge @!p0 [sflag:s12], $0x1400;
	v2 =	vmov s13  }
0xcb: {  	[sflag:s12] =	ssyncset.done @!p0 $0x0;
	v2 =	vand.u32 $0xFFFFFFFC, v2  }
0xcc: {  	s14 =	sshra.s32 s14, $0x2;
	[sflag:s12] =	ssyncadd.s32 @!p0 $0xFFFFEC00;
	v2 =	vbroadcast v2, $0x0  }
0xcd: {  	[tilespmem:s29], [sflag:$0x4] =	stream.indirect.gather [hbm4b:s1+s22], $0x40, s14, s22, $0xb8;
	[tilespmem:$0x1DA60] =	vst v63  }
0xce: {  	_ =	swait.ge [sflag:s24], $0x1400  }
0xcf: {  	[sflag:s24] =	ssyncset.done $0x0  }
0xd0: {  	s12 =	simm.s32 $0xFEE0;
	[sflag:s24] =	ssyncadd.s32 $0xFFFFEC00  }
0xd1: {  	v3 =	vld [tilespmem:s12+$0xFFFFFFB0]  }
0xd2: {  	v2 =	vld.idx.msk [tilespmem:v2+s20+$0x0], $0xffff  }
0xd3: {  	v4 =	vld [tilespmem:s12+$0xFFFFFF80]  }
0xd4: {  	s15 =	sadd.s32 $0x1, s13;
	v5 =	vld [tilespmem:s12+$0xFFFFFF90]  }
0xd5: {  	v60 =	vmov s15;
	v7 =	vld [tilespmem:s12+$0xFFFFFFA0]  }
0xd6: {  	v6 =	vand.u32 $0xFFFFFFFD, v60  }
0xd7: {  	v6 =	vbroadcast v6, $0x0;
	v3 =	vmul.f32 v3, v2  }
0xd8: {  	v4 =	vmul.f32 v4, v2  }
0xd9: {  	v5 =	vmul.f32 v5, v2;
	[tilespmem:s12+$0xFFFFFFB0] =	vst v3  }
0xda: {  	v2 =	vmul.f32 v7, v2;
	[tilespmem:s12+$0xFFFFFF80] =	vst v4  }
0xdb: {  	[tilespmem:s12+$0xFFFFFF90] =	vst v5  }
0xdc: {  	[tilespmem:s12+$0xFFFFFFA0] =	vst v2;
	v3 =	vld [tilespmem:s12+$0xFFFFFFC0]  }
0xdd: {  	v2 =	vld.idx.msk [tilespmem:v6+s20+$0x0], $0xffff  }
0xde: {  	v4 =	vld [tilespmem:s12+$0xFFFFFFF0]  }
0xdf: {  	s16 =	sadd.s32 $0x2, s13;
	v5 =	vld [tilespmem:s12+$0xFFFFFFD0]  }
0xe0: {  	v62 =	vmov s16;
	v61 =	vld [tilespmem:s12+$0xFFFFFFE0]  }
0xe1: {  	v7 =	vand.u32 $0xFFFFFFFE, v62  }
0xe2: {  	v7 =	vbroadcast v7, $0x0;
	v3 =	vmul.f32 v3, v2  }
0xe3: {  	v4 =	vmul.f32 v4, v2  }
0xe4: {  	v5 =	vmul.f32 v5, v2;
	[tilespmem:s12+$0xFFFFFFC0] =	vst v3  }
0xe5: {  	v2 =	vmul.f32 v61, v2;
	[tilespmem:s12+$0xFFFFFFF0] =	vst v4  }
0xe6: {  	[tilespmem:s12+$0xFFFFFFD0] =	vst v5  }
0xe7: {  	[tilespmem:s12+$0xFFFFFFE0] =	vst v2;
	v2 =	vld [tilespmem:s12+$0x0]  }
0xe8: {  	v3 =	vld.idx.msk [tilespmem:v7+s20+$0x0], $0xffff  }
0xe9: {  	v4 =	vld [tilespmem:s12+$0x30]  }
0xea: {  	v5 =	vld [tilespmem:s12+$0x20];
	_ =	sdelay $0x1  }
0xeb: {  	v63 =	vld [tilespmem:s12+$0x10]  }
0xec: {  	v2 =	vmul.f32 v2, v3  }
0xed: {  	s17 =	sadd.s32 $0x3, s13;
	v4 =	vmul.f32 v4, v3  }
0xee: {  	v5 =	vmul.f32 v5, v3;
	[tilespmem:s12+$0x0] =	vst v2;
	v2 =	vmov s17  }
0xef: {  	[tilespmem:s12+$0x30] =	vst v4  }
0xf0: {  	s13 =	simm.s32 $0x4;
	s14 =	simm.s32 $0xFEE0;
	v3 =	vmul.f32 v63, v3;
	[tilespmem:s12+$0x20] =	vst v5  }
.LBB2_9:
0xf1: {  	p0 =	slt.u32 s13, $0x4C  }
0xf2: {  	[tilespmem:s12+$0x10] =	vst v3;
	v3 =	vld [tilespmem:s12+$0x70];
	s14 =	sadd.s32 $0x100, s14;
	s15 =	smov.u32 s13;
	s13 =	sadd.s32 $0x4, s13  }
0xf3: {  	v2 =	vld.idx.msk [tilespmem:v2+s20+$0x0], $0xffff  }
0xf4: {  	v4 =	vld [tilespmem:s12+$0x40]  }
0xf5: {  	v5 =	vld [tilespmem:s12+$0x50]  }
0xf6: {  	s15 =	sadd.s32 s11, s15;
	v6 =	vld [tilespmem:s12+$0x60]  }
0xf7: {  	v7 =	vmov s15;
	s16 =	sadd.s32 $0x1, s15;
	s17 =	sadd.s32 $0x2, s15;
	s15 =	sadd.s32 $0x3, s15  }
0xf8: {  	v7 =	vand.u32 $0xFFFFFFFC, v7;
	v8 =	vmov s16;
	v9 =	vmov s17  }
0xf9: {  	v7 =	vbroadcast v7, $0x0;
	v8 =	vand.u32 $0xFFFFFFFD, v8;
	v4 =	vmul.f32 v4, v2  }
0xfa: {  	v9 =	vand.u32 $0xFFFFFFFE, v9;
	v3 =	vmul.f32 v3, v2;
	v5 =	vmul.f32 v5, v2  }
0xfb: {  	[tilespmem:s12+$0x40] =	vst v4;
	v2 =	vmul.f32 v6, v2  }
0xfc: {  	[tilespmem:s12+$0x70] =	vst v3  }
0xfd: {  	v3 =	vld [tilespmem:s14+$0xFFFFFFA0];
	[tilespmem:s12+$0x50] =	vst v5  }
0xfe: {  	v4 =	vld [tilespmem:s14+$0xFFFFFFB0];
	[tilespmem:s12+$0x60] =	vst v2;
	s12 =	smov.u32 s14  }
0xff: {  	v2 =	vld.idx.msk [tilespmem:v7+s20+$0x0], $0xffff  }
0x100: {  	v5 =	vld [tilespmem:s14+$0xFFFFFF80]  }
0x101: {  	v6 =	vld [tilespmem:s14+$0xFFFFFF90];
	_ =	sdelay $0x2  }
0x102: {  	v7 =	vbroadcast v8, $0x0  }
0x103: {  	v4 =	vmul.f32 v4, v2;
	v5 =	vmul.f32 v5, v2  }
0x104: {  	v6 =	vmul.f32 v6, v2;
	v2 =	vmul.f32 v3, v2  }
0x105: {  	[tilespmem:s14+$0xFFFFFFB0] =	vst v4  }
0x106: {  	[tilespmem:s14+$0xFFFFFF80] =	vst v5  }
0x107: {  	[tilespmem:s14+$0xFFFFFF90] =	vst v6;
	v3 =	vld [tilespmem:s14+$0xFFFFFFF0]  }
0x108: {  	[tilespmem:s14+$0xFFFFFFA0] =	vst v2;
	v2 =	vld [tilespmem:s14+$0xFFFFFFD0]  }
0x109: {  	v4 =	vld.idx.msk [tilespmem:v7+s20+$0x0], $0xffff  }
0x10a: {  	v5 =	vld [tilespmem:s14+$0xFFFFFFC0]  }
0x10b: {  	v6 =	vld [tilespmem:s14+$0xFFFFFFE0];
	_ =	sdelay $0x2  }
0x10c: {  	v7 =	vbroadcast v9, $0x0  }
0x10d: {  	v2 =	vmul.f32 v2, v4;
	v5 =	vmul.f32 v5, v4  }
0x10e: {  	v3 =	vmul.f32 v3, v4;
	v6 =	vmul.f32 v6, v4  }
0x10f: {  	[tilespmem:s14+$0xFFFFFFC0] =	vst v5  }
0x110: {  	[tilespmem:s14+$0xFFFFFFF0] =	vst v3  }
0x111: {  	[tilespmem:s14+$0xFFFFFFD0] =	vst v2;
	v2 =	vld [tilespmem:s14+$0x30]  }
0x112: {  	[tilespmem:s14+$0xFFFFFFE0] =	vst v6;
	v3 =	vld [tilespmem:s14+$0x0]  }
0x113: {  	v4 =	vld.idx.msk [tilespmem:v7+s20+$0x0], $0xffff  }
0x114: {  	v5 =	vld [tilespmem:s14+$0x10]  }
0x115: {  	v6 =	vld [tilespmem:s14+$0x20];
	_ =	sdelay $0x3  }
.Ltmp3:
0x116: {  	v7 =	vmul.f32 v3, v4;
	v3 =	vmul.f32 v5, v4;
	(pc) =	sbr.rel @p0 .LBB2_9-.Ltmp3, $4  }
0x117: {  	v5 =	vmul.f32 v6, v4;
	v4 =	vmul.f32 v2, v4;
	v2 =	vmov s15  }
0x118: {  	[tilespmem:s14+$0x0] =	vst v7  }
0x119: {  	[tilespmem:s14+$0x30] =	vst v4  }
0x11a: {  	[tilespmem:s14+$0x20] =	vst v5  }
0x11b: {  	_ =	sdelay $0x2  }
0x11c: {  	[tilespmem:s12+$0x10] =	vst v3;
	v3 =	vld [tilespmem:s12+$0x40]  }
0x11d: {  	v2 =	vld.idx.msk [tilespmem:v2+s20+$0x0], $0xffff  }
0x11e: {  	v4 =	vld [tilespmem:s12+$0x70]  }
0x11f: {  	v5 =	vld [tilespmem:s12+$0x50]  }
0x120: {  	v6 =	vld [tilespmem:s12+$0x60];
	_ =	sdelay $0x1  }
0x121: {  	v3 =	vmul.f32 v3, v2  }
0x122: {  	v4 =	vmul.f32 v4, v2  }
0x123: {  	v5 =	vmul.f32 v5, v2;
	[tilespmem:s12+$0x40] =	vst v3  }
0x124: {  	s9 =	smul.u32 $0x50, s9;
	v2 =	vmul.f32 v6, v2;
	[tilespmem:s12+$0x70] =	vst v4  }
0x125: {  	[tilespmem:s12+$0x50] =	vst v5  }
0x126: {  	s11 =	sadd.s32 $0x4E20, s11;
	s14 =	sadd.s32 $0x0, s9;
	[tilespmem:s12+$0x60] =	vst v2  }
0x127: {  	[spmem:s3] =	stream.indirect.scatter.add.f32 [tilespmem:s23], [sflag:$0x6], $0x40, s11, s22, $0xb8;
	[tilespmem:$0x1DA60] =	vst v63  }
0x128: {  	v2 =	vmov s14;
	_ =	swait.ge [sflag:s30], $0x1400  }
0x129: {  	v2 =	vand.u32 $0xFFFFFFFC, v2;
	[sflag:s30] =	ssyncset.done $0x0  }
0x12a: {  	s15 =	sadd.s32 $0x140, s7;
	v2 =	vbroadcast v2, $0x0;
	[sflag:s30] =	ssyncadd.s32 $0xFFFFEC00  }
0x12b: {  	[tilespmem:s21], [sflag:$0x1] =	stream.indirect.gather [hbm4b:s1+s22], $0x40, s15, s22, $0xb8;
	[tilespmem:$0x1DA60] =	vst v63  }
0x12c: {  	_ =	swait.ge [sflag:s28], $0x1400  }
0x12d: {  	[sflag:s28] =	ssyncset.done $0x0  }
0x12e: {  	s11 =	simm.s32 $0x112E0;
	[sflag:s28] =	ssyncadd.s32 $0xFFFFEC00  }
0x12f: {  	v3 =	vld [tilespmem:s11+$0xFFFFFFB0]  }
0x130: {  	v2 =	vld.idx.msk [tilespmem:v2+s20+$0x0], $0xffff  }
0x131: {  	v4 =	vld [tilespmem:s11+$0xFFFFFF80]  }
0x132: {  	s13 =	sadd.s32 $0x1, s14;
	v5 =	vld [tilespmem:s11+$0xFFFFFF90]  }
0x133: {  	v60 =	vmov s13;
	v7 =	vld [tilespmem:s11+$0xFFFFFFA0]  }
0x134: {  	v6 =	vand.u32 $0xFFFFFFFD, v60  }
0x135: {  	v6 =	vbroadcast v6, $0x0;
	v3 =	vmul.f32 v3, v2  }
0x136: {  	v4 =	vmul.f32 v4, v2  }
0x137: {  	v5 =	vmul.f32 v5, v2;
	[tilespmem:s11+$0xFFFFFFB0] =	vst v3  }
0x138: {  	v2 =	vmul.f32 v7, v2;
	[tilespmem:s11+$0xFFFFFF80] =	vst v4  }
0x139: {  	[tilespmem:s11+$0xFFFFFF90] =	vst v5  }
0x13a: {  	[tilespmem:s11+$0xFFFFFFA0] =	vst v2;
	v3 =	vld [tilespmem:s11+$0xFFFFFFC0]  }
0x13b: {  	v2 =	vld.idx.msk [tilespmem:v6+s20+$0x0], $0xffff  }
0x13c: {  	v4 =	vld [tilespmem:s11+$0xFFFFFFF0]  }
0x13d: {  	s16 =	sadd.s32 $0x2, s14;
	v5 =	vld [tilespmem:s11+$0xFFFFFFD0]  }
0x13e: {  	v62 =	vmov s16;
	v61 =	vld [tilespmem:s11+$0xFFFFFFE0]  }
0x13f: {  	v7 =	vand.u32 $0xFFFFFFFE, v62  }
0x140: {  	v7 =	vbroadcast v7, $0x0;
	v3 =	vmul.f32 v3, v2  }
0x141: {  	v4 =	vmul.f32 v4, v2  }
0x142: {  	v5 =	vmul.f32 v5, v2;
	[tilespmem:s11+$0xFFFFFFC0] =	vst v3  }
0x143: {  	v2 =	vmul.f32 v61, v2;
	[tilespmem:s11+$0xFFFFFFF0] =	vst v4  }
0x144: {  	[tilespmem:s11+$0xFFFFFFD0] =	vst v5  }
0x145: {  	[tilespmem:s11+$0xFFFFFFE0] =	vst v2;
	v2 =	vld [tilespmem:s11+$0x0]  }
0x146: {  	v3 =	vld.idx.msk [tilespmem:v7+s20+$0x0], $0xffff  }
0x147: {  	v4 =	vld [tilespmem:s11+$0x30]  }
0x148: {  	v5 =	vld [tilespmem:s11+$0x20];
	_ =	sdelay $0x1  }
0x149: {  	v63 =	vld [tilespmem:s11+$0x10]  }
0x14a: {  	v2 =	vmul.f32 v2, v3  }
0x14b: {  	s17 =	sadd.s32 $0x3, s14;
	v4 =	vmul.f32 v4, v3  }
0x14c: {  	v5 =	vmul.f32 v5, v3;
	[tilespmem:s11+$0x0] =	vst v2;
	v2 =	vmov s17  }
0x14d: {  	[tilespmem:s11+$0x30] =	vst v4  }
0x14e: {  	s13 =	simm.s32 $0x112E0;
	s12 =	simm.s32 $0x4;
	v3 =	vmul.f32 v63, v3;
	[tilespmem:s11+$0x20] =	vst v5  }
.LBB2_11:
0x14f: {  	p0 =	slt.u32 s12, $0x4C  }
0x150: {  	[tilespmem:s11+$0x10] =	vst v3;
	v3 =	vld [tilespmem:s11+$0x70];
	s13 =	sadd.s32 $0x100, s13;
	s14 =	smov.u32 s12;
	s12 =	sadd.s32 $0x4, s12  }
0x151: {  	v2 =	vld.idx.msk [tilespmem:v2+s20+$0x0], $0xffff  }
0x152: {  	v4 =	vld [tilespmem:s11+$0x40]  }
0x153: {  	v5 =	vld [tilespmem:s11+$0x50]  }
0x154: {  	s14 =	sadd.s32 s9, s14;
	v6 =	vld [tilespmem:s11+$0x60]  }
0x155: {  	v7 =	vmov s14;
	s15 =	sadd.s32 $0x1, s14;
	s16 =	sadd.s32 $0x2, s14;
	s14 =	sadd.s32 $0x3, s14  }
0x156: {  	v7 =	vand.u32 $0xFFFFFFFC, v7;
	v8 =	vmov s15;
	v9 =	vmov s16  }
0x157: {  	v7 =	vbroadcast v7, $0x0;
	v8 =	vand.u32 $0xFFFFFFFD, v8;
	v4 =	vmul.f32 v4, v2  }
0x158: {  	v9 =	vand.u32 $0xFFFFFFFE, v9;
	v3 =	vmul.f32 v3, v2;
	v5 =	vmul.f32 v5, v2  }
0x159: {  	[tilespmem:s11+$0x40] =	vst v4;
	v2 =	vmul.f32 v6, v2  }
0x15a: {  	[tilespmem:s11+$0x70] =	vst v3  }
0x15b: {  	v3 =	vld [tilespmem:s13+$0xFFFFFFA0];
	[tilespmem:s11+$0x50] =	vst v5  }
0x15c: {  	v4 =	vld [tilespmem:s13+$0xFFFFFFB0];
	[tilespmem:s11+$0x60] =	vst v2;
	s11 =	smov.u32 s13  }
0x15d: {  	v2 =	vld.idx.msk [tilespmem:v7+s20+$0x0], $0xffff  }
0x15e: {  	v5 =	vld [tilespmem:s13+$0xFFFFFF80]  }
0x15f: {  	v6 =	vld [tilespmem:s13+$0xFFFFFF90];
	_ =	sdelay $0x2  }
0x160: {  	v7 =	vbroadcast v8, $0x0  }
0x161: {  	v4 =	vmul.f32 v4, v2;
	v5 =	vmul.f32 v5, v2  }
0x162: {  	v6 =	vmul.f32 v6, v2;
	v2 =	vmul.f32 v3, v2  }
0x163: {  	[tilespmem:s13+$0xFFFFFFB0] =	vst v4  }
0x164: {  	[tilespmem:s13+$0xFFFFFF80] =	vst v5  }
0x165: {  	[tilespmem:s13+$0xFFFFFF90] =	vst v6;
	v3 =	vld [tilespmem:s13+$0xFFFFFFF0]  }
0x166: {  	[tilespmem:s13+$0xFFFFFFA0] =	vst v2;
	v2 =	vld [tilespmem:s13+$0xFFFFFFD0]  }
0x167: {  	v4 =	vld.idx.msk [tilespmem:v7+s20+$0x0], $0xffff  }
0x168: {  	v5 =	vld [tilespmem:s13+$0xFFFFFFC0]  }
0x169: {  	v6 =	vld [tilespmem:s13+$0xFFFFFFE0];
	_ =	sdelay $0x2  }
0x16a: {  	v7 =	vbroadcast v9, $0x0  }
0x16b: {  	v2 =	vmul.f32 v2, v4;
	v5 =	vmul.f32 v5, v4  }
0x16c: {  	v3 =	vmul.f32 v3, v4;
	v6 =	vmul.f32 v6, v4  }
0x16d: {  	[tilespmem:s13+$0xFFFFFFC0] =	vst v5  }
0x16e: {  	[tilespmem:s13+$0xFFFFFFF0] =	vst v3  }
0x16f: {  	[tilespmem:s13+$0xFFFFFFD0] =	vst v2;
	v2 =	vld [tilespmem:s13+$0x30]  }
0x170: {  	[tilespmem:s13+$0xFFFFFFE0] =	vst v6;
	v3 =	vld [tilespmem:s13+$0x0]  }
0x171: {  	v4 =	vld.idx.msk [tilespmem:v7+s20+$0x0], $0xffff  }
0x172: {  	v5 =	vld [tilespmem:s13+$0x10]  }
0x173: {  	v6 =	vld [tilespmem:s13+$0x20];
	_ =	sdelay $0x3  }
.Ltmp4:
0x174: {  	v7 =	vmul.f32 v3, v4;
	v3 =	vmul.f32 v5, v4;
	(pc) =	sbr.rel @p0 .LBB2_11-.Ltmp4, $4  }
0x175: {  	v5 =	vmul.f32 v6, v4;
	v4 =	vmul.f32 v2, v4;
	v2 =	vmov s14  }
0x176: {  	[tilespmem:s13+$0x0] =	vst v7  }
0x177: {  	[tilespmem:s13+$0x30] =	vst v4  }
0x178: {  	[tilespmem:s13+$0x20] =	vst v5  }
0x179: {  	_ =	sdelay $0x2  }
0x17a: {  	[tilespmem:s11+$0x10] =	vst v3;
	v3 =	vld [tilespmem:s11+$0x40]  }
0x17b: {  	v2 =	vld.idx.msk [tilespmem:v2+s20+$0x0], $0xffff  }
0x17c: {  	v4 =	vld [tilespmem:s11+$0x70]  }
0x17d: {  	v5 =	vld [tilespmem:s11+$0x50]  }
0x17e: {  	v6 =	vld [tilespmem:s11+$0x60];
	_ =	sdelay $0x1  }
0x17f: {  	v3 =	vmul.f32 v3, v2  }
0x180: {  	v4 =	vmul.f32 v4, v2  }
0x181: {  	v5 =	vmul.f32 v5, v2;
	[tilespmem:s11+$0x40] =	vst v3  }
0x182: {  	s14 =	sadd.s32 $0x4E20, s9;
	s9 =	smul.u32 $0x50, s10;
	v2 =	vmul.f32 v6, v2;
	[tilespmem:s11+$0x70] =	vst v4  }
0x183: {  	[tilespmem:s11+$0x50] =	vst v5  }
0x184: {  	s10 =	sadd.s32 $0x0, s9;
	[tilespmem:s11+$0x60] =	vst v2  }
0x185: {  	[spmem:s3] =	stream.indirect.scatter.add.f32 [tilespmem:s25], [sflag:$0x7], $0x40, s14, s22, $0xb8;
	[tilespmem:$0x1DA60] =	vst v63  }
0x186: {  	v2 =	vmov s10;
	_ =	swait.ge [sflag:s31], $0x1400  }
0x187: {  	v2 =	vand.u32 $0xFFFFFFFC, v2;
	[sflag:s31] =	ssyncset.done $0x0  }
0x188: {  	s7 =	sadd.s32 $0x190, s7;
	v2 =	vbroadcast v2, $0x0;
	[sflag:s31] =	ssyncadd.s32 $0xFFFFEC00  }
0x189: {  	[tilespmem:s23], [sflag:$0x2] =	stream.indirect.gather [hbm4b:s1+s22], $0x40, s7, s22, $0xb8;
	[tilespmem:$0x1DA60] =	vst v63  }
0x18a: {  	_ =	swait.ge [sflag:s0], $0x1400  }
0x18b: {  	[sflag:s0] =	ssyncset.done $0x0  }
0x18c: {  	s7 =	simm.s32 $0x126E0;
	[sflag:s0] =	ssyncadd.s32 $0xFFFFEC00  }
0x18d: {  	v3 =	vld [tilespmem:s7+$0xFFFFFFB0]  }
0x18e: {  	v2 =	vld.idx.msk [tilespmem:v2+s20+$0x0], $0xffff  }
0x18f: {  	v4 =	vld [tilespmem:s7+$0xFFFFFF80]  }
0x190: {  	s15 =	sadd.s32 $0x1, s10;
	v5 =	vld [tilespmem:s7+$0xFFFFFF90]  }
0x191: {  	v60 =	vmov s15;
	v7 =	vld [tilespmem:s7+$0xFFFFFFA0]  }
0x192: {  	v6 =	vand.u32 $0xFFFFFFFD, v60  }
0x193: {  	v6 =	vbroadcast v6, $0x0;
	v3 =	vmul.f32 v3, v2  }
0x194: {  	v4 =	vmul.f32 v4, v2  }
0x195: {  	v5 =	vmul.f32 v5, v2;
	[tilespmem:s7+$0xFFFFFFB0] =	vst v3  }
0x196: {  	v2 =	vmul.f32 v7, v2;
	[tilespmem:s7+$0xFFFFFF80] =	vst v4  }
0x197: {  	[tilespmem:s7+$0xFFFFFF90] =	vst v5  }
0x198: {  	[tilespmem:s7+$0xFFFFFFA0] =	vst v2;
	v3 =	vld [tilespmem:s7+$0xFFFFFFC0]  }
0x199: {  	v2 =	vld.idx.msk [tilespmem:v6+s20+$0x0], $0xffff  }
0x19a: {  	v4 =	vld [tilespmem:s7+$0xFFFFFFF0]  }
0x19b: {  	s16 =	sadd.s32 $0x2, s10;
	v5 =	vld [tilespmem:s7+$0xFFFFFFD0]  }
0x19c: {  	v62 =	vmov s16;
	v61 =	vld [tilespmem:s7+$0xFFFFFFE0]  }
0x19d: {  	v7 =	vand.u32 $0xFFFFFFFE, v62  }
0x19e: {  	v7 =	vbroadcast v7, $0x0;
	v3 =	vmul.f32 v3, v2  }
0x19f: {  	v4 =	vmul.f32 v4, v2  }
0x1a0: {  	v5 =	vmul.f32 v5, v2;
	[tilespmem:s7+$0xFFFFFFC0] =	vst v3  }
0x1a1: {  	v2 =	vmul.f32 v61, v2;
	[tilespmem:s7+$0xFFFFFFF0] =	vst v4  }
0x1a2: {  	[tilespmem:s7+$0xFFFFFFD0] =	vst v5  }
0x1a3: {  	[tilespmem:s7+$0xFFFFFFE0] =	vst v2;
	v2 =	vld [tilespmem:s7+$0x0]  }
0x1a4: {  	v3 =	vld.idx.msk [tilespmem:v7+s20+$0x0], $0xffff  }
0x1a5: {  	v4 =	vld [tilespmem:s7+$0x30]  }
0x1a6: {  	v5 =	vld [tilespmem:s7+$0x20];
	_ =	sdelay $0x1  }
0x1a7: {  	v63 =	vld [tilespmem:s7+$0x10]  }
0x1a8: {  	v2 =	vmul.f32 v2, v3  }
0x1a9: {  	s17 =	sadd.s32 $0x3, s10;
	v4 =	vmul.f32 v4, v3  }
0x1aa: {  	v5 =	vmul.f32 v5, v3;
	[tilespmem:s7+$0x0] =	vst v2;
	v2 =	vmov s17  }
0x1ab: {  	[tilespmem:s7+$0x30] =	vst v4  }
0x1ac: {  	s10 =	simm.s32 $0x4;
	s11 =	simm.s32 $0x126E0;
	v3 =	vmul.f32 v63, v3;
	[tilespmem:s7+$0x20] =	vst v5  }
.LBB2_13:
0x1ad: {  	p0 =	slt.u32 s10, $0x4C  }
0x1ae: {  	[tilespmem:s7+$0x10] =	vst v3;
	v3 =	vld [tilespmem:s7+$0x70];
	s11 =	sadd.s32 $0x100, s11;
	s12 =	smov.u32 s10;
	s10 =	sadd.s32 $0x4, s10  }
0x1af: {  	v2 =	vld.idx.msk [tilespmem:v2+s20+$0x0], $0xffff  }
0x1b0: {  	v4 =	vld [tilespmem:s7+$0x40]  }
0x1b1: {  	v5 =	vld [tilespmem:s7+$0x50]  }
0x1b2: {  	s12 =	sadd.s32 s9, s12;
	v6 =	vld [tilespmem:s7+$0x60]  }
0x1b3: {  	v7 =	vmov s12;
	s13 =	sadd.s32 $0x1, s12;
	s14 =	sadd.s32 $0x2, s12;
	s12 =	sadd.s32 $0x3, s12  }
0x1b4: {  	v7 =	vand.u32 $0xFFFFFFFC, v7;
	v8 =	vmov s13;
	v9 =	vmov s14  }
0x1b5: {  	v7 =	vbroadcast v7, $0x0;
	v8 =	vand.u32 $0xFFFFFFFD, v8;
	v4 =	vmul.f32 v4, v2  }
0x1b6: {  	v9 =	vand.u32 $0xFFFFFFFE, v9;
	v3 =	vmul.f32 v3, v2;
	v5 =	vmul.f32 v5, v2  }
0x1b7: {  	[tilespmem:s7+$0x40] =	vst v4;
	v2 =	vmul.f32 v6, v2  }
0x1b8: {  	[tilespmem:s7+$0x70] =	vst v3  }
0x1b9: {  	v3 =	vld [tilespmem:s11+$0xFFFFFFA0];
	[tilespmem:s7+$0x50] =	vst v5  }
0x1ba: {  	v4 =	vld [tilespmem:s11+$0xFFFFFFB0];
	[tilespmem:s7+$0x60] =	vst v2;
	s7 =	smov.u32 s11  }
0x1bb: {  	v2 =	vld.idx.msk [tilespmem:v7+s20+$0x0], $0xffff  }
0x1bc: {  	v5 =	vld [tilespmem:s11+$0xFFFFFF80]  }
0x1bd: {  	v6 =	vld [tilespmem:s11+$0xFFFFFF90];
	_ =	sdelay $0x2  }
0x1be: {  	v7 =	vbroadcast v8, $0x0  }
0x1bf: {  	v4 =	vmul.f32 v4, v2;
	v5 =	vmul.f32 v5, v2  }
0x1c0: {  	v6 =	vmul.f32 v6, v2;
	v2 =	vmul.f32 v3, v2  }
0x1c1: {  	[tilespmem:s11+$0xFFFFFFB0] =	vst v4  }
0x1c2: {  	[tilespmem:s11+$0xFFFFFF80] =	vst v5  }
0x1c3: {  	[tilespmem:s11+$0xFFFFFF90] =	vst v6;
	v3 =	vld [tilespmem:s11+$0xFFFFFFF0]  }
0x1c4: {  	[tilespmem:s11+$0xFFFFFFA0] =	vst v2;
	v2 =	vld [tilespmem:s11+$0xFFFFFFD0]  }
0x1c5: {  	v4 =	vld.idx.msk [tilespmem:v7+s20+$0x0], $0xffff  }
0x1c6: {  	v5 =	vld [tilespmem:s11+$0xFFFFFFC0]  }
0x1c7: {  	v6 =	vld [tilespmem:s11+$0xFFFFFFE0];
	_ =	sdelay $0x2  }
0x1c8: {  	v7 =	vbroadcast v9, $0x0  }
0x1c9: {  	v2 =	vmul.f32 v2, v4;
	v5 =	vmul.f32 v5, v4  }
0x1ca: {  	v3 =	vmul.f32 v3, v4;
	v6 =	vmul.f32 v6, v4  }
0x1cb: {  	[tilespmem:s11+$0xFFFFFFC0] =	vst v5  }
0x1cc: {  	[tilespmem:s11+$0xFFFFFFF0] =	vst v3  }
0x1cd: {  	[tilespmem:s11+$0xFFFFFFD0] =	vst v2;
	v2 =	vld [tilespmem:s11+$0x30]  }
0x1ce: {  	[tilespmem:s11+$0xFFFFFFE0] =	vst v6;
	v3 =	vld [tilespmem:s11+$0x0]  }
0x1cf: {  	v4 =	vld.idx.msk [tilespmem:v7+s20+$0x0], $0xffff  }
0x1d0: {  	v5 =	vld [tilespmem:s11+$0x10]  }
0x1d1: {  	v6 =	vld [tilespmem:s11+$0x20];
	_ =	sdelay $0x3  }
.Ltmp5:
0x1d2: {  	v7 =	vmul.f32 v3, v4;
	v3 =	vmul.f32 v5, v4;
	(pc) =	sbr.rel @p0 .LBB2_13-.Ltmp5, $4  }
0x1d3: {  	v5 =	vmul.f32 v6, v4;
	v4 =	vmul.f32 v2, v4;
	v2 =	vmov s12  }
0x1d4: {  	[tilespmem:s11+$0x0] =	vst v7  }
0x1d5: {  	[tilespmem:s11+$0x30] =	vst v4  }
0x1d6: {  	[tilespmem:s11+$0x20] =	vst v5  }
0x1d7: {  	_ =	sdelay $0x2  }
0x1d8: {  	[tilespmem:s7+$0x10] =	vst v3;
	v3 =	vld [tilespmem:s7+$0x40]  }
0x1d9: {  	v2 =	vld.idx.msk [tilespmem:v2+s20+$0x0], $0xffff  }
0x1da: {  	v4 =	vld [tilespmem:s7+$0x70]  }
0x1db: {  	v5 =	vld [tilespmem:s7+$0x50]  }
0x1dc: {  	v6 =	vld [tilespmem:s7+$0x60];
	_ =	sdelay $0x1  }
0x1dd: {  	s6 =	sadd.s32 $0x1, s6;
	v3 =	vmul.f32 v3, v2  }
0x1de: {  	p0 =	sne.s32 s6, $0x3E;
	v4 =	vmul.f32 v4, v2  }
.Ltmp6:
0x1df: {  	v5 =	vmul.f32 v5, v2;
	[tilespmem:s7+$0x40] =	vst v3;
	(pc) =	sbr.rel @p0 .LBB2_6-.Ltmp6, $4  }
0x1e0: {  	v2 =	vmul.f32 v6, v2;
	[tilespmem:s7+$0x70] =	vst v4  }
0x1e1: {  	[tilespmem:s7+$0x50] =	vst v5  }
0x1e2: {  	s17 =	sadd.s32 $0x4E20, s9;
	[tilespmem:s7+$0x60] =	vst v2  }
0x1e3: {  	[spmem:s3] =	stream.indirect.scatter.add.f32 [tilespmem:s29], [sflag:$0x8], $0x40, s17, s22, $0xb8;
	[tilespmem:$0x1DA60] =	vst v63  }
0x1e4: {  	s6 =	simm.s32 $0x0  }
0x1e5: {  	v2 =	vmov s6  }
0x1e6: {  	v2 =	vadd.s32 $0x4D80, v2  }
0x1e7: {  	_ =	swait.ge [sflag:s19], $0x1400;
	v2 =	vand.u32 $0xFFFFFFFC, v2  }
0x1e8: {  	[sflag:s19] =	ssyncset.done $0x0;
	v2 =	vbroadcast v2, $0x0  }
0x1e9: {  	[sflag:s19] =	ssyncadd.s32 $0xFFFFEC00  }
0x1ea: {  	_ =	swait.ge [sflag:s26], $0x1400  }
0x1eb: {  	[sflag:s26] =	ssyncset.done $0x0  }
0x1ec: {  	s6 =	simm.s32 $0xEAE0;
	[sflag:s26] =	ssyncadd.s32 $0xFFFFEC00  }
0x1ed: {  	v3 =	vld [tilespmem:s6+$0xFFFFFF80]  }
0x1ee: {  	v2 =	vld.idx.msk [tilespmem:v2+s20+$0x0], $0xffff  }
0x1ef: {  	s7 =	simm.s32 $0x1;
	v4 =	vld [tilespmem:s6+$0xFFFFFF90]  }
0x1f0: {  	v6 =	vmov s7;
	v5 =	vld [tilespmem:s6+$0xFFFFFFB0]  }
0x1f1: {  	v6 =	vadd.s32 $0x4D80, v6;
	v7 =	vld [tilespmem:s6+$0xFFFFFFA0]  }
0x1f2: {  	v6 =	vand.u32 $0xFFFFFFFD, v6  }
0x1f3: {  	v6 =	vbroadcast v6, $0x0;
	v3 =	vmul.f32 v3, v2  }
0x1f4: {  	v4 =	vmul.f32 v4, v2  }
0x1f5: {  	v5 =	vmul.f32 v5, v2;
	[tilespmem:s6+$0xFFFFFF80] =	vst v3  }
0x1f6: {  	v2 =	vmul.f32 v7, v2;
	[tilespmem:s6+$0xFFFFFF90] =	vst v4  }
0x1f7: {  	[tilespmem:s6+$0xFFFFFFB0] =	vst v5  }
0x1f8: {  	[tilespmem:s6+$0xFFFFFFA0] =	vst v2;
	v3 =	vld [tilespmem:s6+$0xFFFFFFC0]  }
0x1f9: {  	v2 =	vld.idx.msk [tilespmem:v6+s20+$0x0], $0xffff  }
0x1fa: {  	s16 =	simm.s32 $0x2;
	v4 =	vld [tilespmem:s6+$0xFFFFFFD0]  }
0x1fb: {  	v5 =	vld [tilespmem:s6+$0xFFFFFFE0];
	v6 =	vmov s16  }
0x1fc: {  	v7 =	vld [tilespmem:s6+$0xFFFFFFF0];
	v6 =	vadd.s32 $0x4D80, v6  }
0x1fd: {  	v6 =	vand.u32 $0xFFFFFFFE, v6  }
0x1fe: {  	v6 =	vbroadcast v6, $0x0;
	v3 =	vmul.f32 v3, v2  }
0x1ff: {  	v4 =	vmul.f32 v4, v2  }
0x200: {  	v5 =	vmul.f32 v5, v2;
	[tilespmem:s6+$0xFFFFFFC0] =	vst v3  }
0x201: {  	v2 =	vmul.f32 v7, v2;
	[tilespmem:s6+$0xFFFFFFD0] =	vst v4  }
0x202: {  	[tilespmem:s6+$0xFFFFFFE0] =	vst v5  }
0x203: {  	v3 =	vld [tilespmem:s6+$0x0];
	[tilespmem:s6+$0xFFFFFFF0] =	vst v2  }
0x204: {  	v2 =	vld.idx.msk [tilespmem:v6+s20+$0x0], $0xffff  }
0x205: {  	v4 =	vld [tilespmem:s6+$0x20]  }
0x206: {  	s17 =	simm.s32 $0x3;
	v6 =	vld [tilespmem:s6+$0x10]  }
0x207: {  	v5 =	vmov s17  }
0x208: {  	v8 =	vadd.s32 $0x4D80, v5;
	v5 =	vld [tilespmem:s6+$0x30]  }
0x209: {  	s9 =	simm.s32 $0x4;
	s7 =	simm.s32 $0xEAE0;
	v7 =	vmul.f32 v3, v2;
	v3 =	vbroadcast v8, $0x0  }
.LBB2_16:
0x20a: {  	p0 =	slt.u32 s9, $0x4C  }
0x20b: {  	v6 =	vmul.f32 v6, v2;
	v4 =	vmul.f32 v4, v2;
	s6 =	sadd.s32 $0x100, s6;
	s10 =	smov.u32 s9;
	s9 =	sadd.s32 $0x4, s9  }
0x20c: {  	[tilespmem:s7+$0x0] =	vst v7  }
0x20d: {  	v2 =	vmul.f32 v5, v2;
	[tilespmem:s7+$0x10] =	vst v6  }
0x20e: {  	[tilespmem:s7+$0x20] =	vst v4;
	v4 =	vld [tilespmem:s7+$0x70]  }
0x20f: {  	v5 =	vmov s10;
	[tilespmem:s7+$0x30] =	vst v2;
	v2 =	vld [tilespmem:s7+$0x40]  }
0x210: {  	v5 =	vadd.s32 $0x4D80, v5;
	v3 =	vld.idx.msk [tilespmem:v3+s20+$0x0], $0xffff  }
0x211: {  	v5 =	vand.u32 $0xFFFFFFFC, v5;
	v6 =	vld [tilespmem:s7+$0x50]  }
0x212: {  	v5 =	vbroadcast v5, $0x0;
	v7 =	vld [tilespmem:s7+$0x60];
	_ =	sdelay $0x3  }
0x213: {  	v2 =	vmul.f32 v2, v3;
	v8 =	vld [tilespmem:s6+$0xFFFFFFA0];
	v6 =	vmul.f32 v6, v3  }
0x214: {  	v9 =	vld [tilespmem:s6+$0xFFFFFFB0];
	v7 =	vmul.f32 v7, v3;
	v3 =	vmul.f32 v4, v3  }
0x215: {  	[tilespmem:s7+$0x40] =	vst v2  }
0x216: {  	[tilespmem:s7+$0x60] =	vst v7  }
0x217: {  	s11 =	sadd.s32 $0x1, s10;
	[tilespmem:s7+$0x70] =	vst v3  }
0x218: {  	v2 =	vmov s11;
	[tilespmem:s7+$0x50] =	vst v6;
	s7 =	smov.u32 s6  }
0x219: {  	v2 =	vadd.s32 $0x4D80, v2;
	v3 =	vld.idx.msk [tilespmem:v5+s20+$0x0], $0xffff  }
0x21a: {  	v2 =	vand.u32 $0xFFFFFFFD, v2;
	v4 =	vld [tilespmem:s6+$0xFFFFFF80]  }
0x21b: {  	v2 =	vbroadcast v2, $0x0;
	v5 =	vld [tilespmem:s6+$0xFFFFFF90];
	_ =	sdelay $0x3  }
0x21c: {  	v6 =	vmul.f32 v9, v3;
	v4 =	vmul.f32 v4, v3  }
0x21d: {  	v5 =	vmul.f32 v5, v3;
	v3 =	vmul.f32 v8, v3  }
0x21e: {  	[tilespmem:s6+$0xFFFFFF80] =	vst v4  }
0x21f: {  	[tilespmem:s6+$0xFFFFFF90] =	vst v5  }
0x220: {  	[tilespmem:s6+$0xFFFFFFB0] =	vst v6  }
0x221: {  	[tilespmem:s6+$0xFFFFFFA0] =	vst v3;
	v3 =	vld [tilespmem:s6+$0xFFFFFFE0]  }
0x222: {  	v2 =	vld.idx.msk [tilespmem:v2+s20+$0x0], $0xffff  }
0x223: {  	v4 =	vld [tilespmem:s6+$0xFFFFFFC0]  }
0x224: {  	s11 =	sadd.s32 $0x2, s10;
	v5 =	vld [tilespmem:s6+$0xFFFFFFD0]  }
0x225: {  	v6 =	vmov s11  }
0x226: {  	v6 =	vadd.s32 $0x4D80, v6;
	v7 =	vld [tilespmem:s6+$0xFFFFFFF0]  }
0x227: {  	v6 =	vand.u32 $0xFFFFFFFE, v6  }
0x228: {  	v6 =	vbroadcast v6, $0x0;
	v4 =	vmul.f32 v4, v2  }
0x229: {  	v3 =	vmul.f32 v3, v2;
	v5 =	vmul.f32 v5, v2  }
0x22a: {  	[tilespmem:s6+$0xFFFFFFC0] =	vst v4  }
0x22b: {  	[tilespmem:s6+$0xFFFFFFD0] =	vst v5;
	v2 =	vmul.f32 v7, v2  }
0x22c: {  	[tilespmem:s6+$0xFFFFFFE0] =	vst v3;
	v3 =	vld [tilespmem:s6+$0x0]  }
0x22d: {  	[tilespmem:s6+$0xFFFFFFF0] =	vst v2;
	v4 =	vld [tilespmem:s6+$0x20]  }
0x22e: {  	v2 =	vld.idx.msk [tilespmem:v6+s20+$0x0], $0xffff  }
0x22f: {  	v6 =	vld [tilespmem:s6+$0x10]  }
.Ltmp7:
0x230: {  	v5 =	vld [tilespmem:s6+$0x30];
	(pc) =	sbr.rel @p0 .LBB2_16-.Ltmp7, $4  }
0x231: {  	s10 =	sadd.s32 $0x3, s10  }
0x232: {  	v7 =	vmov s10  }
0x233: {  	v8 =	vadd.s32 $0x4D80, v7  }
0x234: {  	v7 =	vmul.f32 v3, v2;
	v3 =	vbroadcast v8, $0x0  }
0x235: {  	v6 =	vmul.f32 v6, v2  }
0x236: {  	v4 =	vmul.f32 v4, v2;
	[tilespmem:s7+$0x0] =	vst v7  }
0x237: {  	v2 =	vmul.f32 v5, v2;
	[tilespmem:s7+$0x10] =	vst v6  }
0x238: {  	[tilespmem:s7+$0x20] =	vst v4  }
0x239: {  	[tilespmem:s7+$0x30] =	vst v2;
	v2 =	vld [tilespmem:s7+$0x40]  }
0x23a: {  	v3 =	vld.idx.msk [tilespmem:v3+s20+$0x0], $0xffff  }
0x23b: {  	v4 =	vld [tilespmem:s7+$0x60]  }
0x23c: {  	v5 =	vld [tilespmem:s7+$0x70]  }
0x23d: {  	v6 =	vld [tilespmem:s7+$0x50];
	_ =	sdelay $0x1  }
0x23e: {  	v2 =	vmul.f32 v2, v3  }
0x23f: {  	v4 =	vmul.f32 v4, v3  }
0x240: {  	v5 =	vmul.f32 v5, v3;
	[tilespmem:s7+$0x40] =	vst v2  }
0x241: {  	s6 =	simm.s32 $0x0;
	v2 =	vmul.f32 v6, v3;
	[tilespmem:s7+$0x60] =	vst v4  }
0x242: {  	[tilespmem:s7+$0x70] =	vst v5;
	v3 =	vmov s6  }
0x243: {  	s14 =	simm.s32 $0x9BA0;
	[tilespmem:s7+$0x50] =	vst v2;
	v2 =	vadd.s32 $0x4DD0, v3  }
0x244: {  	[spmem:s3] =	stream.indirect.scatter.add.f32 [tilespmem:s21], [sflag:$0x5], $0x40, s14, s22, $0xb8;
	v2 =	vand.u32 $0xFFFFFFFC, v2;
	[tilespmem:$0x1DA60] =	vst v63  }
0x245: {  	_ =	swait.ge [sflag:s2], $0x1400;
	v2 =	vbroadcast v2, $0x0  }
0x246: {  	[sflag:s2] =	ssyncset.done $0x0  }
0x247: {  	[sflag:s2] =	ssyncadd.s32 $0xFFFFEC00  }
0x248: {  	_ =	swait.ge [sflag:s24], $0x1400  }
0x249: {  	[sflag:s24] =	ssyncset.done $0x0  }
0x24a: {  	[sflag:s24] =	ssyncadd.s32 $0xFFFFEC00  }
0x24b: {  	s6 =	simm.s32 $0xFEE0;
	v2 =	vld.idx.msk [tilespmem:v2+s20+$0x0], $0xffff  }
0x24c: {  	v3 =	vld [tilespmem:s6+$0xFFFFFF80]  }
0x24d: {  	s15 =	simm.s32 $0x1;
	v4 =	vld [tilespmem:s6+$0xFFFFFF90]  }
0x24e: {  	v6 =	vmov s15;
	v5 =	vld [tilespmem:s6+$0xFFFFFFB0]  }
0x24f: {  	v6 =	vadd.s32 $0x4DD0, v6;
	v7 =	vld [tilespmem:s6+$0xFFFFFFA0]  }
0x250: {  	v6 =	vand.u32 $0xFFFFFFFD, v6  }
0x251: {  	v6 =	vbroadcast v6, $0x0;
	v3 =	vmul.f32 v3, v2  }
0x252: {  	v4 =	vmul.f32 v4, v2  }
0x253: {  	v5 =	vmul.f32 v5, v2;
	[tilespmem:s6+$0xFFFFFF80] =	vst v3  }
0x254: {  	v2 =	vmul.f32 v7, v2;
	[tilespmem:s6+$0xFFFFFF90] =	vst v4  }
0x255: {  	[tilespmem:s6+$0xFFFFFFB0] =	vst v5  }
0x256: {  	[tilespmem:s6+$0xFFFFFFA0] =	vst v2;
	v3 =	vld [tilespmem:s6+$0xFFFFFFC0]  }
0x257: {  	v2 =	vld.idx.msk [tilespmem:v6+s20+$0x0], $0xffff  }
0x258: {  	s16 =	simm.s32 $0x2;
	v4 =	vld [tilespmem:s6+$0xFFFFFFD0]  }
0x259: {  	v5 =	vld [tilespmem:s6+$0xFFFFFFE0];
	v6 =	vmov s16  }
0x25a: {  	v7 =	vld [tilespmem:s6+$0xFFFFFFF0];
	v6 =	vadd.s32 $0x4DD0, v6  }
0x25b: {  	v6 =	vand.u32 $0xFFFFFFFE, v6  }
0x25c: {  	v6 =	vbroadcast v6, $0x0;
	v3 =	vmul.f32 v3, v2  }
0x25d: {  	v4 =	vmul.f32 v4, v2  }
0x25e: {  	v5 =	vmul.f32 v5, v2;
	[tilespmem:s6+$0xFFFFFFC0] =	vst v3  }
0x25f: {  	v2 =	vmul.f32 v7, v2;
	[tilespmem:s6+$0xFFFFFFD0] =	vst v4  }
0x260: {  	[tilespmem:s6+$0xFFFFFFE0] =	vst v5  }
0x261: {  	v3 =	vld [tilespmem:s6+$0x0];
	[tilespmem:s6+$0xFFFFFFF0] =	vst v2  }
0x262: {  	v2 =	vld.idx.msk [tilespmem:v6+s20+$0x0], $0xffff  }
0x263: {  	v4 =	vld [tilespmem:s6+$0x20]  }
0x264: {  	s17 =	simm.s32 $0x3;
	v6 =	vld [tilespmem:s6+$0x10]  }
0x265: {  	v5 =	vmov s17  }
0x266: {  	v8 =	vadd.s32 $0x4DD0, v5;
	v5 =	vld [tilespmem:s6+$0x30]  }
0x267: {  	s9 =	simm.s32 $0x4;
	s7 =	simm.s32 $0xFEE0;
	v7 =	vmul.f32 v3, v2;
	v3 =	vbroadcast v8, $0x0  }
.LBB2_18:
0x268: {  	p0 =	slt.u32 s9, $0x4C  }
0x269: {  	v6 =	vmul.f32 v6, v2;
	v4 =	vmul.f32 v4, v2;
	s6 =	sadd.s32 $0x100, s6;
	s10 =	smov.u32 s9;
	s9 =	sadd.s32 $0x4, s9  }
0x26a: {  	[tilespmem:s7+$0x0] =	vst v7  }
0x26b: {  	v2 =	vmul.f32 v5, v2;
	[tilespmem:s7+$0x10] =	vst v6  }
0x26c: {  	[tilespmem:s7+$0x20] =	vst v4;
	v4 =	vld [tilespmem:s7+$0x70]  }
0x26d: {  	v5 =	vmov s10;
	[tilespmem:s7+$0x30] =	vst v2;
	v2 =	vld [tilespmem:s7+$0x40]  }
0x26e: {  	v5 =	vadd.s32 $0x4DD0, v5;
	v3 =	vld.idx.msk [tilespmem:v3+s20+$0x0], $0xffff  }
0x26f: {  	v5 =	vand.u32 $0xFFFFFFFC, v5;
	v6 =	vld [tilespmem:s7+$0x50]  }
0x270: {  	v5 =	vbroadcast v5, $0x0;
	v7 =	vld [tilespmem:s7+$0x60];
	_ =	sdelay $0x3  }
0x271: {  	v2 =	vmul.f32 v2, v3;
	v8 =	vld [tilespmem:s6+$0xFFFFFFA0];
	v6 =	vmul.f32 v6, v3  }
0x272: {  	v9 =	vld [tilespmem:s6+$0xFFFFFFB0];
	v7 =	vmul.f32 v7, v3;
	v3 =	vmul.f32 v4, v3  }
0x273: {  	[tilespmem:s7+$0x40] =	vst v2  }
0x274: {  	[tilespmem:s7+$0x60] =	vst v7  }
0x275: {  	s11 =	sadd.s32 $0x1, s10;
	[tilespmem:s7+$0x70] =	vst v3  }
0x276: {  	v2 =	vmov s11;
	[tilespmem:s7+$0x50] =	vst v6;
	s7 =	smov.u32 s6  }
0x277: {  	v2 =	vadd.s32 $0x4DD0, v2;
	v3 =	vld.idx.msk [tilespmem:v5+s20+$0x0], $0xffff  }
0x278: {  	v2 =	vand.u32 $0xFFFFFFFD, v2;
	v4 =	vld [tilespmem:s6+$0xFFFFFF80]  }
0x279: {  	v2 =	vbroadcast v2, $0x0;
	v5 =	vld [tilespmem:s6+$0xFFFFFF90];
	_ =	sdelay $0x3  }
0x27a: {  	v6 =	vmul.f32 v9, v3;
	v4 =	vmul.f32 v4, v3  }
0x27b: {  	v5 =	vmul.f32 v5, v3;
	v3 =	vmul.f32 v8, v3  }
0x27c: {  	[tilespmem:s6+$0xFFFFFF80] =	vst v4  }
0x27d: {  	[tilespmem:s6+$0xFFFFFF90] =	vst v5  }
0x27e: {  	[tilespmem:s6+$0xFFFFFFB0] =	vst v6  }
0x27f: {  	[tilespmem:s6+$0xFFFFFFA0] =	vst v3;
	v3 =	vld [tilespmem:s6+$0xFFFFFFE0]  }
0x280: {  	v2 =	vld.idx.msk [tilespmem:v2+s20+$0x0], $0xffff  }
0x281: {  	v4 =	vld [tilespmem:s6+$0xFFFFFFC0]  }
0x282: {  	s11 =	sadd.s32 $0x2, s10;
	v5 =	vld [tilespmem:s6+$0xFFFFFFD0]  }
0x283: {  	v6 =	vmov s11  }
0x284: {  	v6 =	vadd.s32 $0x4DD0, v6;
	v7 =	vld [tilespmem:s6+$0xFFFFFFF0]  }
0x285: {  	v6 =	vand.u32 $0xFFFFFFFE, v6  }
0x286: {  	v6 =	vbroadcast v6, $0x0;
	v4 =	vmul.f32 v4, v2  }
0x287: {  	v3 =	vmul.f32 v3, v2;
	v5 =	vmul.f32 v5, v2  }
0x288: {  	[tilespmem:s6+$0xFFFFFFC0] =	vst v4  }
0x289: {  	[tilespmem:s6+$0xFFFFFFD0] =	vst v5;
	v2 =	vmul.f32 v7, v2  }
0x28a: {  	[tilespmem:s6+$0xFFFFFFE0] =	vst v3;
	v3 =	vld [tilespmem:s6+$0x0]  }
0x28b: {  	[tilespmem:s6+$0xFFFFFFF0] =	vst v2;
	v4 =	vld [tilespmem:s6+$0x20]  }
0x28c: {  	v2 =	vld.idx.msk [tilespmem:v6+s20+$0x0], $0xffff  }
0x28d: {  	v6 =	vld [tilespmem:s6+$0x10]  }
.Ltmp8:
0x28e: {  	v5 =	vld [tilespmem:s6+$0x30];
	(pc) =	sbr.rel @p0 .LBB2_18-.Ltmp8, $4  }
0x28f: {  	s10 =	sadd.s32 $0x3, s10  }
0x290: {  	v7 =	vmov s10  }
0x291: {  	v8 =	vadd.s32 $0x4DD0, v7  }
0x292: {  	v7 =	vmul.f32 v3, v2;
	v3 =	vbroadcast v8, $0x0  }
0x293: {  	v6 =	vmul.f32 v6, v2  }
0x294: {  	v4 =	vmul.f32 v4, v2;
	[tilespmem:s7+$0x0] =	vst v7  }
0x295: {  	v2 =	vmul.f32 v5, v2;
	[tilespmem:s7+$0x10] =	vst v6  }
0x296: {  	[tilespmem:s7+$0x20] =	vst v4  }
0x297: {  	[tilespmem:s7+$0x30] =	vst v2;
	v2 =	vld [tilespmem:s7+$0x40]  }
0x298: {  	v3 =	vld.idx.msk [tilespmem:v3+s20+$0x0], $0xffff  }
0x299: {  	v61 =	vld [tilespmem:s7+$0x60]  }
0x29a: {  	v62 =	vld [tilespmem:s7+$0x70]  }
0x29b: {  	v63 =	vld [tilespmem:s7+$0x50];
	_ =	sdelay $0x1  }
0x29c: {  	v2 =	vmul.f32 v2, v3  }
0x29d: {  	v4 =	vmul.f32 v61, v3  }
0x29e: {  	v5 =	vmul.f32 v62, v3;
	[tilespmem:s7+$0x40] =	vst v2  }
0x29f: {  	v2 =	vmul.f32 v63, v3;
	[tilespmem:s7+$0x60] =	vst v4  }
0x2a0: {  	[tilespmem:s7+$0x70] =	vst v5  }
0x2a1: {  	s6 =	simm.s32 $0x9BF0;
	[tilespmem:s7+$0x50] =	vst v2  }
0x2a2: {  	[spmem:s3] =	stream.indirect.scatter.add.f32 [tilespmem:s23], [sflag:$0x6], $0x40, s6, s22, $0xb8;
	[tilespmem:$0x1DA60] =	vst v63  }
0x2a3: {  	_ =	swait.ge [sflag:s30], $0x1400  }
0x2a4: {  	[sflag:s30] =	ssyncset.done $0x0  }
0x2a5: {  	[sflag:s30] =	ssyncadd.s32 $0xFFFFEC00  }
0x2a6: {  	_ =	swait.ge [sflag:s31], $0x1400  }
0x2a7: {  	[sflag:s31] =	ssyncset.done $0x0  }
0x2a8: {  	s15 =	stileid.u32;
	[sflag:s31] =	ssyncadd.s32 $0xFFFFEC00  }
0x2a9: {  	s6 =	sshll.u32 s15, $0x6;
	[bflag:$0x0] =	sbarrier.arrive $0xFFFF  }
0x2aa: {  	s16 =	sshrl.u32 s8, $0x3;
	s6 =	sor.u32 $0x1C09, s6;
	s9 =	rddreg [dreg:$0x10]  }
0x2ab: {  	[hbm:s9], [sflag:s6] =	dma.local [spmem:s16], $0x1400  }
0x2ac: {  	_ =	swait.ge [sflag:s18], $0x1400  }
0x2ad: {  	s5 =	sadd.s32 $0x1, s5;
	s17 =	rddreg [dreg:$0x11]  }
0x2ae: {  	p0 =	sne.s32 s5, s17  }
.Ltmp9:
0x2af: {  	_ = 	snop;
	(pc) =	sbr.rel @p0 .LBB2_1-.Ltmp9, $3  }
0x2b0: {  	_ =	sdelay $0x1  }
0x2b1: {  	[sflag:s18] =	ssyncset.done $0x0  }
0x2b2: {  	[sflag:s18] =	ssyncadd.s32 $0xFFFFEC00  }
0x2b3: {  	_ =	sfence.sel $0x180000  }
0x2b4: {  	[bflag:$0x0] =	sbarrier.arrive $0xFFFF  }
0x2b5: {  	_ =	strace $0x90000047  }
0x2b6: {  	s0 =	stileid.u32;
	[bflag:$0x2] =	sbarrier.arrive $0xFFFF  }
0x2b7: {  	p0 =	sne.s32 s0, $0x0;
	s0 =	rddreg [dreg:$0x5]  }
0x2b8: {  	s0 =	sadd.s32 @!p0 $0x100000, s0  }
0x2b9: {  	[sflag:s0] =	ssyncadd.tile.s32 @!p0 $0x1;
	_ =	shalt  }
.Lfunc_end2:
_tile_overlayer_lowered:
.L_overlay_start_2:
0x2ba: {  	(tag) =	ssettag $0x2  }
0x2bb: {  	s0 =	rddreg [dreg:$0x0];
	s2 =	stileid.u32  }
0x2bc: {  	s1 =	rddreg [dreg:$0x1];
	p0 =	sne.s32 s2, $0x0  }
0x2bd: {  	s3 =	rddreg [dreg:$0x2];
	[bflag:$0x3] =	sbarrier.arrive $0xFFFF;
	s2 =	simm.s32 @!p0 $0x1C09  }
0x2be: {  	[timem:s3], [sflag:s2] =	dma.local @!p0 [hbm:s0], s1  }
0x2bf: {  	s0 =	simm.s32 @!p0 $0x9  }
0x2c0: {  	_ =	swait.ge @!p0 [sflag:s0], s1  }
0x2c1: {  	s1 =	ssub.s32 @!p0 $0x0, s1;
	[sflag:s0] =	ssyncset.done @!p0 $0x0  }
0x2c2: {  	[sflag:s0] =	ssyncadd.s32 @!p0 s1  }
0x2c3: {  	[bflag:$0x3] =	sbarrier.arrive $0xFFFF  }
0x2c4: {  	_ =	shalt  }

</sc_bundles>
